<compile_context>
chip_gen: v7x
topology: tpu7x:2x2x1
jax: 0.10.2.dev20260603
libtpu: 0.0.44.dev20260713+nightly
codegen_flags: <defaults>
</compile_context>

<pallas_src>
import functools

import jax
import jax.numpy as jnp
from jax import lax
from jax.experimental import pallas as pl
from jax.experimental.pallas import tpu as pltpu
from jax.experimental.pallas import tpu_sc as plsc

NW = 32
S_OUT = 128
CNT_W = 64
BITS_W = 72
TBLK = 50


def _splat(x, val):
    return jnp.full((16,), val, x)


def _make_counts(P, S_IN, IN_DIM, rpw):
    mesh = plsc.VectorSubcoreMesh(core_axis_name="c", subcore_axis_name="s")

    @functools.partial(
        pl.kernel,
        out_type=jax.ShapeDtypeStruct((P, IN_DIM), jnp.float32),
        mesh=mesh,
        scratch_types=[
            pltpu.VMEM((rpw, S_IN), jnp.int32),
            pltpu.VMEM((rpw, IN_DIM), jnp.float32),
            pltpu.SemaphoreType.DMA,
            pltpu.SemaphoreType.DMA,
        ],
        compiler_params=pltpu.CompilerParams(needs_layout_passes=False),
    )
    def counts_kernel(ids_hbm, c_hbm, ids_v, c_v, sem0, sem1):
        w = lax.axis_index("s") * 2 + lax.axis_index("c")
        base = w * rpw
        pltpu.sync_copy(ids_hbm.at[pl.ds(base, rpw)], ids_v)

        zero16 = jnp.zeros((16,), jnp.float32)
        nchunk = IN_DIM // 16
        ones = jnp.ones((16,), jnp.float32)
        sent = _splat(jnp.int32, IN_DIM)
        half = ((rpw // 2 + 7) // 8) * 8

        def pair(p, _):
            for k in range(nchunk):
                c_v[p, pl.ds(16 * k, 16)] = zero16
            for v in range(S_IN // 16):
                idv = ids_v[p, pl.ds(16 * v, 16)]
                m = idv < sent
                plsc.addupdate_scatter(
                    c_v, [_splat(jnp.int32, p), idv], ones, mask=m)
            return 0

        lax.fori_loop(0, half, pair, 0)
        cp0 = pltpu.async_copy(
            c_v.at[pl.ds(0, half)], c_hbm.at[pl.ds(base, half)], sem0)
        lax.fori_loop(half, rpw, pair, 0)
        cp1 = pltpu.async_copy(
            c_v.at[pl.ds(half, rpw - half)],
            c_hbm.at[pl.ds(base + half, rpw - half)], sem1)
        cp0.wait()
        cp1.wait()

    return counts_kernel


def _lif_tc(counts, weights, init_state, decay_2d, thresh_2d, seq, batch,
            p_pad):
    units, in_dim = weights.shape
    grid = seq // TBLK

    def body(c_ref, w_ref, init_ref, d_ref, t_ref, states_ref, bits_ref,
             state_scr, syn_scr, sp_scr):
        g = pl.program_id(0)

        @pl.when(g == 0)
        def _():
            state_scr[...] = init_ref[...]

        syn_scr[...] = lax.dot_general(
            c_ref[...], w_ref[...], (((1,), (1,)), ((), ())),
            preferred_element_type=jnp.float32,
            precision=lax.Precision.DEFAULT)

        d = d_ref[...]
        th = t_ref[...]

        st = state_scr[...]
        for t in range(TBLK):
            syn_t = syn_scr[pl.ds(t * batch, batch), :]
            new = st * d + (1.0 - d) * syn_t
            spike = new > th
            st = jnp.where(spike, 0.0, new)
            states_ref[t] = st
            sp_scr[pl.ds(t * batch, batch), :] = spike.astype(jnp.int32)
        state_scr[...] = st

        sp = sp_scr[...]
        words = jnp.zeros((TBLK * batch, 64), jnp.int32)
        for l in range(16):
            words = words + (sp[:, 64 * l:64 * (l + 1)] << l)
        cnt = jnp.sum(sp, axis=1, keepdims=True)
        blk = jnp.concatenate(
            [words, cnt, jnp.zeros((TBLK * batch, BITS_W - 65), jnp.int32)],
            axis=1)
        bits_ref[...] = blk

    return pl.pallas_call(
        body,
        grid=(grid,),
        in_specs=[
            pl.BlockSpec((TBLK * batch, in_dim), lambda i: (i, 0)),
            pl.BlockSpec((units, in_dim), lambda i: (0, 0)),
            pl.BlockSpec((batch, units), lambda i: (0, 0)),
            pl.BlockSpec((1, units), lambda i: (0, 0)),
            pl.BlockSpec((1, units), lambda i: (0, 0)),
        ],
        out_specs=[
            pl.BlockSpec((TBLK, batch, units), lambda i: (i, 0, 0)),
            pl.BlockSpec((TBLK * batch, BITS_W), lambda i: (i, 0)),
        ],
        out_shape=[
            jax.ShapeDtypeStruct((seq, batch, units), jnp.float32),
            jax.ShapeDtypeStruct((p_pad, BITS_W), jnp.int32),
        ],
        scratch_shapes=[
            pltpu.VMEM((batch, units), jnp.float32),
            pltpu.VMEM((TBLK * batch, in_dim), jnp.float32),
            pltpu.VMEM((TBLK * batch, units), jnp.int32),
        ],
    )(counts, weights, init_state, decay_2d, thresh_2d)


def _make_compact(P, P_real, rpw, wpad):
    full_w = (P_real - 1) // rpw
    tail = P_real - full_w * rpw
    mesh = plsc.VectorSubcoreMesh(core_axis_name="c", subcore_axis_name="s")
    ngrp = (rpw + 15) // 16

    @functools.partial(
        pl.kernel,
        out_type=(
            jax.ShapeDtypeStruct((P_real, S_OUT), jnp.int32),
            jax.ShapeDtypeStruct((NW, wpad), jnp.int32),
        ),
        mesh=mesh,
        scratch_types=[
            pltpu.VMEM((rpw, BITS_W), jnp.int32),
            pltpu.VMEM((wpad,), jnp.int32),
            pltpu.VMEM((rpw, S_OUT), jnp.int32),
            pltpu.VMEM((wpad,), jnp.int32),
        ],
        compiler_params=pltpu.CompilerParams(needs_layout_passes=False),
    )
    def compact_kernel(bits_hbm, cnt_hbm, oids_hbm, n_hbm, bits_v, cnt_v,
                       oid_v, n_v):
        w = lax.axis_index("s") * 2 + lax.axis_index("c")
        base = w * rpw
        pltpu.sync_copy(bits_hbm.at[pl.ds(base, rpw)], bits_v)
        pltpu.sync_copy(cnt_hbm.at[w], cnt_v)

        zero16 = jnp.zeros((16,), jnp.int32)
        nchunk = S_OUT // 16

        def zbody(i, _):
            for k in range(nchunk):
                oid_v[i, pl.ds(16 * k, 16)] = zero16
            return 0

        lax.fori_loop(0, rpw, zbody, 0)

        iota = lax.broadcasted_iota(jnp.int32, (16,), 0)

        def row_compact(row, _):
            def lbody(l, cnt):
                for q in range(4):
                    wv = bits_v[row, pl.ds(16 * q, 16)]
                    mb = lax.shift_right_logical(wv, _splat(jnp.int32, l)) & 1
                    m = mb > 0
                    incl = plsc.cumsum(mb)
                    pos = cnt + incl - 1
                    idsv = 64 * l + 16 * q + iota
                    sm = m & (pos < S_OUT)
                    plsc.store_scatter(
                        oid_v, [_splat(jnp.int32, row), pos], idsv, mask=sm)
                    cnt = cnt + jnp.max(incl)
                return cnt

            lax.fori_loop(0, 16, lbody, jnp.int32(0))
            return 0

        def grp(gi, _):
            rows = gi * 16 + iota
            cnts = cnt_v[pl.ds(gi * 16, 16)]
            cnts = jnp.where((rows < rpw) & (base + rows < P_real), cnts, 0)
            n_v[pl.ds(gi * 16, 16)] = jnp.minimum(cnts, S_OUT)
            any_ = jnp.max(cnts)

            @pl.when(any_ > 0)
            def _():
                def dorow(r, _):
                    row = gi * 16 + r
                    c0 = jnp.max(jnp.where(iota == r, cnts, 0))

                    @pl.when(c0 > 0)
                    def _():
                        row_compact(row, None)

                    return 0

                lax.fori_loop(0, 16, dorow, 0)

            return 0

        lax.fori_loop(0, ngrp, grp, 0)

        @pl.when(w < full_w)
        def _():
            pltpu.sync_copy(oid_v, oids_hbm.at[pl.ds(base, rpw)])

        @pl.when(w == full_w)
        def _():
            pltpu.sync_copy(oid_v.at[pl.ds(0, tail)],
                            oids_hbm.at[pl.ds(full_w * rpw, tail)])

        pltpu.sync_copy(n_v, n_hbm.at[w])

    return compact_kernel


def kernel(inp_spike_ids, num_inp_spikes, init_state, weights,
           decay_constants, thresholds):
    seq, batch, s_in = inp_spike_ids.shape
    units, in_dim = weights.shape
    P = seq * batch
    rpw = ((P + NW * 8 - 1) // (NW * 8)) * 8
    P_pad = NW * rpw
    wpad = ((((rpw + 15) // 16) * 16 + 127) // 128) * 128

    slot = jnp.arange(s_in, dtype=jnp.int32)[None, None, :]
    ids_sent = jnp.where(slot < num_inp_spikes, inp_spike_ids, in_dim)
    ids2 = jnp.pad(ids_sent.reshape(P, s_in), ((0, P_pad - P), (0, 0)),
                   constant_values=in_dim)

    counts = _make_counts(P_pad, s_in, in_dim, rpw)(ids2)

    states, bits = _lif_tc(
        counts, weights, init_state,
        decay_constants.reshape(1, units), thresholds.reshape(1, units),
        seq, batch, P_pad)

    cnt_wm = jnp.pad(bits[:, CNT_W].reshape(NW, rpw),
                     ((0, 0), (0, wpad - rpw)))
    out_ids2, n_wm = _make_compact(P_pad, P, rpw, wpad)(bits, cnt_wm)

    out_spike_ids = out_ids2.reshape(seq, batch, S_OUT)
    num_out = n_wm[:, :rpw].reshape(P_pad)[:P].reshape(seq, batch, 1)
    return out_spike_ids, num_out, states

# --- scband reference (transcript-rebuilt; emitter-appended) ---
"""Pipeline reference for scband-keras-liflayer-sparse-11510512353281 (READ-ONLY COPY).

The authoritative reference and input builder live on the scoring server;
editing this copy changes nothing except your own understanding.
"""

import jax, jax.numpy as jnp
import numpy as np

UNITS = 1024
IN_DIM = 1024
S_IN = 64
S_OUT = 128
SEQ = 100
BATCH = 32
DECAY = 0.95
THRESH = 1.0


def setup_inputs(seed: int = 0) -> dict:
    key = jax.random.key(seed)
    k1, k2, k3, k4 = jax.random.split(key, 4)
    inp_spike_ids = jax.random.randint(k1, (SEQ, BATCH, S_IN), 0, IN_DIM, dtype=jnp.int32)
    num_inp_spikes = jax.random.randint(k2, (SEQ, BATCH, 1), 0, S_IN + 1, dtype=jnp.int32)
    init_state = jax.random.uniform(k3, (BATCH, UNITS), dtype=jnp.float32) * 0.5
    weights = jax.random.normal(k4, (UNITS, IN_DIM), dtype=jnp.float32) * 0.05
    decay_constants = jnp.full((UNITS,), DECAY, dtype=jnp.float32)
    thresholds = jnp.full((UNITS,), THRESH, dtype=jnp.float32)
    return {
        'inp_spike_ids': inp_spike_ids,
        'num_inp_spikes': num_inp_spikes,
        'init_state': init_state,
        'weights': weights,
        'decay_constants': decay_constants,
        'thresholds': thresholds,
    }


def reference(inp_spike_ids, num_inp_spikes, init_state, weights, decay_constants, thresholds):
    seq_len, batch, s_in = inp_spike_ids.shape
    units = weights.shape[0]
    slot = jnp.arange(s_in, dtype=jnp.int32)[None, :]
    neuron_rank = (units - jnp.arange(units)).astype(jnp.float32)[None, :]

    def step(state, xs):
        ids, n = xs  # ids: [batch, s_in] int, n: [batch, 1] int
        valid = (slot < n).astype(weights.dtype)  # [batch, s_in]
        # gather weight columns for active input spikes and accumulate (sparse matvec)
        cols = jnp.take(weights, ids, axis=1)  # [units, batch, s_in]
        syn = jnp.einsum('ubs,bs->bu', cols, valid)  # [batch, units]
        new_state = state * decay_constants[None, :] + (1.0 - decay_constants)[None, :] * syn
        spike = new_state > thresholds[None, :]
        state_out = jnp.where(spike, 0.0, new_state)  # reset spiking neurons
        # sparse output spike representation: ids of spiking neurons (lowest index first)
        score = spike.astype(jnp.float32) * neuron_rank
        vals, idxs = jax.lax.top_k(score, S_OUT)
        out_ids = jnp.where(vals > 0, idxs, 0).astype(jnp.int32)  # [batch, S_OUT]
        n_out = jnp.minimum(spike.sum(axis=1), S_OUT).astype(jnp.int32)[:, None]  # [batch, 1]
        return state_out, (out_ids, n_out, state_out)

    _, (out_spike_ids, num_out_spikes, states) = jax.lax.scan(
        step, init_state, (inp_spike_ids, num_inp_spikes))
    # out_spike_ids: [seq, batch, S_OUT]; num_out_spikes: [seq, batch, 1]; states: [seq, batch, units]
    return out_spike_ids, num_out_spikes, states

if __name__ == "__main__":
    import jax
    _d = setup_inputs()
    print(jax.jit(kernel)(*tuple(_d.values())))

</pallas_src>

<mosaic_0001>
#map = affine_map<(d0, d1) -> (0, 0)>
module attributes {stable_mosaic.version = 14 : i64} {
  func.func @counts_kernel(%arg0: i32, %arg1: i32, %arg2: memref<3328x64xi32, #tpu.memory_space<hbm>>, %arg3: memref<3328x1024xf32, #tpu.memory_space<hbm>>, %arg4: memref<104x64xi32, #tpu.memory_space<vmem>>, %arg5: memref<104x1024xf32, #tpu.memory_space<vmem>>, %arg6: memref<!tpu.dma_semaphore, #tpu.memory_space<semaphore_mem>>, %arg7: memref<!tpu.dma_semaphore, #tpu.memory_space<semaphore_mem>>) attributes {dimension_semantics = [#tpu.dimension_semantics<core_parallel>, #tpu.dimension_semantics<subcore_parallel>], iteration_bounds = array<i64: 2, 16>, scalar_prefetch = 0 : i64, scratch_operands = 4 : i64, tpu.core_type = #tpu.core_type<sc_vector_subcore>, window_params = [{transform_indices = #map}, {transform_indices = #map}]} {
    %mul3A = arith.constant 2 : i32
    %mul3A_0 = arith.muli %arg1, %mul3A : i32
    %add3A = arith.addi %mul3A_0, %arg0 : i32
    %mul3A_1 = arith.constant 104 : i32
    %mul3A_2 = arith.muli %add3A, %mul3A_1 : i32
    "tpu.region"() ({
      %run_scoped3A = tpu.sem_alloc : memref<!tpu.dma_semaphore, #tpu.memory_space<semaphore_mem>>
      %dma_start3A_61 = arith.constant 0 : i32
      %dma_start3A_62 = tpu.memref_slice %arg2[%mul3A_2, %dma_start3A_61] : memref<3328x64xi32, #tpu.memory_space<hbm>> -> memref<104x64xi32, #tpu.memory_space<hbm>>
      %dma_start3A_63 = arith.constant 0 : i32
      %dma_start3A_64 = tpu.memref_slice %arg2[%mul3A_2, %dma_start3A_63] : memref<3328x64xi32, #tpu.memory_space<hbm>> -> memref<104x64xi32, #tpu.memory_space<hbm>>
      tpu.enqueue_dma source(%dma_start3A_64 : memref<104x64xi32, #tpu.memory_space<hbm>>) target(%arg4 : memref<104x64xi32, #tpu.memory_space<vmem>>) target_semaphore(%run_scoped3A : memref<!tpu.dma_semaphore, #tpu.memory_space<semaphore_mem>>)
      %dma_wait3A_65 = arith.constant 0 : i32
      %dma_wait3A_66 = tpu.memref_slice %arg2[%mul3A_2, %dma_wait3A_65] : memref<3328x64xi32, #tpu.memory_space<hbm>> -> memref<104x64xi32, #tpu.memory_space<hbm>>
      %dma_wait3A_67 = arith.constant 0 : i32
      %dma_wait3A_68 = tpu.memref_slice %arg2[%mul3A_2, %dma_wait3A_67] : memref<3328x64xi32, #tpu.memory_space<hbm>> -> memref<104x64xi32, #tpu.memory_space<hbm>>
      tpu.wait_dma2 semaphore(%run_scoped3A : memref<!tpu.dma_semaphore, #tpu.memory_space<semaphore_mem>>) src(%dma_wait3A_68 : memref<104x64xi32, #tpu.memory_space<hbm>>) dst(%arg4 : memref<104x64xi32, #tpu.memory_space<vmem>>)
      tpu.yield
    }) : () -> ()
    %broadcast_in_dim3A = arith.constant 0.000000e+00 : f32
    %broadcast_in_dim3A_3 = vector.broadcast %broadcast_in_dim3A : f32 to vector<16xf32>
    %broadcast_in_dim3A_4 = arith.constant 1.000000e+00 : f32
    %broadcast_in_dim3A_5 = vector.broadcast %broadcast_in_dim3A_4 : f32 to vector<16xf32>
    %broadcast_in_dim3A_6 = arith.constant 1024 : i32
    %broadcast_in_dim3A_7 = vector.broadcast %broadcast_in_dim3A_6 : i32 to vector<16xi32>
    %scan3A = arith.constant 0 : i32
    %scan3A_8 = arith.constant 0 : i32
    %scan3A_9 = arith.constant 56 : i32
    %scan3A_10 = arith.addi %scan3A_8, %scan3A_9 : i32
    %scan3A_11 = arith.constant 1 : i32
    %scan3A_12 = scf.for %scan3A_61 = %scan3A_8 to %scan3A_10 step %scan3A_11 iter_args(%scan3A_62 = %scan3A) -> (i32)  : i32 {
      %swap3A = arith.index_cast %scan3A_61 : i32 to index
      %swap3A_63 = arith.constant 0 : index
      %swap3A_64 = tpu.vector_load %arg5[%swap3A, %swap3A_63] {strides = array<i32>} : memref<104x1024xf32, #tpu.memory_space<vmem>>, vector<16xf32>,
      tpu.vector_store %arg5[%swap3A, %swap3A_63], %broadcast_in_dim3A_3 {strides = array<i32>} : memref<104x1024xf32, #tpu.memory_space<vmem>>, vector<16xf32>,
      %swap3A_65 = arith.index_cast %scan3A_61 : i32 to index
      %swap3A_66 = arith.constant 16 : index
      %swap3A_67 = tpu.vector_load %arg5[%swap3A_65, %swap3A_66] {strides = array<i32>} : memref<104x1024xf32, #tpu.memory_space<vmem>>, vector<16xf32>,
      tpu.vector_store %arg5[%swap3A_65, %swap3A_66], %broadcast_in_dim3A_3 {strides = array<i32>} : memref<104x1024xf32, #tpu.memory_space<vmem>>, vector<16xf32>,
      %swap3A_68 = arith.index_cast %scan3A_61 : i32 to index
      %swap3A_69 = arith.constant 32 : index
      %swap3A_70 = tpu.vector_load %arg5[%swap3A_68, %swap3A_69] {strides = array<i32>} : memref<104x1024xf32, #tpu.memory_space<vmem>>, vector<16xf32>,
      tpu.vector_store %arg5[%swap3A_68, %swap3A_69], %broadcast_in_dim3A_3 {strides = array<i32>} : memref<104x1024xf32, #tpu.memory_space<vmem>>, vector<16xf32>,
      %swap3A_71 = arith.index_cast %scan3A_61 : i32 to index
      %swap3A_72 = arith.constant 48 : index
      %swap3A_73 = tpu.vector_load %arg5[%swap3A_71, %swap3A_72] {strides = array<i32>} : memref<104x1024xf32, #tpu.memory_space<vmem>>, vector<16xf32>,
      tpu.vector_store %arg5[%swap3A_71, %swap3A_72], %broadcast_in_dim3A_3 {strides = array<i32>} : memref<104x1024xf32, #tpu.memory_space<vmem>>, vector<16xf32>,
      %swap3A_74 = arith.index_cast %scan3A_61 : i32 to index
      %swap3A_75 = arith.constant 64 : index
      %swap3A_76 = tpu.vector_load %arg5[%swap3A_74, %swap3A_75] {strides = array<i32>} : memref<104x1024xf32, #tpu.memory_space<vmem>>, vector<16xf32>,
      tpu.vector_store %arg5[%swap3A_74, %swap3A_75], %broadcast_in_dim3A_3 {strides = array<i32>} : memref<104x1024xf32, #tpu.memory_space<vmem>>, vector<16xf32>,
      %swap3A_77 = arith.index_cast %scan3A_61 : i32 to index
      %swap3A_78 = arith.constant 80 : index
      %swap3A_79 = tpu.vector_load %arg5[%swap3A_77, %swap3A_78] {strides = array<i32>} : memref<104x1024xf32, #tpu.memory_space<vmem>>, vector<16xf32>,
      tpu.vector_store %arg5[%swap3A_77, %swap3A_78], %broadcast_in_dim3A_3 {strides = array<i32>} : memref<104x1024xf32, #tpu.memory_space<vmem>>, vector<16xf32>,
      %swap3A_80 = arith.index_cast %scan3A_61 : i32 to index
      %swap3A_81 = arith.constant 96 : index
      %swap3A_82 = tpu.vector_load %arg5[%swap3A_80, %swap3A_81] {strides = array<i32>} : memref<104x1024xf32, #tpu.memory_space<vmem>>, vector<16xf32>,
      tpu.vector_store %arg5[%swap3A_80, %swap3A_81], %broadcast_in_dim3A_3 {strides = array<i32>} : memref<104x1024xf32, #tpu.memory_space<vmem>>, vector<16xf32>,
      %swap3A_83 = arith.index_cast %scan3A_61 : i32 to index
      %swap3A_84 = arith.constant 112 : index
      %swap3A_85 = tpu.vector_load %arg5[%swap3A_83, %swap3A_84] {strides = array<i32>} : memref<104x1024xf32, #tpu.memory_space<vmem>>, vector<16xf32>,
      tpu.vector_store %arg5[%swap3A_83, %swap3A_84], %broadcast_in_dim3A_3 {strides = array<i32>} : memref<104x1024xf32, #tpu.memory_space<vmem>>, vector<16xf32>,
      %swap3A_86 = arith.index_cast %scan3A_61 : i32 to index
      %swap3A_87 = arith.constant 128 : index
      %swap3A_88 = tpu.vector_load %arg5[%swap3A_86, %swap3A_87] {strides = array<i32>} : memref<104x1024xf32, #tpu.memory_space<vmem>>, vector<16xf32>,
      tpu.vector_store %arg5[%swap3A_86, %swap3A_87], %broadcast_in_dim3A_3 {strides = array<i32>} : memref<104x1024xf32, #tpu.memory_space<vmem>>, vector<16xf32>,
      %swap3A_89 = arith.index_cast %scan3A_61 : i32 to index
      %swap3A_90 = arith.constant 144 : index
      %swap3A_91 = tpu.vector_load %arg5[%swap3A_89, %swap3A_90] {strides = array<i32>} : memref<104x1024xf32, #tpu.memory_space<vmem>>, vector<16xf32>,
      tpu.vector_store %arg5[%swap3A_89, %swap3A_90], %broadcast_in_dim3A_3 {strides = array<i32>} : memref<104x1024xf32, #tpu.memory_space<vmem>>, vector<16xf32>,
      %swap3A_92 = arith.index_cast %scan3A_61 : i32 to index
      %swap3A_93 = arith.constant 160 : index
      %swap3A_94 = tpu.vector_load %arg5[%swap3A_92, %swap3A_93] {strides = array<i32>} : memref<104x1024xf32, #tpu.memory_space<vmem>>, vector<16xf32>,
      tpu.vector_store %arg5[%swap3A_92, %swap3A_93], %broadcast_in_dim3A_3 {strides = array<i32>} : memref<104x1024xf32, #tpu.memory_space<vmem>>, vector<16xf32>,
      %swap3A_95 = arith.index_cast %scan3A_61 : i32 to index
      %swap3A_96 = arith.constant 176 : index
      %swap3A_97 = tpu.vector_load %arg5[%swap3A_95, %swap3A_96] {strides = array<i32>} : memref<104x1024xf32, #tpu.memory_space<vmem>>, vector<16xf32>,
      tpu.vector_store %arg5[%swap3A_95, %swap3A_96], %broadcast_in_dim3A_3 {strides = array<i32>} : memref<104x1024xf32, #tpu.memory_space<vmem>>, vector<16xf32>,
      %swap3A_98 = arith.index_cast %scan3A_61 : i32 to index
      %swap3A_99 = arith.constant 192 : index
      %swap3A_100 = tpu.vector_load %arg5[%swap3A_98, %swap3A_99] {strides = array<i32>} : memref<104x1024xf32, #tpu.memory_space<vmem>>, vector<16xf32>,
      tpu.vector_store %arg5[%swap3A_98, %swap3A_99], %broadcast_in_dim3A_3 {strides = array<i32>} : memref<104x1024xf32, #tpu.memory_space<vmem>>, vector<16xf32>,
      %swap3A_101 = arith.index_cast %scan3A_61 : i32 to index
      %swap3A_102 = arith.constant 208 : index
      %swap3A_103 = tpu.vector_load %arg5[%swap3A_101, %swap3A_102] {strides = array<i32>} : memref<104x1024xf32, #tpu.memory_space<vmem>>, vector<16xf32>,
      tpu.vector_store %arg5[%swap3A_101, %swap3A_102], %broadcast_in_dim3A_3 {strides = array<i32>} : memref<104x1024xf32, #tpu.memory_space<vmem>>, vector<16xf32>,
      %swap3A_104 = arith.index_cast %scan3A_61 : i32 to index
      %swap3A_105 = arith.constant 224 : index
      %swap3A_106 = tpu.vector_load %arg5[%swap3A_104, %swap3A_105] {strides = array<i32>} : memref<104x1024xf32, #tpu.memory_space<vmem>>, vector<16xf32>,
      tpu.vector_store %arg5[%swap3A_104, %swap3A_105], %broadcast_in_dim3A_3 {strides = array<i32>} : memref<104x1024xf32, #tpu.memory_space<vmem>>, vector<16xf32>,
      %swap3A_107 = arith.index_cast %scan3A_61 : i32 to index
      %swap3A_108 = arith.constant 240 : index
      %swap3A_109 = tpu.vector_load %arg5[%swap3A_107, %swap3A_108] {strides = array<i32>} : memref<104x1024xf32, #tpu.memory_space<vmem>>, vector<16xf32>,
      tpu.vector_store %arg5[%swap3A_107, %swap3A_108], %broadcast_in_dim3A_3 {strides = array<i32>} : memref<104x1024xf32, #tpu.memory_space<vmem>>, vector<16xf32>,
      %swap3A_110 = arith.index_cast %scan3A_61 : i32 to index
      %swap3A_111 = arith.constant 256 : index
      %swap3A_112 = tpu.vector_load %arg5[%swap3A_110, %swap3A_111] {strides = array<i32>} : memref<104x1024xf32, #tpu.memory_space<vmem>>, vector<16xf32>,
      tpu.vector_store %arg5[%swap3A_110, %swap3A_111], %broadcast_in_dim3A_3 {strides = array<i32>} : memref<104x1024xf32, #tpu.memory_space<vmem>>, vector<16xf32>,
      %swap3A_113 = arith.index_cast %scan3A_61 : i32 to index
      %swap3A_114 = arith.constant 272 : index
      %swap3A_115 = tpu.vector_load %arg5[%swap3A_113, %swap3A_114] {strides = array<i32>} : memref<104x1024xf32, #tpu.memory_space<vmem>>, vector<16xf32>,
      tpu.vector_store %arg5[%swap3A_113, %swap3A_114], %broadcast_in_dim3A_3 {strides = array<i32>} : memref<104x1024xf32, #tpu.memory_space<vmem>>, vector<16xf32>,
      %swap3A_116 = arith.index_cast %scan3A_61 : i32 to index
      %swap3A_117 = arith.constant 288 : index
      %swap3A_118 = tpu.vector_load %arg5[%swap3A_116, %swap3A_117] {strides = array<i32>} : memref<104x1024xf32, #tpu.memory_space<vmem>>, vector<16xf32>,
      tpu.vector_store %arg5[%swap3A_116, %swap3A_117], %broadcast_in_dim3A_3 {strides = array<i32>} : memref<104x1024xf32, #tpu.memory_space<vmem>>, vector<16xf32>,
      %swap3A_119 = arith.index_cast %scan3A_61 : i32 to index
      %swap3A_120 = arith.constant 304 : index
      %swap3A_121 = tpu.vector_load %arg5[%swap3A_119, %swap3A_120] {strides = array<i32>} : memref<104x1024xf32, #tpu.memory_space<vmem>>, vector<16xf32>,
      tpu.vector_store %arg5[%swap3A_119, %swap3A_120], %broadcast_in_dim3A_3 {strides = array<i32>} : memref<104x1024xf32, #tpu.memory_space<vmem>>, vector<16xf32>,
      %swap3A_122 = arith.index_cast %scan3A_61 : i32 to index
      %swap3A_123 = arith.constant 320 : index
      %swap3A_124 = tpu.vector_load %arg5[%swap3A_122, %swap3A_123] {strides = array<i32>} : memref<104x1024xf32, #tpu.memory_space<vmem>>, vector<16xf32>,
      tpu.vector_store %arg5[%swap3A_122, %swap3A_123], %broadcast_in_dim3A_3 {strides = array<i32>} : memref<104x1024xf32, #tpu.memory_space<vmem>>, vector<16xf32>,
      %swap3A_125 = arith.index_cast %scan3A_61 : i32 to index
      %swap3A_126 = arith.constant 336 : index
      %swap3A_127 = tpu.vector_load %arg5[%swap3A_125, %swap3A_126] {strides = array<i32>} : memref<104x1024xf32, #tpu.memory_space<vmem>>, vector<16xf32>,
      tpu.vector_store %arg5[%swap3A_125, %swap3A_126], %broadcast_in_dim3A_3 {strides = array<i32>} : memref<104x1024xf32, #tpu.memory_space<vmem>>, vector<16xf32>,
      %swap3A_128 = arith.index_cast %scan3A_61 : i32 to index
      %swap3A_129 = arith.constant 352 : index
      %swap3A_130 = tpu.vector_load %arg5[%swap3A_128, %swap3A_129] {strides = array<i32>} : memref<104x1024xf32, #tpu.memory_space<vmem>>, vector<16xf32>,
      tpu.vector_store %arg5[%swap3A_128, %swap3A_129], %broadcast_in_dim3A_3 {strides = array<i32>} : memref<104x1024xf32, #tpu.memory_space<vmem>>, vector<16xf32>,
      %swap3A_131 = arith.index_cast %scan3A_61 : i32 to index
      %swap3A_132 = arith.constant 368 : index
      %swap3A_133 = tpu.vector_load %arg5[%swap3A_131, %swap3A_132] {strides = array<i32>} : memref<104x1024xf32, #tpu.memory_space<vmem>>, vector<16xf32>,
      tpu.vector_store %arg5[%swap3A_131, %swap3A_132], %broadcast_in_dim3A_3 {strides = array<i32>} : memref<104x1024xf32, #tpu.memory_space<vmem>>, vector<16xf32>,
      %swap3A_134 = arith.index_cast %scan3A_61 : i32 to index
      %swap3A_135 = arith.constant 384 : index
      %swap3A_136 = tpu.vector_load %arg5[%swap3A_134, %swap3A_135] {strides = array<i32>} : memref<104x1024xf32, #tpu.memory_space<vmem>>, vector<16xf32>,
      tpu.vector_store %arg5[%swap3A_134, %swap3A_135], %broadcast_in_dim3A_3 {strides = array<i32>} : memref<104x1024xf32, #tpu.memory_space<vmem>>, vector<16xf32>,
      %swap3A_137 = arith.index_cast %scan3A_61 : i32 to index
      %swap3A_138 = arith.constant 400 : index
      %swap3A_139 = tpu.vector_load %arg5[%swap3A_137, %swap3A_138] {strides = array<i32>} : memref<104x1024xf32, #tpu.memory_space<vmem>>, vector<16xf32>,
      tpu.vector_store %arg5[%swap3A_137, %swap3A_138], %broadcast_in_dim3A_3 {strides = array<i32>} : memref<104x1024xf32, #tpu.memory_space<vmem>>, vector<16xf32>,
      %swap3A_140 = arith.index_cast %scan3A_61 : i32 to index
      %swap3A_141 = arith.constant 416 : index
      %swap3A_142 = tpu.vector_load %arg5[%swap3A_140, %swap3A_141] {strides = array<i32>} : memref<104x1024xf32, #tpu.memory_space<vmem>>, vector<16xf32>,
      tpu.vector_store %arg5[%swap3A_140, %swap3A_141], %broadcast_in_dim3A_3 {strides = array<i32>} : memref<104x1024xf32, #tpu.memory_space<vmem>>, vector<16xf32>,
      %swap3A_143 = arith.index_cast %scan3A_61 : i32 to index
      %swap3A_144 = arith.constant 432 : index
      %swap3A_145 = tpu.vector_load %arg5[%swap3A_143, %swap3A_144] {strides = array<i32>} : memref<104x1024xf32, #tpu.memory_space<vmem>>, vector<16xf32>,
      tpu.vector_store %arg5[%swap3A_143, %swap3A_144], %broadcast_in_dim3A_3 {strides = array<i32>} : memref<104x1024xf32, #tpu.memory_space<vmem>>, vector<16xf32>,
      %swap3A_146 = arith.index_cast %scan3A_61 : i32 to index
      %swap3A_147 = arith.constant 448 : index
      %swap3A_148 = tpu.vector_load %arg5[%swap3A_146, %swap3A_147] {strides = array<i32>} : memref<104x1024xf32, #tpu.memory_space<vmem>>, vector<16xf32>,
      tpu.vector_store %arg5[%swap3A_146, %swap3A_147], %broadcast_in_dim3A_3 {strides = array<i32>} : memref<104x1024xf32, #tpu.memory_space<vmem>>, vector<16xf32>,
      %swap3A_149 = arith.index_cast %scan3A_61 : i32 to index
      %swap3A_150 = arith.constant 464 : index
      %swap3A_151 = tpu.vector_load %arg5[%swap3A_149, %swap3A_150] {strides = array<i32>} : memref<104x1024xf32, #tpu.memory_space<vmem>>, vector<16xf32>,
      tpu.vector_store %arg5[%swap3A_149, %swap3A_150], %broadcast_in_dim3A_3 {strides = array<i32>} : memref<104x1024xf32, #tpu.memory_space<vmem>>, vector<16xf32>,
      %swap3A_152 = arith.index_cast %scan3A_61 : i32 to index
      %swap3A_153 = arith.constant 480 : index
      %swap3A_154 = tpu.vector_load %arg5[%swap3A_152, %swap3A_153] {strides = array<i32>} : memref<104x1024xf32, #tpu.memory_space<vmem>>, vector<16xf32>,
      tpu.vector_store %arg5[%swap3A_152, %swap3A_153], %broadcast_in_dim3A_3 {strides = array<i32>} : memref<104x1024xf32, #tpu.memory_space<vmem>>, vector<16xf32>,
      %swap3A_155 = arith.index_cast %scan3A_61 : i32 to index
      %swap3A_156 = arith.constant 496 : index
      %swap3A_157 = tpu.vector_load %arg5[%swap3A_155, %swap3A_156] {strides = array<i32>} : memref<104x1024xf32, #tpu.memory_space<vmem>>, vector<16xf32>,
      tpu.vector_store %arg5[%swap3A_155, %swap3A_156], %broadcast_in_dim3A_3 {strides = array<i32>} : memref<104x1024xf32, #tpu.memory_space<vmem>>, vector<16xf32>,
      %swap3A_158 = arith.index_cast %scan3A_61 : i32 to index
      %swap3A_159 = arith.constant 512 : index
      %swap3A_160 = tpu.vector_load %arg5[%swap3A_158, %swap3A_159] {strides = array<i32>} : memref<104x1024xf32, #tpu.memory_space<vmem>>, vector<16xf32>,
      tpu.vector_store %arg5[%swap3A_158, %swap3A_159], %broadcast_in_dim3A_3 {strides = array<i32>} : memref<104x1024xf32, #tpu.memory_space<vmem>>, vector<16xf32>,
      %swap3A_161 = arith.index_cast %scan3A_61 : i32 to index
      %swap3A_162 = arith.constant 528 : index
      %swap3A_163 = tpu.vector_load %arg5[%swap3A_161, %swap3A_162] {strides = array<i32>} : memref<104x1024xf32, #tpu.memory_space<vmem>>, vector<16xf32>,
      tpu.vector_store %arg5[%swap3A_161, %swap3A_162], %broadcast_in_dim3A_3 {strides = array<i32>} : memref<104x1024xf32, #tpu.memory_space<vmem>>, vector<16xf32>,
      %swap3A_164 = arith.index_cast %scan3A_61 : i32 to index
      %swap3A_165 = arith.constant 544 : index
      %swap3A_166 = tpu.vector_load %arg5[%swap3A_164, %swap3A_165] {strides = array<i32>} : memref<104x1024xf32, #tpu.memory_space<vmem>>, vector<16xf32>,
      tpu.vector_store %arg5[%swap3A_164, %swap3A_165], %broadcast_in_dim3A_3 {strides = array<i32>} : memref<104x1024xf32, #tpu.memory_space<vmem>>, vector<16xf32>,
      %swap3A_167 = arith.index_cast %scan3A_61 : i32 to index
      %swap3A_168 = arith.constant 560 : index
      %swap3A_169 = tpu.vector_load %arg5[%swap3A_167, %swap3A_168] {strides = array<i32>} : memref<104x1024xf32, #tpu.memory_space<vmem>>, vector<16xf32>,
      tpu.vector_store %arg5[%swap3A_167, %swap3A_168], %broadcast_in_dim3A_3 {strides = array<i32>} : memref<104x1024xf32, #tpu.memory_space<vmem>>, vector<16xf32>,
      %swap3A_170 = arith.index_cast %scan3A_61 : i32 to index
      %swap3A_171 = arith.constant 576 : index
      %swap3A_172 = tpu.vector_load %arg5[%swap3A_170, %swap3A_171] {strides = array<i32>} : memref<104x1024xf32, #tpu.memory_space<vmem>>, vector<16xf32>,
      tpu.vector_store %arg5[%swap3A_170, %swap3A_171], %broadcast_in_dim3A_3 {strides = array<i32>} : memref<104x1024xf32, #tpu.memory_space<vmem>>, vector<16xf32>,
      %swap3A_173 = arith.index_cast %scan3A_61 : i32 to index
      %swap3A_174 = arith.constant 592 : index
      %swap3A_175 = tpu.vector_load %arg5[%swap3A_173, %swap3A_174] {strides = array<i32>} : memref<104x1024xf32, #tpu.memory_space<vmem>>, vector<16xf32>,
      tpu.vector_store %arg5[%swap3A_173, %swap3A_174], %broadcast_in_dim3A_3 {strides = array<i32>} : memref<104x1024xf32, #tpu.memory_space<vmem>>, vector<16xf32>,
      %swap3A_176 = arith.index_cast %scan3A_61 : i32 to index
      %swap3A_177 = arith.constant 608 : index
      %swap3A_178 = tpu.vector_load %arg5[%swap3A_176, %swap3A_177] {strides = array<i32>} : memref<104x1024xf32, #tpu.memory_space<vmem>>, vector<16xf32>,
      tpu.vector_store %arg5[%swap3A_176, %swap3A_177], %broadcast_in_dim3A_3 {strides = array<i32>} : memref<104x1024xf32, #tpu.memory_space<vmem>>, vector<16xf32>,
      %swap3A_179 = arith.index_cast %scan3A_61 : i32 to index
      %swap3A_180 = arith.constant 624 : index
      %swap3A_181 = tpu.vector_load %arg5[%swap3A_179, %swap3A_180] {strides = array<i32>} : memref<104x1024xf32, #tpu.memory_space<vmem>>, vector<16xf32>,
      tpu.vector_store %arg5[%swap3A_179, %swap3A_180], %broadcast_in_dim3A_3 {strides = array<i32>} : memref<104x1024xf32, #tpu.memory_space<vmem>>, vector<16xf32>,
      %swap3A_182 = arith.index_cast %scan3A_61 : i32 to index
      %swap3A_183 = arith.constant 640 : index
      %swap3A_184 = tpu.vector_load %arg5[%swap3A_182, %swap3A_183] {strides = array<i32>} : memref<104x1024xf32, #tpu.memory_space<vmem>>, vector<16xf32>,
      tpu.vector_store %arg5[%swap3A_182, %swap3A_183], %broadcast_in_dim3A_3 {strides = array<i32>} : memref<104x1024xf32, #tpu.memory_space<vmem>>, vector<16xf32>,
      %swap3A_185 = arith.index_cast %scan3A_61 : i32 to index
      %swap3A_186 = arith.constant 656 : index
      %swap3A_187 = tpu.vector_load %arg5[%swap3A_185, %swap3A_186] {strides = array<i32>} : memref<104x1024xf32, #tpu.memory_space<vmem>>, vector<16xf32>,
      tpu.vector_store %arg5[%swap3A_185, %swap3A_186], %broadcast_in_dim3A_3 {strides = array<i32>} : memref<104x1024xf32, #tpu.memory_space<vmem>>, vector<16xf32>,
      %swap3A_188 = arith.index_cast %scan3A_61 : i32 to index
      %swap3A_189 = arith.constant 672 : index
      %swap3A_190 = tpu.vector_load %arg5[%swap3A_188, %swap3A_189] {strides = array<i32>} : memref<104x1024xf32, #tpu.memory_space<vmem>>, vector<16xf32>,
      tpu.vector_store %arg5[%swap3A_188, %swap3A_189], %broadcast_in_dim3A_3 {strides = array<i32>} : memref<104x1024xf32, #tpu.memory_space<vmem>>, vector<16xf32>,
      %swap3A_191 = arith.index_cast %scan3A_61 : i32 to index
      %swap3A_192 = arith.constant 688 : index
      %swap3A_193 = tpu.vector_load %arg5[%swap3A_191, %swap3A_192] {strides = array<i32>} : memref<104x1024xf32, #tpu.memory_space<vmem>>, vector<16xf32>,
      tpu.vector_store %arg5[%swap3A_191, %swap3A_192], %broadcast_in_dim3A_3 {strides = array<i32>} : memref<104x1024xf32, #tpu.memory_space<vmem>>, vector<16xf32>,
      %swap3A_194 = arith.index_cast %scan3A_61 : i32 to index
      %swap3A_195 = arith.constant 704 : index
      %swap3A_196 = tpu.vector_load %arg5[%swap3A_194, %swap3A_195] {strides = array<i32>} : memref<104x1024xf32, #tpu.memory_space<vmem>>, vector<16xf32>,
      tpu.vector_store %arg5[%swap3A_194, %swap3A_195], %broadcast_in_dim3A_3 {strides = array<i32>} : memref<104x1024xf32, #tpu.memory_space<vmem>>, vector<16xf32>,
      %swap3A_197 = arith.index_cast %scan3A_61 : i32 to index
      %swap3A_198 = arith.constant 720 : index
      %swap3A_199 = tpu.vector_load %arg5[%swap3A_197, %swap3A_198] {strides = array<i32>} : memref<104x1024xf32, #tpu.memory_space<vmem>>, vector<16xf32>,
      tpu.vector_store %arg5[%swap3A_197, %swap3A_198], %broadcast_in_dim3A_3 {strides = array<i32>} : memref<104x1024xf32, #tpu.memory_space<vmem>>, vector<16xf32>,
      %swap3A_200 = arith.index_cast %scan3A_61 : i32 to index
      %swap3A_201 = arith.constant 736 : index
      %swap3A_202 = tpu.vector_load %arg5[%swap3A_200, %swap3A_201] {strides = array<i32>} : memref<104x1024xf32, #tpu.memory_space<vmem>>, vector<16xf32>,
      tpu.vector_store %arg5[%swap3A_200, %swap3A_201], %broadcast_in_dim3A_3 {strides = array<i32>} : memref<104x1024xf32, #tpu.memory_space<vmem>>, vector<16xf32>,
      %swap3A_203 = arith.index_cast %scan3A_61 : i32 to index
      %swap3A_204 = arith.constant 752 : index
      %swap3A_205 = tpu.vector_load %arg5[%swap3A_203, %swap3A_204] {strides = array<i32>} : memref<104x1024xf32, #tpu.memory_space<vmem>>, vector<16xf32>,
      tpu.vector_store %arg5[%swap3A_203, %swap3A_204], %broadcast_in_dim3A_3 {strides = array<i32>} : memref<104x1024xf32, #tpu.memory_space<vmem>>, vector<16xf32>,
      %swap3A_206 = arith.index_cast %scan3A_61 : i32 to index
      %swap3A_207 = arith.constant 768 : index
      %swap3A_208 = tpu.vector_load %arg5[%swap3A_206, %swap3A_207] {strides = array<i32>} : memref<104x1024xf32, #tpu.memory_space<vmem>>, vector<16xf32>,
      tpu.vector_store %arg5[%swap3A_206, %swap3A_207], %broadcast_in_dim3A_3 {strides = array<i32>} : memref<104x1024xf32, #tpu.memory_space<vmem>>, vector<16xf32>,
      %swap3A_209 = arith.index_cast %scan3A_61 : i32 to index
      %swap3A_210 = arith.constant 784 : index
      %swap3A_211 = tpu.vector_load %arg5[%swap3A_209, %swap3A_210] {strides = array<i32>} : memref<104x1024xf32, #tpu.memory_space<vmem>>, vector<16xf32>,
      tpu.vector_store %arg5[%swap3A_209, %swap3A_210], %broadcast_in_dim3A_3 {strides = array<i32>} : memref<104x1024xf32, #tpu.memory_space<vmem>>, vector<16xf32>,
      %swap3A_212 = arith.index_cast %scan3A_61 : i32 to index
      %swap3A_213 = arith.constant 800 : index
      %swap3A_214 = tpu.vector_load %arg5[%swap3A_212, %swap3A_213] {strides = array<i32>} : memref<104x1024xf32, #tpu.memory_space<vmem>>, vector<16xf32>,
      tpu.vector_store %arg5[%swap3A_212, %swap3A_213], %broadcast_in_dim3A_3 {strides = array<i32>} : memref<104x1024xf32, #tpu.memory_space<vmem>>, vector<16xf32>,
      %swap3A_215 = arith.index_cast %scan3A_61 : i32 to index
      %swap3A_216 = arith.constant 816 : index
      %swap3A_217 = tpu.vector_load %arg5[%swap3A_215, %swap3A_216] {strides = array<i32>} : memref<104x1024xf32, #tpu.memory_space<vmem>>, vector<16xf32>,
      tpu.vector_store %arg5[%swap3A_215, %swap3A_216], %broadcast_in_dim3A_3 {strides = array<i32>} : memref<104x1024xf32, #tpu.memory_space<vmem>>, vector<16xf32>,
      %swap3A_218 = arith.index_cast %scan3A_61 : i32 to index
      %swap3A_219 = arith.constant 832 : index
      %swap3A_220 = tpu.vector_load %arg5[%swap3A_218, %swap3A_219] {strides = array<i32>} : memref<104x1024xf32, #tpu.memory_space<vmem>>, vector<16xf32>,
      tpu.vector_store %arg5[%swap3A_218, %swap3A_219], %broadcast_in_dim3A_3 {strides = array<i32>} : memref<104x1024xf32, #tpu.memory_space<vmem>>, vector<16xf32>,
      %swap3A_221 = arith.index_cast %scan3A_61 : i32 to index
      %swap3A_222 = arith.constant 848 : index
      %swap3A_223 = tpu.vector_load %arg5[%swap3A_221, %swap3A_222] {strides = array<i32>} : memref<104x1024xf32, #tpu.memory_space<vmem>>, vector<16xf32>,
      tpu.vector_store %arg5[%swap3A_221, %swap3A_222], %broadcast_in_dim3A_3 {strides = array<i32>} : memref<104x1024xf32, #tpu.memory_space<vmem>>, vector<16xf32>,
      %swap3A_224 = arith.index_cast %scan3A_61 : i32 to index
      %swap3A_225 = arith.constant 864 : index
      %swap3A_226 = tpu.vector_load %arg5[%swap3A_224, %swap3A_225] {strides = array<i32>} : memref<104x1024xf32, #tpu.memory_space<vmem>>, vector<16xf32>,
      tpu.vector_store %arg5[%swap3A_224, %swap3A_225], %broadcast_in_dim3A_3 {strides = array<i32>} : memref<104x1024xf32, #tpu.memory_space<vmem>>, vector<16xf32>,
      %swap3A_227 = arith.index_cast %scan3A_61 : i32 to index
      %swap3A_228 = arith.constant 880 : index
      %swap3A_229 = tpu.vector_load %arg5[%swap3A_227, %swap3A_228] {strides = array<i32>} : memref<104x1024xf32, #tpu.memory_space<vmem>>, vector<16xf32>,
      tpu.vector_store %arg5[%swap3A_227, %swap3A_228], %broadcast_in_dim3A_3 {strides = array<i32>} : memref<104x1024xf32, #tpu.memory_space<vmem>>, vector<16xf32>,
      %swap3A_230 = arith.index_cast %scan3A_61 : i32 to index
      %swap3A_231 = arith.constant 896 : index
      %swap3A_232 = tpu.vector_load %arg5[%swap3A_230, %swap3A_231] {strides = array<i32>} : memref<104x1024xf32, #tpu.memory_space<vmem>>, vector<16xf32>,
      tpu.vector_store %arg5[%swap3A_230, %swap3A_231], %broadcast_in_dim3A_3 {strides = array<i32>} : memref<104x1024xf32, #tpu.memory_space<vmem>>, vector<16xf32>,
      %swap3A_233 = arith.index_cast %scan3A_61 : i32 to index
      %swap3A_234 = arith.constant 912 : index
      %swap3A_235 = tpu.vector_load %arg5[%swap3A_233, %swap3A_234] {strides = array<i32>} : memref<104x1024xf32, #tpu.memory_space<vmem>>, vector<16xf32>,
      tpu.vector_store %arg5[%swap3A_233, %swap3A_234], %broadcast_in_dim3A_3 {strides = array<i32>} : memref<104x1024xf32, #tpu.memory_space<vmem>>, vector<16xf32>,
      %swap3A_236 = arith.index_cast %scan3A_61 : i32 to index
      %swap3A_237 = arith.constant 928 : index
      %swap3A_238 = tpu.vector_load %arg5[%swap3A_236, %swap3A_237] {strides = array<i32>} : memref<104x1024xf32, #tpu.memory_space<vmem>>, vector<16xf32>,
      tpu.vector_store %arg5[%swap3A_236, %swap3A_237], %broadcast_in_dim3A_3 {strides = array<i32>} : memref<104x1024xf32, #tpu.memory_space<vmem>>, vector<16xf32>,
      %swap3A_239 = arith.index_cast %scan3A_61 : i32 to index
      %swap3A_240 = arith.constant 944 : index
      %swap3A_241 = tpu.vector_load %arg5[%swap3A_239, %swap3A_240] {strides = array<i32>} : memref<104x1024xf32, #tpu.memory_space<vmem>>, vector<16xf32>,
      tpu.vector_store %arg5[%swap3A_239, %swap3A_240], %broadcast_in_dim3A_3 {strides = array<i32>} : memref<104x1024xf32, #tpu.memory_space<vmem>>, vector<16xf32>,
      %swap3A_242 = arith.index_cast %scan3A_61 : i32 to index
      %swap3A_243 = arith.constant 960 : index
      %swap3A_244 = tpu.vector_load %arg5[%swap3A_242, %swap3A_243] {strides = array<i32>} : memref<104x1024xf32, #tpu.memory_space<vmem>>, vector<16xf32>,
      tpu.vector_store %arg5[%swap3A_242, %swap3A_243], %broadcast_in_dim3A_3 {strides = array<i32>} : memref<104x1024xf32, #tpu.memory_space<vmem>>, vector<16xf32>,
      %swap3A_245 = arith.index_cast %scan3A_61 : i32 to index
      %swap3A_246 = arith.constant 976 : index
      %swap3A_247 = tpu.vector_load %arg5[%swap3A_245, %swap3A_246] {strides = array<i32>} : memref<104x1024xf32, #tpu.memory_space<vmem>>, vector<16xf32>,
      tpu.vector_store %arg5[%swap3A_245, %swap3A_246], %broadcast_in_dim3A_3 {strides = array<i32>} : memref<104x1024xf32, #tpu.memory_space<vmem>>, vector<16xf32>,
      %swap3A_248 = arith.index_cast %scan3A_61 : i32 to index
      %swap3A_249 = arith.constant 992 : index
      %swap3A_250 = tpu.vector_load %arg5[%swap3A_248, %swap3A_249] {strides = array<i32>} : memref<104x1024xf32, #tpu.memory_space<vmem>>, vector<16xf32>,
      tpu.vector_store %arg5[%swap3A_248, %swap3A_249], %broadcast_in_dim3A_3 {strides = array<i32>} : memref<104x1024xf32, #tpu.memory_space<vmem>>, vector<16xf32>,
      %swap3A_251 = arith.index_cast %scan3A_61 : i32 to index
      %swap3A_252 = arith.constant 1008 : index
      %swap3A_253 = tpu.vector_load %arg5[%swap3A_251, %swap3A_252] {strides = array<i32>} : memref<104x1024xf32, #tpu.memory_space<vmem>>, vector<16xf32>,
      tpu.vector_store %arg5[%swap3A_251, %swap3A_252], %broadcast_in_dim3A_3 {strides = array<i32>} : memref<104x1024xf32, #tpu.memory_space<vmem>>, vector<16xf32>,
      %get3A = arith.index_cast %scan3A_61 : i32 to index
      %get3A_254 = arith.constant 0 : index
      %get3A_255 = tpu.vector_load %arg4[%get3A, %get3A_254] {strides = array<i32>} : memref<104x64xi32, #tpu.memory_space<vmem>>, vector<16xi32>,
      %lt3A = arith.cmpi slt, %get3A_255, %broadcast_in_dim3A_7 : vector<16xi32>
      %broadcast_in_dim3A_256 = vector.broadcast %scan3A_61 : i32 to vector<16xi32>
      tpu.vector_store_idx %arg5[%broadcast_in_dim3A_256, %get3A_255], %broadcast_in_dim3A_5 masked %lt3A {add = true} : memref<104x1024xf32, #tpu.memory_space<vmem>>[vector<16xi32>, vector<16xi32>], vector<16xf32>, vector<16xi1>
      %get3A_257 = arith.index_cast %scan3A_61 : i32 to index
      %get3A_258 = arith.constant 16 : index
      %get3A_259 = tpu.vector_load %arg4[%get3A_257, %get3A_258] {strides = array<i32>} : memref<104x64xi32, #tpu.memory_space<vmem>>, vector<16xi32>,
      %lt3A_260 = arith.cmpi slt, %get3A_259, %broadcast_in_dim3A_7 : vector<16xi32>
      %broadcast_in_dim3A_261 = vector.broadcast %scan3A_61 : i32 to vector<16xi32>
      tpu.vector_store_idx %arg5[%broadcast_in_dim3A_261, %get3A_259], %broadcast_in_dim3A_5 masked %lt3A_260 {add = true} : memref<104x1024xf32, #tpu.memory_space<vmem>>[vector<16xi32>, vector<16xi32>], vector<16xf32>, vector<16xi1>
      %get3A_262 = arith.index_cast %scan3A_61 : i32 to index
      %get3A_263 = arith.constant 32 : index
      %get3A_264 = tpu.vector_load %arg4[%get3A_262, %get3A_263] {strides = array<i32>} : memref<104x64xi32, #tpu.memory_space<vmem>>, vector<16xi32>,
      %lt3A_265 = arith.cmpi slt, %get3A_264, %broadcast_in_dim3A_7 : vector<16xi32>
      %broadcast_in_dim3A_266 = vector.broadcast %scan3A_61 : i32 to vector<16xi32>
      tpu.vector_store_idx %arg5[%broadcast_in_dim3A_266, %get3A_264], %broadcast_in_dim3A_5 masked %lt3A_265 {add = true} : memref<104x1024xf32, #tpu.memory_space<vmem>>[vector<16xi32>, vector<16xi32>], vector<16xf32>, vector<16xi1>
      %get3A_267 = arith.index_cast %scan3A_61 : i32 to index
      %get3A_268 = arith.constant 48 : index
      %get3A_269 = tpu.vector_load %arg4[%get3A_267, %get3A_268] {strides = array<i32>} : memref<104x64xi32, #tpu.memory_space<vmem>>, vector<16xi32>,
      %lt3A_270 = arith.cmpi slt, %get3A_269, %broadcast_in_dim3A_7 : vector<16xi32>
      %broadcast_in_dim3A_271 = vector.broadcast %scan3A_61 : i32 to vector<16xi32>
      tpu.vector_store_idx %arg5[%broadcast_in_dim3A_271, %get3A_269], %broadcast_in_dim3A_5 masked %lt3A_270 {add = true} : memref<104x1024xf32, #tpu.memory_space<vmem>>[vector<16xi32>, vector<16xi32>], vector<16xf32>, vector<16xi1>
      %scan3A_272 = arith.constant 0 : i32
      scf.yield %scan3A_272 : i32
    }
    %scan3A_13 = arith.constant 56 : i32
    %dma_start3A = arith.constant 0 : i32
    %dma_start3A_14 = arith.constant 0 : i32
    %dma_start3A_15 = tpu.memref_slice %arg5[%dma_start3A, %dma_start3A_14] : memref<104x1024xf32, #tpu.memory_space<vmem>> -> memref<56x1024xf32, #tpu.memory_space<vmem>>
    %dma_start3A_16 = arith.constant 0 : i32
    %dma_start3A_17 = tpu.memref_slice %arg3[%mul3A_2, %dma_start3A_16] : memref<3328x1024xf32, #tpu.memory_space<hbm>> -> memref<56x1024xf32, #tpu.memory_space<hbm>>
    %dma_start3A_18 = arith.constant 0 : i32
    %dma_start3A_19 = tpu.memref_slice %arg3[%mul3A_2, %dma_start3A_18] : memref<3328x1024xf32, #tpu.memory_space<hbm>> -> memref<56x1024xf32, #tpu.memory_space<hbm>>
    %dma_start3A_20 = arith.constant 0 : i32
    %dma_start3A_21 = arith.constant 0 : i32
    %dma_start3A_22 = tpu.memref_slice %arg5[%dma_start3A_20, %dma_start3A_21] : memref<104x1024xf32, #tpu.memory_space<vmem>> -> memref<56x1024xf32, #tpu.memory_space<vmem>>
    tpu.enqueue_dma source(%dma_start3A_22 : memref<56x1024xf32, #tpu.memory_space<vmem>>) target(%dma_start3A_19 : memref<56x1024xf32, #tpu.memory_space<hbm>>) target_semaphore(%arg6 : memref<!tpu.dma_semaphore, #tpu.memory_space<semaphore_mem>>)
    %scan3A_23 = arith.constant 0 : i32
    %scan3A_24 = arith.constant 56 : i32
    %scan3A_25 = arith.constant 48 : i32
    %scan3A_26 = arith.addi %scan3A_24, %scan3A_25 : i32
    %scan3A_27 = arith.constant 1 : i32
    %scan3A_28 = scf.for %scan3A_61 = %scan3A_24 to %scan3A_26 step %scan3A_27 iter_args(%scan3A_62 = %scan3A_23) -> (i32)  : i32 {
      %swap3A = arith.index_cast %scan3A_61 : i32 to index
      %swap3A_63 = arith.constant 0 : index
      %swap3A_64 = tpu.vector_load %arg5[%swap3A, %swap3A_63] {strides = array<i32>} : memref<104x1024xf32, #tpu.memory_space<vmem>>, vector<16xf32>,
      tpu.vector_store %arg5[%swap3A, %swap3A_63], %broadcast_in_dim3A_3 {strides = array<i32>} : memref<104x1024xf32, #tpu.memory_space<vmem>>, vector<16xf32>,
      %swap3A_65 = arith.index_cast %scan3A_61 : i32 to index
      %swap3A_66 = arith.constant 16 : index
      %swap3A_67 = tpu.vector_load %arg5[%swap3A_65, %swap3A_66] {strides = array<i32>} : memref<104x1024xf32, #tpu.memory_space<vmem>>, vector<16xf32>,
      tpu.vector_store %arg5[%swap3A_65, %swap3A_66], %broadcast_in_dim3A_3 {strides = array<i32>} : memref<104x1024xf32, #tpu.memory_space<vmem>>, vector<16xf32>,
      %swap3A_68 = arith.index_cast %scan3A_61 : i32 to index
      %swap3A_69 = arith.constant 32 : index
      %swap3A_70 = tpu.vector_load %arg5[%swap3A_68, %swap3A_69] {strides = array<i32>} : memref<104x1024xf32, #tpu.memory_space<vmem>>, vector<16xf32>,
      tpu.vector_store %arg5[%swap3A_68, %swap3A_69], %broadcast_in_dim3A_3 {strides = array<i32>} : memref<104x1024xf32, #tpu.memory_space<vmem>>, vector<16xf32>,
      %swap3A_71 = arith.index_cast %scan3A_61 : i32 to index
      %swap3A_72 = arith.constant 48 : index
      %swap3A_73 = tpu.vector_load %arg5[%swap3A_71, %swap3A_72] {strides = array<i32>} : memref<104x1024xf32, #tpu.memory_space<vmem>>, vector<16xf32>,
      tpu.vector_store %arg5[%swap3A_71, %swap3A_72], %broadcast_in_dim3A_3 {strides = array<i32>} : memref<104x1024xf32, #tpu.memory_space<vmem>>, vector<16xf32>,
      %swap3A_74 = arith.index_cast %scan3A_61 : i32 to index
      %swap3A_75 = arith.constant 64 : index
      %swap3A_76 = tpu.vector_load %arg5[%swap3A_74, %swap3A_75] {strides = array<i32>} : memref<104x1024xf32, #tpu.memory_space<vmem>>, vector<16xf32>,
      tpu.vector_store %arg5[%swap3A_74, %swap3A_75], %broadcast_in_dim3A_3 {strides = array<i32>} : memref<104x1024xf32, #tpu.memory_space<vmem>>, vector<16xf32>,
      %swap3A_77 = arith.index_cast %scan3A_61 : i32 to index
      %swap3A_78 = arith.constant 80 : index
      %swap3A_79 = tpu.vector_load %arg5[%swap3A_77, %swap3A_78] {strides = array<i32>} : memref<104x1024xf32, #tpu.memory_space<vmem>>, vector<16xf32>,
      tpu.vector_store %arg5[%swap3A_77, %swap3A_78], %broadcast_in_dim3A_3 {strides = array<i32>} : memref<104x1024xf32, #tpu.memory_space<vmem>>, vector<16xf32>,
      %swap3A_80 = arith.index_cast %scan3A_61 : i32 to index
      %swap3A_81 = arith.constant 96 : index
      %swap3A_82 = tpu.vector_load %arg5[%swap3A_80, %swap3A_81] {strides = array<i32>} : memref<104x1024xf32, #tpu.memory_space<vmem>>, vector<16xf32>,
      tpu.vector_store %arg5[%swap3A_80, %swap3A_81], %broadcast_in_dim3A_3 {strides = array<i32>} : memref<104x1024xf32, #tpu.memory_space<vmem>>, vector<16xf32>,
      %swap3A_83 = arith.index_cast %scan3A_61 : i32 to index
      %swap3A_84 = arith.constant 112 : index
      %swap3A_85 = tpu.vector_load %arg5[%swap3A_83, %swap3A_84] {strides = array<i32>} : memref<104x1024xf32, #tpu.memory_space<vmem>>, vector<16xf32>,
      tpu.vector_store %arg5[%swap3A_83, %swap3A_84], %broadcast_in_dim3A_3 {strides = array<i32>} : memref<104x1024xf32, #tpu.memory_space<vmem>>, vector<16xf32>,
      %swap3A_86 = arith.index_cast %scan3A_61 : i32 to index
      %swap3A_87 = arith.constant 128 : index
      %swap3A_88 = tpu.vector_load %arg5[%swap3A_86, %swap3A_87] {strides = array<i32>} : memref<104x1024xf32, #tpu.memory_space<vmem>>, vector<16xf32>,
      tpu.vector_store %arg5[%swap3A_86, %swap3A_87], %broadcast_in_dim3A_3 {strides = array<i32>} : memref<104x1024xf32, #tpu.memory_space<vmem>>, vector<16xf32>,
      %swap3A_89 = arith.index_cast %scan3A_61 : i32 to index
      %swap3A_90 = arith.constant 144 : index
      %swap3A_91 = tpu.vector_load %arg5[%swap3A_89, %swap3A_90] {strides = array<i32>} : memref<104x1024xf32, #tpu.memory_space<vmem>>, vector<16xf32>,
      tpu.vector_store %arg5[%swap3A_89, %swap3A_90], %broadcast_in_dim3A_3 {strides = array<i32>} : memref<104x1024xf32, #tpu.memory_space<vmem>>, vector<16xf32>,
      %swap3A_92 = arith.index_cast %scan3A_61 : i32 to index
      %swap3A_93 = arith.constant 160 : index
      %swap3A_94 = tpu.vector_load %arg5[%swap3A_92, %swap3A_93] {strides = array<i32>} : memref<104x1024xf32, #tpu.memory_space<vmem>>, vector<16xf32>,
      tpu.vector_store %arg5[%swap3A_92, %swap3A_93], %broadcast_in_dim3A_3 {strides = array<i32>} : memref<104x1024xf32, #tpu.memory_space<vmem>>, vector<16xf32>,
      %swap3A_95 = arith.index_cast %scan3A_61 : i32 to index
      %swap3A_96 = arith.constant 176 : index
      %swap3A_97 = tpu.vector_load %arg5[%swap3A_95, %swap3A_96] {strides = array<i32>} : memref<104x1024xf32, #tpu.memory_space<vmem>>, vector<16xf32>,
      tpu.vector_store %arg5[%swap3A_95, %swap3A_96], %broadcast_in_dim3A_3 {strides = array<i32>} : memref<104x1024xf32, #tpu.memory_space<vmem>>, vector<16xf32>,
      %swap3A_98 = arith.index_cast %scan3A_61 : i32 to index
      %swap3A_99 = arith.constant 192 : index
      %swap3A_100 = tpu.vector_load %arg5[%swap3A_98, %swap3A_99] {strides = array<i32>} : memref<104x1024xf32, #tpu.memory_space<vmem>>, vector<16xf32>,
      tpu.vector_store %arg5[%swap3A_98, %swap3A_99], %broadcast_in_dim3A_3 {strides = array<i32>} : memref<104x1024xf32, #tpu.memory_space<vmem>>, vector<16xf32>,
      %swap3A_101 = arith.index_cast %scan3A_61 : i32 to index
      %swap3A_102 = arith.constant 208 : index
      %swap3A_103 = tpu.vector_load %arg5[%swap3A_101, %swap3A_102] {strides = array<i32>} : memref<104x1024xf32, #tpu.memory_space<vmem>>, vector<16xf32>,
      tpu.vector_store %arg5[%swap3A_101, %swap3A_102], %broadcast_in_dim3A_3 {strides = array<i32>} : memref<104x1024xf32, #tpu.memory_space<vmem>>, vector<16xf32>,
      %swap3A_104 = arith.index_cast %scan3A_61 : i32 to index
      %swap3A_105 = arith.constant 224 : index
      %swap3A_106 = tpu.vector_load %arg5[%swap3A_104, %swap3A_105] {strides = array<i32>} : memref<104x1024xf32, #tpu.memory_space<vmem>>, vector<16xf32>,
      tpu.vector_store %arg5[%swap3A_104, %swap3A_105], %broadcast_in_dim3A_3 {strides = array<i32>} : memref<104x1024xf32, #tpu.memory_space<vmem>>, vector<16xf32>,
      %swap3A_107 = arith.index_cast %scan3A_61 : i32 to index
      %swap3A_108 = arith.constant 240 : index
      %swap3A_109 = tpu.vector_load %arg5[%swap3A_107, %swap3A_108] {strides = array<i32>} : memref<104x1024xf32, #tpu.memory_space<vmem>>, vector<16xf32>,
      tpu.vector_store %arg5[%swap3A_107, %swap3A_108], %broadcast_in_dim3A_3 {strides = array<i32>} : memref<104x1024xf32, #tpu.memory_space<vmem>>, vector<16xf32>,
      %swap3A_110 = arith.index_cast %scan3A_61 : i32 to index
      %swap3A_111 = arith.constant 256 : index
      %swap3A_112 = tpu.vector_load %arg5[%swap3A_110, %swap3A_111] {strides = array<i32>} : memref<104x1024xf32, #tpu.memory_space<vmem>>, vector<16xf32>,
      tpu.vector_store %arg5[%swap3A_110, %swap3A_111], %broadcast_in_dim3A_3 {strides = array<i32>} : memref<104x1024xf32, #tpu.memory_space<vmem>>, vector<16xf32>,
      %swap3A_113 = arith.index_cast %scan3A_61 : i32 to index
      %swap3A_114 = arith.constant 272 : index
      %swap3A_115 = tpu.vector_load %arg5[%swap3A_113, %swap3A_114] {strides = array<i32>} : memref<104x1024xf32, #tpu.memory_space<vmem>>, vector<16xf32>,
      tpu.vector_store %arg5[%swap3A_113, %swap3A_114], %broadcast_in_dim3A_3 {strides = array<i32>} : memref<104x1024xf32, #tpu.memory_space<vmem>>, vector<16xf32>,
      %swap3A_116 = arith.index_cast %scan3A_61 : i32 to index
      %swap3A_117 = arith.constant 288 : index
      %swap3A_118 = tpu.vector_load %arg5[%swap3A_116, %swap3A_117] {strides = array<i32>} : memref<104x1024xf32, #tpu.memory_space<vmem>>, vector<16xf32>,
      tpu.vector_store %arg5[%swap3A_116, %swap3A_117], %broadcast_in_dim3A_3 {strides = array<i32>} : memref<104x1024xf32, #tpu.memory_space<vmem>>, vector<16xf32>,
      %swap3A_119 = arith.index_cast %scan3A_61 : i32 to index
      %swap3A_120 = arith.constant 304 : index
      %swap3A_121 = tpu.vector_load %arg5[%swap3A_119, %swap3A_120] {strides = array<i32>} : memref<104x1024xf32, #tpu.memory_space<vmem>>, vector<16xf32>,
      tpu.vector_store %arg5[%swap3A_119, %swap3A_120], %broadcast_in_dim3A_3 {strides = array<i32>} : memref<104x1024xf32, #tpu.memory_space<vmem>>, vector<16xf32>,
      %swap3A_122 = arith.index_cast %scan3A_61 : i32 to index
      %swap3A_123 = arith.constant 320 : index
      %swap3A_124 = tpu.vector_load %arg5[%swap3A_122, %swap3A_123] {strides = array<i32>} : memref<104x1024xf32, #tpu.memory_space<vmem>>, vector<16xf32>,
      tpu.vector_store %arg5[%swap3A_122, %swap3A_123], %broadcast_in_dim3A_3 {strides = array<i32>} : memref<104x1024xf32, #tpu.memory_space<vmem>>, vector<16xf32>,
      %swap3A_125 = arith.index_cast %scan3A_61 : i32 to index
      %swap3A_126 = arith.constant 336 : index
      %swap3A_127 = tpu.vector_load %arg5[%swap3A_125, %swap3A_126] {strides = array<i32>} : memref<104x1024xf32, #tpu.memory_space<vmem>>, vector<16xf32>,
      tpu.vector_store %arg5[%swap3A_125, %swap3A_126], %broadcast_in_dim3A_3 {strides = array<i32>} : memref<104x1024xf32, #tpu.memory_space<vmem>>, vector<16xf32>,
      %swap3A_128 = arith.index_cast %scan3A_61 : i32 to index
      %swap3A_129 = arith.constant 352 : index
      %swap3A_130 = tpu.vector_load %arg5[%swap3A_128, %swap3A_129] {strides = array<i32>} : memref<104x1024xf32, #tpu.memory_space<vmem>>, vector<16xf32>,
      tpu.vector_store %arg5[%swap3A_128, %swap3A_129], %broadcast_in_dim3A_3 {strides = array<i32>} : memref<104x1024xf32, #tpu.memory_space<vmem>>, vector<16xf32>,
      %swap3A_131 = arith.index_cast %scan3A_61 : i32 to index
      %swap3A_132 = arith.constant 368 : index
      %swap3A_133 = tpu.vector_load %arg5[%swap3A_131, %swap3A_132] {strides = array<i32>} : memref<104x1024xf32, #tpu.memory_space<vmem>>, vector<16xf32>,
      tpu.vector_store %arg5[%swap3A_131, %swap3A_132], %broadcast_in_dim3A_3 {strides = array<i32>} : memref<104x1024xf32, #tpu.memory_space<vmem>>, vector<16xf32>,
      %swap3A_134 = arith.index_cast %scan3A_61 : i32 to index
      %swap3A_135 = arith.constant 384 : index
      %swap3A_136 = tpu.vector_load %arg5[%swap3A_134, %swap3A_135] {strides = array<i32>} : memref<104x1024xf32, #tpu.memory_space<vmem>>, vector<16xf32>,
      tpu.vector_store %arg5[%swap3A_134, %swap3A_135], %broadcast_in_dim3A_3 {strides = array<i32>} : memref<104x1024xf32, #tpu.memory_space<vmem>>, vector<16xf32>,
      %swap3A_137 = arith.index_cast %scan3A_61 : i32 to index
      %swap3A_138 = arith.constant 400 : index
      %swap3A_139 = tpu.vector_load %arg5[%swap3A_137, %swap3A_138] {strides = array<i32>} : memref<104x1024xf32, #tpu.memory_space<vmem>>, vector<16xf32>,
      tpu.vector_store %arg5[%swap3A_137, %swap3A_138], %broadcast_in_dim3A_3 {strides = array<i32>} : memref<104x1024xf32, #tpu.memory_space<vmem>>, vector<16xf32>,
      %swap3A_140 = arith.index_cast %scan3A_61 : i32 to index
      %swap3A_141 = arith.constant 416 : index
      %swap3A_142 = tpu.vector_load %arg5[%swap3A_140, %swap3A_141] {strides = array<i32>} : memref<104x1024xf32, #tpu.memory_space<vmem>>, vector<16xf32>,
      tpu.vector_store %arg5[%swap3A_140, %swap3A_141], %broadcast_in_dim3A_3 {strides = array<i32>} : memref<104x1024xf32, #tpu.memory_space<vmem>>, vector<16xf32>,
      %swap3A_143 = arith.index_cast %scan3A_61 : i32 to index
      %swap3A_144 = arith.constant 432 : index
      %swap3A_145 = tpu.vector_load %arg5[%swap3A_143, %swap3A_144] {strides = array<i32>} : memref<104x1024xf32, #tpu.memory_space<vmem>>, vector<16xf32>,
      tpu.vector_store %arg5[%swap3A_143, %swap3A_144], %broadcast_in_dim3A_3 {strides = array<i32>} : memref<104x1024xf32, #tpu.memory_space<vmem>>, vector<16xf32>,
      %swap3A_146 = arith.index_cast %scan3A_61 : i32 to index
      %swap3A_147 = arith.constant 448 : index
      %swap3A_148 = tpu.vector_load %arg5[%swap3A_146, %swap3A_147] {strides = array<i32>} : memref<104x1024xf32, #tpu.memory_space<vmem>>, vector<16xf32>,
      tpu.vector_store %arg5[%swap3A_146, %swap3A_147], %broadcast_in_dim3A_3 {strides = array<i32>} : memref<104x1024xf32, #tpu.memory_space<vmem>>, vector<16xf32>,
      %swap3A_149 = arith.index_cast %scan3A_61 : i32 to index
      %swap3A_150 = arith.constant 464 : index
      %swap3A_151 = tpu.vector_load %arg5[%swap3A_149, %swap3A_150] {strides = array<i32>} : memref<104x1024xf32, #tpu.memory_space<vmem>>, vector<16xf32>,
      tpu.vector_store %arg5[%swap3A_149, %swap3A_150], %broadcast_in_dim3A_3 {strides = array<i32>} : memref<104x1024xf32, #tpu.memory_space<vmem>>, vector<16xf32>,
      %swap3A_152 = arith.index_cast %scan3A_61 : i32 to index
      %swap3A_153 = arith.constant 480 : index
      %swap3A_154 = tpu.vector_load %arg5[%swap3A_152, %swap3A_153] {strides = array<i32>} : memref<104x1024xf32, #tpu.memory_space<vmem>>, vector<16xf32>,
      tpu.vector_store %arg5[%swap3A_152, %swap3A_153], %broadcast_in_dim3A_3 {strides = array<i32>} : memref<104x1024xf32, #tpu.memory_space<vmem>>, vector<16xf32>,
      %swap3A_155 = arith.index_cast %scan3A_61 : i32 to index
      %swap3A_156 = arith.constant 496 : index
      %swap3A_157 = tpu.vector_load %arg5[%swap3A_155, %swap3A_156] {strides = array<i32>} : memref<104x1024xf32, #tpu.memory_space<vmem>>, vector<16xf32>,
      tpu.vector_store %arg5[%swap3A_155, %swap3A_156], %broadcast_in_dim3A_3 {strides = array<i32>} : memref<104x1024xf32, #tpu.memory_space<vmem>>, vector<16xf32>,
      %swap3A_158 = arith.index_cast %scan3A_61 : i32 to index
      %swap3A_159 = arith.constant 512 : index
      %swap3A_160 = tpu.vector_load %arg5[%swap3A_158, %swap3A_159] {strides = array<i32>} : memref<104x1024xf32, #tpu.memory_space<vmem>>, vector<16xf32>,
      tpu.vector_store %arg5[%swap3A_158, %swap3A_159], %broadcast_in_dim3A_3 {strides = array<i32>} : memref<104x1024xf32, #tpu.memory_space<vmem>>, vector<16xf32>,
      %swap3A_161 = arith.index_cast %scan3A_61 : i32 to index
      %swap3A_162 = arith.constant 528 : index
      %swap3A_163 = tpu.vector_load %arg5[%swap3A_161, %swap3A_162] {strides = array<i32>} : memref<104x1024xf32, #tpu.memory_space<vmem>>, vector<16xf32>,
      tpu.vector_store %arg5[%swap3A_161, %swap3A_162], %broadcast_in_dim3A_3 {strides = array<i32>} : memref<104x1024xf32, #tpu.memory_space<vmem>>, vector<16xf32>,
      %swap3A_164 = arith.index_cast %scan3A_61 : i32 to index
      %swap3A_165 = arith.constant 544 : index
      %swap3A_166 = tpu.vector_load %arg5[%swap3A_164, %swap3A_165] {strides = array<i32>} : memref<104x1024xf32, #tpu.memory_space<vmem>>, vector<16xf32>,
      tpu.vector_store %arg5[%swap3A_164, %swap3A_165], %broadcast_in_dim3A_3 {strides = array<i32>} : memref<104x1024xf32, #tpu.memory_space<vmem>>, vector<16xf32>,
      %swap3A_167 = arith.index_cast %scan3A_61 : i32 to index
      %swap3A_168 = arith.constant 560 : index
      %swap3A_169 = tpu.vector_load %arg5[%swap3A_167, %swap3A_168] {strides = array<i32>} : memref<104x1024xf32, #tpu.memory_space<vmem>>, vector<16xf32>,
      tpu.vector_store %arg5[%swap3A_167, %swap3A_168], %broadcast_in_dim3A_3 {strides = array<i32>} : memref<104x1024xf32, #tpu.memory_space<vmem>>, vector<16xf32>,
      %swap3A_170 = arith.index_cast %scan3A_61 : i32 to index
      %swap3A_171 = arith.constant 576 : index
      %swap3A_172 = tpu.vector_load %arg5[%swap3A_170, %swap3A_171] {strides = array<i32>} : memref<104x1024xf32, #tpu.memory_space<vmem>>, vector<16xf32>,
      tpu.vector_store %arg5[%swap3A_170, %swap3A_171], %broadcast_in_dim3A_3 {strides = array<i32>} : memref<104x1024xf32, #tpu.memory_space<vmem>>, vector<16xf32>,
      %swap3A_173 = arith.index_cast %scan3A_61 : i32 to index
      %swap3A_174 = arith.constant 592 : index
      %swap3A_175 = tpu.vector_load %arg5[%swap3A_173, %swap3A_174] {strides = array<i32>} : memref<104x1024xf32, #tpu.memory_space<vmem>>, vector<16xf32>,
      tpu.vector_store %arg5[%swap3A_173, %swap3A_174], %broadcast_in_dim3A_3 {strides = array<i32>} : memref<104x1024xf32, #tpu.memory_space<vmem>>, vector<16xf32>,
      %swap3A_176 = arith.index_cast %scan3A_61 : i32 to index
      %swap3A_177 = arith.constant 608 : index
      %swap3A_178 = tpu.vector_load %arg5[%swap3A_176, %swap3A_177] {strides = array<i32>} : memref<104x1024xf32, #tpu.memory_space<vmem>>, vector<16xf32>,
      tpu.vector_store %arg5[%swap3A_176, %swap3A_177], %broadcast_in_dim3A_3 {strides = array<i32>} : memref<104x1024xf32, #tpu.memory_space<vmem>>, vector<16xf32>,
      %swap3A_179 = arith.index_cast %scan3A_61 : i32 to index
      %swap3A_180 = arith.constant 624 : index
      %swap3A_181 = tpu.vector_load %arg5[%swap3A_179, %swap3A_180] {strides = array<i32>} : memref<104x1024xf32, #tpu.memory_space<vmem>>, vector<16xf32>,
      tpu.vector_store %arg5[%swap3A_179, %swap3A_180], %broadcast_in_dim3A_3 {strides = array<i32>} : memref<104x1024xf32, #tpu.memory_space<vmem>>, vector<16xf32>,
      %swap3A_182 = arith.index_cast %scan3A_61 : i32 to index
      %swap3A_183 = arith.constant 640 : index
      %swap3A_184 = tpu.vector_load %arg5[%swap3A_182, %swap3A_183] {strides = array<i32>} : memref<104x1024xf32, #tpu.memory_space<vmem>>, vector<16xf32>,
      tpu.vector_store %arg5[%swap3A_182, %swap3A_183], %broadcast_in_dim3A_3 {strides = array<i32>} : memref<104x1024xf32, #tpu.memory_space<vmem>>, vector<16xf32>,
      %swap3A_185 = arith.index_cast %scan3A_61 : i32 to index
      %swap3A_186 = arith.constant 656 : index
      %swap3A_187 = tpu.vector_load %arg5[%swap3A_185, %swap3A_186] {strides = array<i32>} : memref<104x1024xf32, #tpu.memory_space<vmem>>, vector<16xf32>,
      tpu.vector_store %arg5[%swap3A_185, %swap3A_186], %broadcast_in_dim3A_3 {strides = array<i32>} : memref<104x1024xf32, #tpu.memory_space<vmem>>, vector<16xf32>,
      %swap3A_188 = arith.index_cast %scan3A_61 : i32 to index
      %swap3A_189 = arith.constant 672 : index
      %swap3A_190 = tpu.vector_load %arg5[%swap3A_188, %swap3A_189] {strides = array<i32>} : memref<104x1024xf32, #tpu.memory_space<vmem>>, vector<16xf32>,
      tpu.vector_store %arg5[%swap3A_188, %swap3A_189], %broadcast_in_dim3A_3 {strides = array<i32>} : memref<104x1024xf32, #tpu.memory_space<vmem>>, vector<16xf32>,
      %swap3A_191 = arith.index_cast %scan3A_61 : i32 to index
      %swap3A_192 = arith.constant 688 : index
      %swap3A_193 = tpu.vector_load %arg5[%swap3A_191, %swap3A_192] {strides = array<i32>} : memref<104x1024xf32, #tpu.memory_space<vmem>>, vector<16xf32>,
      tpu.vector_store %arg5[%swap3A_191, %swap3A_192], %broadcast_in_dim3A_3 {strides = array<i32>} : memref<104x1024xf32, #tpu.memory_space<vmem>>, vector<16xf32>,
      %swap3A_194 = arith.index_cast %scan3A_61 : i32 to index
      %swap3A_195 = arith.constant 704 : index
      %swap3A_196 = tpu.vector_load %arg5[%swap3A_194, %swap3A_195] {strides = array<i32>} : memref<104x1024xf32, #tpu.memory_space<vmem>>, vector<16xf32>,
      tpu.vector_store %arg5[%swap3A_194, %swap3A_195], %broadcast_in_dim3A_3 {strides = array<i32>} : memref<104x1024xf32, #tpu.memory_space<vmem>>, vector<16xf32>,
      %swap3A_197 = arith.index_cast %scan3A_61 : i32 to index
      %swap3A_198 = arith.constant 720 : index
      %swap3A_199 = tpu.vector_load %arg5[%swap3A_197, %swap3A_198] {strides = array<i32>} : memref<104x1024xf32, #tpu.memory_space<vmem>>, vector<16xf32>,
      tpu.vector_store %arg5[%swap3A_197, %swap3A_198], %broadcast_in_dim3A_3 {strides = array<i32>} : memref<104x1024xf32, #tpu.memory_space<vmem>>, vector<16xf32>,
      %swap3A_200 = arith.index_cast %scan3A_61 : i32 to index
      %swap3A_201 = arith.constant 736 : index
      %swap3A_202 = tpu.vector_load %arg5[%swap3A_200, %swap3A_201] {strides = array<i32>} : memref<104x1024xf32, #tpu.memory_space<vmem>>, vector<16xf32>,
      tpu.vector_store %arg5[%swap3A_200, %swap3A_201], %broadcast_in_dim3A_3 {strides = array<i32>} : memref<104x1024xf32, #tpu.memory_space<vmem>>, vector<16xf32>,
      %swap3A_203 = arith.index_cast %scan3A_61 : i32 to index
      %swap3A_204 = arith.constant 752 : index
      %swap3A_205 = tpu.vector_load %arg5[%swap3A_203, %swap3A_204] {strides = array<i32>} : memref<104x1024xf32, #tpu.memory_space<vmem>>, vector<16xf32>,
      tpu.vector_store %arg5[%swap3A_203, %swap3A_204], %broadcast_in_dim3A_3 {strides = array<i32>} : memref<104x1024xf32, #tpu.memory_space<vmem>>, vector<16xf32>,
      %swap3A_206 = arith.index_cast %scan3A_61 : i32 to index
      %swap3A_207 = arith.constant 768 : index
      %swap3A_208 = tpu.vector_load %arg5[%swap3A_206, %swap3A_207] {strides = array<i32>} : memref<104x1024xf32, #tpu.memory_space<vmem>>, vector<16xf32>,
      tpu.vector_store %arg5[%swap3A_206, %swap3A_207], %broadcast_in_dim3A_3 {strides = array<i32>} : memref<104x1024xf32, #tpu.memory_space<vmem>>, vector<16xf32>,
      %swap3A_209 = arith.index_cast %scan3A_61 : i32 to index
      %swap3A_210 = arith.constant 784 : index
      %swap3A_211 = tpu.vector_load %arg5[%swap3A_209, %swap3A_210] {strides = array<i32>} : memref<104x1024xf32, #tpu.memory_space<vmem>>, vector<16xf32>,
      tpu.vector_store %arg5[%swap3A_209, %swap3A_210], %broadcast_in_dim3A_3 {strides = array<i32>} : memref<104x1024xf32, #tpu.memory_space<vmem>>, vector<16xf32>,
      %swap3A_212 = arith.index_cast %scan3A_61 : i32 to index
      %swap3A_213 = arith.constant 800 : index
      %swap3A_214 = tpu.vector_load %arg5[%swap3A_212, %swap3A_213] {strides = array<i32>} : memref<104x1024xf32, #tpu.memory_space<vmem>>, vector<16xf32>,
      tpu.vector_store %arg5[%swap3A_212, %swap3A_213], %broadcast_in_dim3A_3 {strides = array<i32>} : memref<104x1024xf32, #tpu.memory_space<vmem>>, vector<16xf32>,
      %swap3A_215 = arith.index_cast %scan3A_61 : i32 to index
      %swap3A_216 = arith.constant 816 : index
      %swap3A_217 = tpu.vector_load %arg5[%swap3A_215, %swap3A_216] {strides = array<i32>} : memref<104x1024xf32, #tpu.memory_space<vmem>>, vector<16xf32>,
      tpu.vector_store %arg5[%swap3A_215, %swap3A_216], %broadcast_in_dim3A_3 {strides = array<i32>} : memref<104x1024xf32, #tpu.memory_space<vmem>>, vector<16xf32>,
      %swap3A_218 = arith.index_cast %scan3A_61 : i32 to index
      %swap3A_219 = arith.constant 832 : index
      %swap3A_220 = tpu.vector_load %arg5[%swap3A_218, %swap3A_219] {strides = array<i32>} : memref<104x1024xf32, #tpu.memory_space<vmem>>, vector<16xf32>,
      tpu.vector_store %arg5[%swap3A_218, %swap3A_219], %broadcast_in_dim3A_3 {strides = array<i32>} : memref<104x1024xf32, #tpu.memory_space<vmem>>, vector<16xf32>,
      %swap3A_221 = arith.index_cast %scan3A_61 : i32 to index
      %swap3A_222 = arith.constant 848 : index
      %swap3A_223 = tpu.vector_load %arg5[%swap3A_221, %swap3A_222] {strides = array<i32>} : memref<104x1024xf32, #tpu.memory_space<vmem>>, vector<16xf32>,
      tpu.vector_store %arg5[%swap3A_221, %swap3A_222], %broadcast_in_dim3A_3 {strides = array<i32>} : memref<104x1024xf32, #tpu.memory_space<vmem>>, vector<16xf32>,
      %swap3A_224 = arith.index_cast %scan3A_61 : i32 to index
      %swap3A_225 = arith.constant 864 : index
      %swap3A_226 = tpu.vector_load %arg5[%swap3A_224, %swap3A_225] {strides = array<i32>} : memref<104x1024xf32, #tpu.memory_space<vmem>>, vector<16xf32>,
      tpu.vector_store %arg5[%swap3A_224, %swap3A_225], %broadcast_in_dim3A_3 {strides = array<i32>} : memref<104x1024xf32, #tpu.memory_space<vmem>>, vector<16xf32>,
      %swap3A_227 = arith.index_cast %scan3A_61 : i32 to index
      %swap3A_228 = arith.constant 880 : index
      %swap3A_229 = tpu.vector_load %arg5[%swap3A_227, %swap3A_228] {strides = array<i32>} : memref<104x1024xf32, #tpu.memory_space<vmem>>, vector<16xf32>,
      tpu.vector_store %arg5[%swap3A_227, %swap3A_228], %broadcast_in_dim3A_3 {strides = array<i32>} : memref<104x1024xf32, #tpu.memory_space<vmem>>, vector<16xf32>,
      %swap3A_230 = arith.index_cast %scan3A_61 : i32 to index
      %swap3A_231 = arith.constant 896 : index
      %swap3A_232 = tpu.vector_load %arg5[%swap3A_230, %swap3A_231] {strides = array<i32>} : memref<104x1024xf32, #tpu.memory_space<vmem>>, vector<16xf32>,
      tpu.vector_store %arg5[%swap3A_230, %swap3A_231], %broadcast_in_dim3A_3 {strides = array<i32>} : memref<104x1024xf32, #tpu.memory_space<vmem>>, vector<16xf32>,
      %swap3A_233 = arith.index_cast %scan3A_61 : i32 to index
      %swap3A_234 = arith.constant 912 : index
      %swap3A_235 = tpu.vector_load %arg5[%swap3A_233, %swap3A_234] {strides = array<i32>} : memref<104x1024xf32, #tpu.memory_space<vmem>>, vector<16xf32>,
      tpu.vector_store %arg5[%swap3A_233, %swap3A_234], %broadcast_in_dim3A_3 {strides = array<i32>} : memref<104x1024xf32, #tpu.memory_space<vmem>>, vector<16xf32>,
      %swap3A_236 = arith.index_cast %scan3A_61 : i32 to index
      %swap3A_237 = arith.constant 928 : index
      %swap3A_238 = tpu.vector_load %arg5[%swap3A_236, %swap3A_237] {strides = array<i32>} : memref<104x1024xf32, #tpu.memory_space<vmem>>, vector<16xf32>,
      tpu.vector_store %arg5[%swap3A_236, %swap3A_237], %broadcast_in_dim3A_3 {strides = array<i32>} : memref<104x1024xf32, #tpu.memory_space<vmem>>, vector<16xf32>,
      %swap3A_239 = arith.index_cast %scan3A_61 : i32 to index
      %swap3A_240 = arith.constant 944 : index
      %swap3A_241 = tpu.vector_load %arg5[%swap3A_239, %swap3A_240] {strides = array<i32>} : memref<104x1024xf32, #tpu.memory_space<vmem>>, vector<16xf32>,
      tpu.vector_store %arg5[%swap3A_239, %swap3A_240], %broadcast_in_dim3A_3 {strides = array<i32>} : memref<104x1024xf32, #tpu.memory_space<vmem>>, vector<16xf32>,
      %swap3A_242 = arith.index_cast %scan3A_61 : i32 to index
      %swap3A_243 = arith.constant 960 : index
      %swap3A_244 = tpu.vector_load %arg5[%swap3A_242, %swap3A_243] {strides = array<i32>} : memref<104x1024xf32, #tpu.memory_space<vmem>>, vector<16xf32>,
      tpu.vector_store %arg5[%swap3A_242, %swap3A_243], %broadcast_in_dim3A_3 {strides = array<i32>} : memref<104x1024xf32, #tpu.memory_space<vmem>>, vector<16xf32>,
      %swap3A_245 = arith.index_cast %scan3A_61 : i32 to index
      %swap3A_246 = arith.constant 976 : index
      %swap3A_247 = tpu.vector_load %arg5[%swap3A_245, %swap3A_246] {strides = array<i32>} : memref<104x1024xf32, #tpu.memory_space<vmem>>, vector<16xf32>,
      tpu.vector_store %arg5[%swap3A_245, %swap3A_246], %broadcast_in_dim3A_3 {strides = array<i32>} : memref<104x1024xf32, #tpu.memory_space<vmem>>, vector<16xf32>,
      %swap3A_248 = arith.index_cast %scan3A_61 : i32 to index
      %swap3A_249 = arith.constant 992 : index
      %swap3A_250 = tpu.vector_load %arg5[%swap3A_248, %swap3A_249] {strides = array<i32>} : memref<104x1024xf32, #tpu.memory_space<vmem>>, vector<16xf32>,
      tpu.vector_store %arg5[%swap3A_248, %swap3A_249], %broadcast_in_dim3A_3 {strides = array<i32>} : memref<104x1024xf32, #tpu.memory_space<vmem>>, vector<16xf32>,
      %swap3A_251 = arith.index_cast %scan3A_61 : i32 to index
      %swap3A_252 = arith.constant 1008 : index
      %swap3A_253 = tpu.vector_load %arg5[%swap3A_251, %swap3A_252] {strides = array<i32>} : memref<104x1024xf32, #tpu.memory_space<vmem>>, vector<16xf32>,
      tpu.vector_store %arg5[%swap3A_251, %swap3A_252], %broadcast_in_dim3A_3 {strides = array<i32>} : memref<104x1024xf32, #tpu.memory_space<vmem>>, vector<16xf32>,
      %get3A = arith.index_cast %scan3A_61 : i32 to index
      %get3A_254 = arith.constant 0 : index
      %get3A_255 = tpu.vector_load %arg4[%get3A, %get3A_254] {strides = array<i32>} : memref<104x64xi32, #tpu.memory_space<vmem>>, vector<16xi32>,
      %lt3A = arith.cmpi slt, %get3A_255, %broadcast_in_dim3A_7 : vector<16xi32>
      %broadcast_in_dim3A_256 = vector.broadcast %scan3A_61 : i32 to vector<16xi32>
      tpu.vector_store_idx %arg5[%broadcast_in_dim3A_256, %get3A_255], %broadcast_in_dim3A_5 masked %lt3A {add = true} : memref<104x1024xf32, #tpu.memory_space<vmem>>[vector<16xi32>, vector<16xi32>], vector<16xf32>, vector<16xi1>
      %get3A_257 = arith.index_cast %scan3A_61 : i32 to index
      %get3A_258 = arith.constant 16 : index
      %get3A_259 = tpu.vector_load %arg4[%get3A_257, %get3A_258] {strides = array<i32>} : memref<104x64xi32, #tpu.memory_space<vmem>>, vector<16xi32>,
      %lt3A_260 = arith.cmpi slt, %get3A_259, %broadcast_in_dim3A_7 : vector<16xi32>
      %broadcast_in_dim3A_261 = vector.broadcast %scan3A_61 : i32 to vector<16xi32>
      tpu.vector_store_idx %arg5[%broadcast_in_dim3A_261, %get3A_259], %broadcast_in_dim3A_5 masked %lt3A_260 {add = true} : memref<104x1024xf32, #tpu.memory_space<vmem>>[vector<16xi32>, vector<16xi32>], vector<16xf32>, vector<16xi1>
      %get3A_262 = arith.index_cast %scan3A_61 : i32 to index
      %get3A_263 = arith.constant 32 : index
      %get3A_264 = tpu.vector_load %arg4[%get3A_262, %get3A_263] {strides = array<i32>} : memref<104x64xi32, #tpu.memory_space<vmem>>, vector<16xi32>,
      %lt3A_265 = arith.cmpi slt, %get3A_264, %broadcast_in_dim3A_7 : vector<16xi32>
      %broadcast_in_dim3A_266 = vector.broadcast %scan3A_61 : i32 to vector<16xi32>
      tpu.vector_store_idx %arg5[%broadcast_in_dim3A_266, %get3A_264], %broadcast_in_dim3A_5 masked %lt3A_265 {add = true} : memref<104x1024xf32, #tpu.memory_space<vmem>>[vector<16xi32>, vector<16xi32>], vector<16xf32>, vector<16xi1>
      %get3A_267 = arith.index_cast %scan3A_61 : i32 to index
      %get3A_268 = arith.constant 48 : index
      %get3A_269 = tpu.vector_load %arg4[%get3A_267, %get3A_268] {strides = array<i32>} : memref<104x64xi32, #tpu.memory_space<vmem>>, vector<16xi32>,
      %lt3A_270 = arith.cmpi slt, %get3A_269, %broadcast_in_dim3A_7 : vector<16xi32>
      %broadcast_in_dim3A_271 = vector.broadcast %scan3A_61 : i32 to vector<16xi32>
      tpu.vector_store_idx %arg5[%broadcast_in_dim3A_271, %get3A_269], %broadcast_in_dim3A_5 masked %lt3A_270 {add = true} : memref<104x1024xf32, #tpu.memory_space<vmem>>[vector<16xi32>, vector<16xi32>], vector<16xf32>, vector<16xi1>
      %scan3A_272 = arith.constant 0 : i32
      scf.yield %scan3A_272 : i32
    }
    %scan3A_29 = arith.constant 48 : i32
    %add3A_30 = arith.constant 56 : i32
    %add3A_31 = arith.addi %mul3A_2, %add3A_30 : i32
    %dma_start3A_32 = arith.constant 56 : i32
    %dma_start3A_33 = arith.constant 0 : i32
    %dma_start3A_34 = tpu.memref_slice %arg5[%dma_start3A_32, %dma_start3A_33] : memref<104x1024xf32, #tpu.memory_space<vmem>> -> memref<48x1024xf32, #tpu.memory_space<vmem>>
    %dma_start3A_35 = arith.constant 0 : i32
    %dma_start3A_36 = tpu.memref_slice %arg3[%add3A_31, %dma_start3A_35] : memref<3328x1024xf32, #tpu.memory_space<hbm>> -> memref<48x1024xf32, #tpu.memory_space<hbm>>
    %dma_start3A_37 = arith.constant 0 : i32
    %dma_start3A_38 = tpu.memref_slice %arg3[%add3A_31, %dma_start3A_37] : memref<3328x1024xf32, #tpu.memory_space<hbm>> -> memref<48x1024xf32, #tpu.memory_space<hbm>>
    %dma_start3A_39 = arith.constant 56 : i32
    %dma_start3A_40 = arith.constant 0 : i32
    %dma_start3A_41 = tpu.memref_slice %arg5[%dma_start3A_39, %dma_start3A_40] : memref<104x1024xf32, #tpu.memory_space<vmem>> -> memref<48x1024xf32, #tpu.memory_space<vmem>>
    tpu.enqueue_dma source(%dma_start3A_41 : memref<48x1024xf32, #tpu.memory_space<vmem>>) target(%dma_start3A_38 : memref<48x1024xf32, #tpu.memory_space<hbm>>) target_semaphore(%arg7 : memref<!tpu.dma_semaphore, #tpu.memory_space<semaphore_mem>>)
    %dma_wait3A = arith.constant 0 : i32
    %dma_wait3A_42 = arith.constant 0 : i32
    %dma_wait3A_43 = tpu.memref_slice %arg5[%dma_wait3A, %dma_wait3A_42] : memref<104x1024xf32, #tpu.memory_space<vmem>> -> memref<56x1024xf32, #tpu.memory_space<vmem>>
    %dma_wait3A_44 = arith.constant 0 : i32
    %dma_wait3A_45 = tpu.memref_slice %arg3[%mul3A_2, %dma_wait3A_44] : memref<3328x1024xf32, #tpu.memory_space<hbm>> -> memref<56x1024xf32, #tpu.memory_space<hbm>>
    %dma_wait3A_46 = arith.constant 0 : i32
    %dma_wait3A_47 = tpu.memref_slice %arg3[%mul3A_2, %dma_wait3A_46] : memref<3328x1024xf32, #tpu.memory_space<hbm>> -> memref<56x1024xf32, #tpu.memory_space<hbm>>
    %dma_wait3A_48 = arith.constant 0 : i32
    %dma_wait3A_49 = arith.constant 0 : i32
    %dma_wait3A_50 = tpu.memref_slice %arg5[%dma_wait3A_48, %dma_wait3A_49] : memref<104x1024xf32, #tpu.memory_space<vmem>> -> memref<56x1024xf32, #tpu.memory_space<vmem>>
    tpu.wait_dma2 semaphore(%arg6 : memref<!tpu.dma_semaphore, #tpu.memory_space<semaphore_mem>>) src(%dma_wait3A_50 : memref<56x1024xf32, #tpu.memory_space<vmem>>) dst(%dma_wait3A_47 : memref<56x1024xf32, #tpu.memory_space<hbm>>)
    %dma_wait3A_51 = arith.constant 56 : i32
    %dma_wait3A_52 = arith.constant 0 : i32
    %dma_wait3A_53 = tpu.memref_slice %arg5[%dma_wait3A_51, %dma_wait3A_52] : memref<104x1024xf32, #tpu.memory_space<vmem>> -> memref<48x1024xf32, #tpu.memory_space<vmem>>
    %dma_wait3A_54 = arith.constant 0 : i32
    %dma_wait3A_55 = tpu.memref_slice %arg3[%add3A_31, %dma_wait3A_54] : memref<3328x1024xf32, #tpu.memory_space<hbm>> -> memref<48x1024xf32, #tpu.memory_space<hbm>>
    %dma_wait3A_56 = arith.constant 0 : i32
    %dma_wait3A_57 = tpu.memref_slice %arg3[%add3A_31, %dma_wait3A_56] : memref<3328x1024xf32, #tpu.memory_space<hbm>> -> memref<48x1024xf32, #tpu.memory_space<hbm>>
    %dma_wait3A_58 = arith.constant 56 : i32
    %dma_wait3A_59 = arith.constant 0 : i32
    %dma_wait3A_60 = tpu.memref_slice %arg5[%dma_wait3A_58, %dma_wait3A_59] : memref<104x1024xf32, #tpu.memory_space<vmem>> -> memref<48x1024xf32, #tpu.memory_space<vmem>>
    tpu.wait_dma2 semaphore(%arg7 : memref<!tpu.dma_semaphore, #tpu.memory_space<semaphore_mem>>) src(%dma_wait3A_60 : memref<48x1024xf32, #tpu.memory_space<vmem>>) dst(%dma_wait3A_57 : memref<48x1024xf32, #tpu.memory_space<hbm>>)
    return
  }
}

#map = affine_map<(d0, d1) -> (0, 0)>
module attributes {stable_mosaic.version = 14 : i64} {
  func.func @compact_kernel(%arg0: i32, %arg1: i32, %arg2: memref<3328x72xi32, #tpu.memory_space<hbm>>, %arg3: memref<32x128xi32, #tpu.memory_space<hbm>>, %arg4: memref<3200x128xi32, #tpu.memory_space<hbm>>, %arg5: memref<32x128xi32, #tpu.memory_space<hbm>>, %arg6: memref<104x72xi32, #tpu.memory_space<vmem>>, %arg7: memref<128xi32, #tpu.memory_space<vmem>>, %arg8: memref<104x128xi32, #tpu.memory_space<vmem>>, %arg9: memref<128xi32, #tpu.memory_space<vmem>>) attributes {dimension_semantics = [#tpu.dimension_semantics<core_parallel>, #tpu.dimension_semantics<subcore_parallel>], iteration_bounds = array<i64: 2, 16>, scalar_prefetch = 0 : i64, scratch_operands = 4 : i64, tpu.core_type = #tpu.core_type<sc_vector_subcore>, window_params = [{transform_indices = #map}, {transform_indices = #map}, {transform_indices = #map}, {transform_indices = #map}]} {
    %mul3A = arith.constant 2 : i32
    %mul3A_0 = arith.muli %arg1, %mul3A : i32
    %add3A = arith.addi %mul3A_0, %arg0 : i32
    %mul3A_1 = arith.constant 104 : i32
    %mul3A_2 = arith.muli %add3A, %mul3A_1 : i32
    "tpu.region"() ({
      %run_scoped3A = tpu.sem_alloc : memref<!tpu.dma_semaphore, #tpu.memory_space<semaphore_mem>>
      %dma_start3A = arith.constant 0 : i32
      %dma_start3A_23 = tpu.memref_slice %arg2[%mul3A_2, %dma_start3A] : memref<3328x72xi32, #tpu.memory_space<hbm>> -> memref<104x72xi32, #tpu.memory_space<hbm>>
      %dma_start3A_24 = arith.constant 0 : i32
      %dma_start3A_25 = tpu.memref_slice %arg2[%mul3A_2, %dma_start3A_24] : memref<3328x72xi32, #tpu.memory_space<hbm>> -> memref<104x72xi32, #tpu.memory_space<hbm>>
      tpu.enqueue_dma source(%dma_start3A_25 : memref<104x72xi32, #tpu.memory_space<hbm>>) target(%arg6 : memref<104x72xi32, #tpu.memory_space<vmem>>) target_semaphore(%run_scoped3A : memref<!tpu.dma_semaphore, #tpu.memory_space<semaphore_mem>>)
      %dma_wait3A = arith.constant 0 : i32
      %dma_wait3A_26 = tpu.memref_slice %arg2[%mul3A_2, %dma_wait3A] : memref<3328x72xi32, #tpu.memory_space<hbm>> -> memref<104x72xi32, #tpu.memory_space<hbm>>
      %dma_wait3A_27 = arith.constant 0 : i32
      %dma_wait3A_28 = tpu.memref_slice %arg2[%mul3A_2, %dma_wait3A_27] : memref<3328x72xi32, #tpu.memory_space<hbm>> -> memref<104x72xi32, #tpu.memory_space<hbm>>
      tpu.wait_dma2 semaphore(%run_scoped3A : memref<!tpu.dma_semaphore, #tpu.memory_space<semaphore_mem>>) src(%dma_wait3A_28 : memref<104x72xi32, #tpu.memory_space<hbm>>) dst(%arg6 : memref<104x72xi32, #tpu.memory_space<vmem>>)
      tpu.yield
    }) : () -> ()
    "tpu.region"() ({
      %run_scoped3A = tpu.sem_alloc : memref<!tpu.dma_semaphore, #tpu.memory_space<semaphore_mem>>
      %dma_start3A = arith.constant 0 : i32
      %dma_start3A_23 = tpu.memref_slice %arg3[%add3A, %dma_start3A] : memref<32x128xi32, #tpu.memory_space<hbm>> -> memref<1x128xi32, #tpu.memory_space<hbm>>
      %dma_start3A_24 = tpu.memref_squeeze %dma_start3A_23 : memref<1x128xi32, #tpu.memory_space<hbm>> -> memref<128xi32, #tpu.memory_space<hbm>>
      %dma_start3A_25 = arith.constant 0 : i32
      %dma_start3A_26 = tpu.memref_slice %arg3[%add3A, %dma_start3A_25] : memref<32x128xi32, #tpu.memory_space<hbm>> -> memref<1x128xi32, #tpu.memory_space<hbm>>
      %dma_start3A_27 = tpu.memref_squeeze %dma_start3A_26 : memref<1x128xi32, #tpu.memory_space<hbm>> -> memref<128xi32, #tpu.memory_space<hbm>>
      tpu.enqueue_dma source(%dma_start3A_27 : memref<128xi32, #tpu.memory_space<hbm>>) target(%arg7 : memref<128xi32, #tpu.memory_space<vmem>>) target_semaphore(%run_scoped3A : memref<!tpu.dma_semaphore, #tpu.memory_space<semaphore_mem>>)
      %dma_wait3A = arith.constant 0 : i32
      %dma_wait3A_28 = tpu.memref_slice %arg3[%add3A, %dma_wait3A] : memref<32x128xi32, #tpu.memory_space<hbm>> -> memref<1x128xi32, #tpu.memory_space<hbm>>
      %dma_wait3A_29 = tpu.memref_squeeze %dma_wait3A_28 : memref<1x128xi32, #tpu.memory_space<hbm>> -> memref<128xi32, #tpu.memory_space<hbm>>
      %dma_wait3A_30 = arith.constant 0 : i32
      %dma_wait3A_31 = tpu.memref_slice %arg3[%add3A, %dma_wait3A_30] : memref<32x128xi32, #tpu.memory_space<hbm>> -> memref<1x128xi32, #tpu.memory_space<hbm>>
      %dma_wait3A_32 = tpu.memref_squeeze %dma_wait3A_31 : memref<1x128xi32, #tpu.memory_space<hbm>> -> memref<128xi32, #tpu.memory_space<hbm>>
      tpu.wait_dma2 semaphore(%run_scoped3A : memref<!tpu.dma_semaphore, #tpu.memory_space<semaphore_mem>>) src(%dma_wait3A_32 : memref<128xi32, #tpu.memory_space<hbm>>) dst(%arg7 : memref<128xi32, #tpu.memory_space<vmem>>)
      tpu.yield
    }) : () -> ()
    %broadcast_in_dim3A = arith.constant 0 : i32
    %broadcast_in_dim3A_3 = vector.broadcast %broadcast_in_dim3A : i32 to vector<16xi32>
    %scan3A = arith.constant 0 : i32
    %scan3A_4 = arith.constant 0 : i32
    %scan3A_5 = arith.constant 104 : i32
    %scan3A_6 = arith.addi %scan3A_4, %scan3A_5 : i32
    %scan3A_7 = arith.constant 1 : i32
    %scan3A_8 = scf.for %scan3A_23 = %scan3A_4 to %scan3A_6 step %scan3A_7 iter_args(%scan3A_24 = %scan3A) -> (i32)  : i32 {
      %swap3A = arith.index_cast %scan3A_23 : i32 to index
      %swap3A_25 = arith.constant 0 : index
      %swap3A_26 = tpu.vector_load %arg8[%swap3A, %swap3A_25] {strides = array<i32>} : memref<104x128xi32, #tpu.memory_space<vmem>>, vector<16xi32>,
      tpu.vector_store %arg8[%swap3A, %swap3A_25], %broadcast_in_dim3A_3 {strides = array<i32>} : memref<104x128xi32, #tpu.memory_space<vmem>>, vector<16xi32>,
      %swap3A_27 = arith.index_cast %scan3A_23 : i32 to index
      %swap3A_28 = arith.constant 16 : index
      %swap3A_29 = tpu.vector_load %arg8[%swap3A_27, %swap3A_28] {strides = array<i32>} : memref<104x128xi32, #tpu.memory_space<vmem>>, vector<16xi32>,
      tpu.vector_store %arg8[%swap3A_27, %swap3A_28], %broadcast_in_dim3A_3 {strides = array<i32>} : memref<104x128xi32, #tpu.memory_space<vmem>>, vector<16xi32>,
      %swap3A_30 = arith.index_cast %scan3A_23 : i32 to index
      %swap3A_31 = arith.constant 32 : index
      %swap3A_32 = tpu.vector_load %arg8[%swap3A_30, %swap3A_31] {strides = array<i32>} : memref<104x128xi32, #tpu.memory_space<vmem>>, vector<16xi32>,
      tpu.vector_store %arg8[%swap3A_30, %swap3A_31], %broadcast_in_dim3A_3 {strides = array<i32>} : memref<104x128xi32, #tpu.memory_space<vmem>>, vector<16xi32>,
      %swap3A_33 = arith.index_cast %scan3A_23 : i32 to index
      %swap3A_34 = arith.constant 48 : index
      %swap3A_35 = tpu.vector_load %arg8[%swap3A_33, %swap3A_34] {strides = array<i32>} : memref<104x128xi32, #tpu.memory_space<vmem>>, vector<16xi32>,
      tpu.vector_store %arg8[%swap3A_33, %swap3A_34], %broadcast_in_dim3A_3 {strides = array<i32>} : memref<104x128xi32, #tpu.memory_space<vmem>>, vector<16xi32>,
      %swap3A_36 = arith.index_cast %scan3A_23 : i32 to index
      %swap3A_37 = arith.constant 64 : index
      %swap3A_38 = tpu.vector_load %arg8[%swap3A_36, %swap3A_37] {strides = array<i32>} : memref<104x128xi32, #tpu.memory_space<vmem>>, vector<16xi32>,
      tpu.vector_store %arg8[%swap3A_36, %swap3A_37], %broadcast_in_dim3A_3 {strides = array<i32>} : memref<104x128xi32, #tpu.memory_space<vmem>>, vector<16xi32>,
      %swap3A_39 = arith.index_cast %scan3A_23 : i32 to index
      %swap3A_40 = arith.constant 80 : index
      %swap3A_41 = tpu.vector_load %arg8[%swap3A_39, %swap3A_40] {strides = array<i32>} : memref<104x128xi32, #tpu.memory_space<vmem>>, vector<16xi32>,
      tpu.vector_store %arg8[%swap3A_39, %swap3A_40], %broadcast_in_dim3A_3 {strides = array<i32>} : memref<104x128xi32, #tpu.memory_space<vmem>>, vector<16xi32>,
      %swap3A_42 = arith.index_cast %scan3A_23 : i32 to index
      %swap3A_43 = arith.constant 96 : index
      %swap3A_44 = tpu.vector_load %arg8[%swap3A_42, %swap3A_43] {strides = array<i32>} : memref<104x128xi32, #tpu.memory_space<vmem>>, vector<16xi32>,
      tpu.vector_store %arg8[%swap3A_42, %swap3A_43], %broadcast_in_dim3A_3 {strides = array<i32>} : memref<104x128xi32, #tpu.memory_space<vmem>>, vector<16xi32>,
      %swap3A_45 = arith.index_cast %scan3A_23 : i32 to index
      %swap3A_46 = arith.constant 112 : index
      %swap3A_47 = tpu.vector_load %arg8[%swap3A_45, %swap3A_46] {strides = array<i32>} : memref<104x128xi32, #tpu.memory_space<vmem>>, vector<16xi32>,
      tpu.vector_store %arg8[%swap3A_45, %swap3A_46], %broadcast_in_dim3A_3 {strides = array<i32>} : memref<104x128xi32, #tpu.memory_space<vmem>>, vector<16xi32>,
      %scan3A_48 = arith.constant 0 : i32
      scf.yield %scan3A_48 : i32
    }
    %scan3A_9 = arith.constant 104 : i32
    %iota3A = tpu.iota {dimensions = array<i32: 0>} : vector<16xi32>
    %scan3A_10 = arith.constant 0 : i32
    %scan3A_11 = arith.constant 0 : i32
    %scan3A_12 = arith.constant 7 : i32
    %scan3A_13 = arith.addi %scan3A_11, %scan3A_12 : i32
    %scan3A_14 = arith.constant 1 : i32
    %scan3A_15 = scf.for %scan3A_23 = %scan3A_11 to %scan3A_13 step %scan3A_14 iter_args(%scan3A_24 = %scan3A_10) -> (i32)  : i32 {
      %mul3A_25 = arith.constant 16 : i32
      %mul3A_26 = arith.muli %scan3A_23, %mul3A_25 : i32
      %add3A_27 = vector.broadcast %mul3A_26 : i32 to vector<16xi32>
      %add3A_28 = arith.addi %add3A_27, %iota3A : vector<16xi32>
      %mul3A_29 = arith.constant 16 : i32
      %mul3A_30 = arith.muli %scan3A_23, %mul3A_29 : i32
      %get3A = arith.index_cast %mul3A_30 : i32 to index
      %get3A_31 = tpu.vector_load %arg7[%get3A] {strides = array<i32>} : memref<128xi32, #tpu.memory_space<vmem>>, vector<16xi32>,
      %lt3A_32 = arith.constant 104 : i32
      %lt3A_33 = vector.broadcast %lt3A_32 : i32 to vector<16xi32>
      %lt3A_34 = arith.cmpi slt, %add3A_28, %lt3A_33 : vector<16xi32>
      %add3A_35 = vector.broadcast %mul3A_2 : i32 to vector<16xi32>
      %add3A_36 = arith.addi %add3A_35, %add3A_28 : vector<16xi32>
      %lt3A_37 = arith.constant 3200 : i32
      %lt3A_38 = vector.broadcast %lt3A_37 : i32 to vector<16xi32>
      %lt3A_39 = arith.cmpi slt, %add3A_36, %lt3A_38 : vector<16xi32>
      %and3A = arith.andi %lt3A_34, %lt3A_39 : vector<16xi1>
      %jit3A = arith.constant 0 : i32
      %broadcast_in_dim3A_40 = vector.broadcast %jit3A : i32 to vector<16xi32>
      %select_n3A = arith.select %and3A, %get3A_31, %broadcast_in_dim3A_40 : vector<16xi1>, vector<16xi32>
      %min3A = arith.constant 128 : i32
      %min3A_41 = vector.broadcast %min3A : i32 to vector<16xi32>
      %min3A_42 = arith.minsi %select_n3A, %min3A_41 : vector<16xi32>
      %mul3A_43 = arith.constant 16 : i32
      %mul3A_44 = arith.muli %scan3A_23, %mul3A_43 : i32
      %swap3A = arith.index_cast %mul3A_44 : i32 to index
      %swap3A_45 = tpu.vector_load %arg9[%swap3A] {strides = array<i32>} : memref<128xi32, #tpu.memory_space<vmem>>, vector<16xi32>,
      tpu.vector_store %arg9[%swap3A], %min3A_42 {strides = array<i32>} : memref<128xi32, #tpu.memory_space<vmem>>, vector<16xi32>,
      %reduce_max3A = arith.constant true
      %reduce_max3A_46 = vector.broadcast %reduce_max3A : i1 to vector<16xi1>
      %reduce_max3A_47 = arith.constant -2147483648 : i32
      %reduce_max3A_48 = vector.broadcast %reduce_max3A_47 : i32 to vector<16xi32>
      %reduce_max3A_49 = arith.xori %select_n3A, %reduce_max3A_48 : vector<16xi32>
      %reduce_max3A_50 = tpu.scan <max>, %reduce_max3A_49 masked %reduce_max3A_46 : vector<16xi32>, vector<16xi1> -> vector<16xi32>
      %reduce_max3A_51 = arith.xori %reduce_max3A_50, %reduce_max3A_48 : vector<16xi32>
      %reduce_max3A_52 = vector.extract %reduce_max3A_51[15] : i32 from vector<16xi32>
      %gt3A = arith.constant 0 : i32
      %gt3A_53 = arith.cmpi sgt, %reduce_max3A_52, %gt3A : i32
      %convert_element_type3A_54 = arith.extui %gt3A_53 : i1 to i32
      %cond3A_55 = arith.constant 0 : i32
      %cond3A_56 = arith.cmpi ne, %convert_element_type3A_54, %cond3A_55 : i32
      scf.if %cond3A_56 {
        %scan3A_58 = arith.constant 0 : i32
        %scan3A_59 = arith.constant 0 : i32
        %scan3A_60 = arith.constant 16 : i32
        %scan3A_61 = arith.addi %scan3A_59, %scan3A_60 : i32
        %scan3A_62 = arith.constant 1 : i32
        %scan3A_63 = scf.for %scan3A_65 = %scan3A_59 to %scan3A_61 step %scan3A_62 iter_args(%scan3A_66 = %scan3A_58) -> (i32)  : i32 {
          %mul3A_67 = arith.constant 16 : i32
          %mul3A_68 = arith.muli %scan3A_23, %mul3A_67 : i32
          %add3A_69 = arith.addi %mul3A_68, %scan3A_65 : i32
          %eq3A_70 = vector.broadcast %scan3A_65 : i32 to vector<16xi32>
          %eq3A_71 = arith.cmpi eq, %iota3A, %eq3A_70 : vector<16xi32>
          %jit3A_72 = arith.constant 0 : i32
          %broadcast_in_dim3A_73 = vector.broadcast %jit3A_72 : i32 to vector<16xi32>
          %select_n3A_74 = arith.select %eq3A_71, %select_n3A, %broadcast_in_dim3A_73 : vector<16xi1>, vector<16xi32>
          %reduce_max3A_75 = arith.constant true
          %reduce_max3A_76 = vector.broadcast %reduce_max3A_75 : i1 to vector<16xi1>
          %reduce_max3A_77 = arith.constant -2147483648 : i32
          %reduce_max3A_78 = vector.broadcast %reduce_max3A_77 : i32 to vector<16xi32>
          %reduce_max3A_79 = arith.xori %select_n3A_74, %reduce_max3A_78 : vector<16xi32>
          %reduce_max3A_80 = tpu.scan <max>, %reduce_max3A_79 masked %reduce_max3A_76 : vector<16xi32>, vector<16xi1> -> vector<16xi32>
          %reduce_max3A_81 = arith.xori %reduce_max3A_80, %reduce_max3A_78 : vector<16xi32>
          %reduce_max3A_82 = vector.extract %reduce_max3A_81[15] : i32 from vector<16xi32>
          %gt3A_83 = arith.constant 0 : i32
          %gt3A_84 = arith.cmpi sgt, %reduce_max3A_82, %gt3A_83 : i32
          %convert_element_type3A_85 = arith.extui %gt3A_84 : i1 to i32
          %cond3A_86 = arith.constant 0 : i32
          %cond3A_87 = arith.cmpi ne, %convert_element_type3A_85, %cond3A_86 : i32
          scf.if %cond3A_87 {
            %scan3A_89 = arith.constant 0 : i32
            %scan3A_90 = arith.constant 0 : i32
            %scan3A_91 = arith.constant 16 : i32
            %scan3A_92 = arith.addi %scan3A_90, %scan3A_91 : i32
            %scan3A_93 = arith.constant 1 : i32
            %scan3A_94 = scf.for %scan3A_96 = %scan3A_90 to %scan3A_92 step %scan3A_93 iter_args(%scan3A_97 = %scan3A_89) -> (i32)  : i32 {
              %get3A_98 = arith.index_cast %add3A_69 : i32 to index
              %get3A_99 = arith.constant 0 : index
              %get3A_100 = tpu.vector_load %arg6[%get3A_98, %get3A_99] {strides = array<i32>} : memref<104x72xi32, #tpu.memory_space<vmem>>, vector<16xi32>,
              %broadcast_in_dim3A_101 = vector.broadcast %scan3A_96 : i32 to vector<16xi32>
              %shift_right_logical3A = arith.shrui %get3A_100, %broadcast_in_dim3A_101 : vector<16xi32>
              %and3A_102 = arith.constant 1 : i32
              %and3A_103 = vector.broadcast %and3A_102 : i32 to vector<16xi32>
              %and3A_104 = arith.andi %shift_right_logical3A, %and3A_103 : vector<16xi32>
              %gt3A_105 = arith.constant 0 : i32
              %gt3A_106 = vector.broadcast %gt3A_105 : i32 to vector<16xi32>
              %gt3A_107 = arith.cmpi sgt, %and3A_104, %gt3A_106 : vector<16xi32>
              %broadcast_in_dim3A_108 = arith.constant true
              %broadcast_in_dim3A_109 = vector.broadcast %broadcast_in_dim3A_108 : i1 to vector<16xi1>
              %masked_cumsum3A = tpu.scan <sum>, %and3A_104 masked %broadcast_in_dim3A_109 : vector<16xi32>, vector<16xi1> -> vector<16xi32>
              %add3A_110 = vector.broadcast %scan3A_97 : i32 to vector<16xi32>
              %add3A_111 = arith.addi %add3A_110, %masked_cumsum3A : vector<16xi32>
              %sub3A = arith.constant 1 : i32
              %sub3A_112 = vector.broadcast %sub3A : i32 to vector<16xi32>
              %sub3A_113 = arith.subi %add3A_111, %sub3A_112 : vector<16xi32>
              %mul3A_114 = arith.constant 64 : i32
              %mul3A_115 = arith.muli %mul3A_114, %scan3A_96 : i32
              %add3A_116 = arith.constant 0 : i32
              %add3A_117 = arith.addi %mul3A_115, %add3A_116 : i32
              %add3A_118 = vector.broadcast %add3A_117 : i32 to vector<16xi32>
              %add3A_119 = arith.addi %add3A_118, %iota3A : vector<16xi32>
              %lt3A_120 = arith.constant 128 : i32
              %lt3A_121 = vector.broadcast %lt3A_120 : i32 to vector<16xi32>
              %lt3A_122 = arith.cmpi slt, %sub3A_113, %lt3A_121 : vector<16xi32>
              %and3A_123 = arith.andi %gt3A_107, %lt3A_122 : vector<16xi1>
              %broadcast_in_dim3A_124 = vector.broadcast %add3A_69 : i32 to vector<16xi32>
              tpu.vector_store_idx %arg8[%broadcast_in_dim3A_124, %sub3A_113], %add3A_119 masked %and3A_123 : memref<104x128xi32, #tpu.memory_space<vmem>>[vector<16xi32>, vector<16xi32>], vector<16xi32>, vector<16xi1>
              %reduce_max3A_125 = arith.constant true
              %reduce_max3A_126 = vector.broadcast %reduce_max3A_125 : i1 to vector<16xi1>
              %reduce_max3A_127 = arith.constant -2147483648 : i32
              %reduce_max3A_128 = vector.broadcast %reduce_max3A_127 : i32 to vector<16xi32>
              %reduce_max3A_129 = arith.xori %masked_cumsum3A, %reduce_max3A_128 : vector<16xi32>
              %reduce_max3A_130 = tpu.scan <max>, %reduce_max3A_129 masked %reduce_max3A_126 : vector<16xi32>, vector<16xi1> -> vector<16xi32>
              %reduce_max3A_131 = arith.xori %reduce_max3A_130, %reduce_max3A_128 : vector<16xi32>
              %reduce_max3A_132 = vector.extract %reduce_max3A_131[15] : i32 from vector<16xi32>
              %add3A_133 = arith.addi %scan3A_97, %reduce_max3A_132 : i32
              %get3A_134 = arith.index_cast %add3A_69 : i32 to index
              %get3A_135 = arith.constant 16 : index
              %get3A_136 = tpu.vector_load %arg6[%get3A_134, %get3A_135] {strides = array<i32>} : memref<104x72xi32, #tpu.memory_space<vmem>>, vector<16xi32>,
              %broadcast_in_dim3A_137 = vector.broadcast %scan3A_96 : i32 to vector<16xi32>
              %shift_right_logical3A_138 = arith.shrui %get3A_136, %broadcast_in_dim3A_137 : vector<16xi32>
              %and3A_139 = arith.constant 1 : i32
              %and3A_140 = vector.broadcast %and3A_139 : i32 to vector<16xi32>
              %and3A_141 = arith.andi %shift_right_logical3A_138, %and3A_140 : vector<16xi32>
              %gt3A_142 = arith.constant 0 : i32
              %gt3A_143 = vector.broadcast %gt3A_142 : i32 to vector<16xi32>
              %gt3A_144 = arith.cmpi sgt, %and3A_141, %gt3A_143 : vector<16xi32>
              %broadcast_in_dim3A_145 = arith.constant true
              %broadcast_in_dim3A_146 = vector.broadcast %broadcast_in_dim3A_145 : i1 to vector<16xi1>
              %masked_cumsum3A_147 = tpu.scan <sum>, %and3A_141 masked %broadcast_in_dim3A_146 : vector<16xi32>, vector<16xi1> -> vector<16xi32>
              %add3A_148 = vector.broadcast %add3A_133 : i32 to vector<16xi32>
              %add3A_149 = arith.addi %add3A_148, %masked_cumsum3A_147 : vector<16xi32>
              %sub3A_150 = arith.constant 1 : i32
              %sub3A_151 = vector.broadcast %sub3A_150 : i32 to vector<16xi32>
              %sub3A_152 = arith.subi %add3A_149, %sub3A_151 : vector<16xi32>
              %mul3A_153 = arith.constant 64 : i32
              %mul3A_154 = arith.muli %mul3A_153, %scan3A_96 : i32
              %add3A_155 = arith.constant 16 : i32
              %add3A_156 = arith.addi %mul3A_154, %add3A_155 : i32
              %add3A_157 = vector.broadcast %add3A_156 : i32 to vector<16xi32>
              %add3A_158 = arith.addi %add3A_157, %iota3A : vector<16xi32>
              %lt3A_159 = arith.constant 128 : i32
              %lt3A_160 = vector.broadcast %lt3A_159 : i32 to vector<16xi32>
              %lt3A_161 = arith.cmpi slt, %sub3A_152, %lt3A_160 : vector<16xi32>
              %and3A_162 = arith.andi %gt3A_144, %lt3A_161 : vector<16xi1>
              %broadcast_in_dim3A_163 = vector.broadcast %add3A_69 : i32 to vector<16xi32>
              tpu.vector_store_idx %arg8[%broadcast_in_dim3A_163, %sub3A_152], %add3A_158 masked %and3A_162 : memref<104x128xi32, #tpu.memory_space<vmem>>[vector<16xi32>, vector<16xi32>], vector<16xi32>, vector<16xi1>
              %reduce_max3A_164 = arith.constant true
              %reduce_max3A_165 = vector.broadcast %reduce_max3A_164 : i1 to vector<16xi1>
              %reduce_max3A_166 = arith.constant -2147483648 : i32
              %reduce_max3A_167 = vector.broadcast %reduce_max3A_166 : i32 to vector<16xi32>
              %reduce_max3A_168 = arith.xori %masked_cumsum3A_147, %reduce_max3A_167 : vector<16xi32>
              %reduce_max3A_169 = tpu.scan <max>, %reduce_max3A_168 masked %reduce_max3A_165 : vector<16xi32>, vector<16xi1> -> vector<16xi32>
              %reduce_max3A_170 = arith.xori %reduce_max3A_169, %reduce_max3A_167 : vector<16xi32>
              %reduce_max3A_171 = vector.extract %reduce_max3A_170[15] : i32 from vector<16xi32>
              %add3A_172 = arith.addi %add3A_133, %reduce_max3A_171 : i32
              %get3A_173 = arith.index_cast %add3A_69 : i32 to index
              %get3A_174 = arith.constant 32 : index
              %get3A_175 = tpu.vector_load %arg6[%get3A_173, %get3A_174] {strides = array<i32>} : memref<104x72xi32, #tpu.memory_space<vmem>>, vector<16xi32>,
              %broadcast_in_dim3A_176 = vector.broadcast %scan3A_96 : i32 to vector<16xi32>
              %shift_right_logical3A_177 = arith.shrui %get3A_175, %broadcast_in_dim3A_176 : vector<16xi32>
              %and3A_178 = arith.constant 1 : i32
              %and3A_179 = vector.broadcast %and3A_178 : i32 to vector<16xi32>
              %and3A_180 = arith.andi %shift_right_logical3A_177, %and3A_179 : vector<16xi32>
              %gt3A_181 = arith.constant 0 : i32
              %gt3A_182 = vector.broadcast %gt3A_181 : i32 to vector<16xi32>
              %gt3A_183 = arith.cmpi sgt, %and3A_180, %gt3A_182 : vector<16xi32>
              %broadcast_in_dim3A_184 = arith.constant true
              %broadcast_in_dim3A_185 = vector.broadcast %broadcast_in_dim3A_184 : i1 to vector<16xi1>
              %masked_cumsum3A_186 = tpu.scan <sum>, %and3A_180 masked %broadcast_in_dim3A_185 : vector<16xi32>, vector<16xi1> -> vector<16xi32>
              %add3A_187 = vector.broadcast %add3A_172 : i32 to vector<16xi32>
              %add3A_188 = arith.addi %add3A_187, %masked_cumsum3A_186 : vector<16xi32>
              %sub3A_189 = arith.constant 1 : i32
              %sub3A_190 = vector.broadcast %sub3A_189 : i32 to vector<16xi32>
              %sub3A_191 = arith.subi %add3A_188, %sub3A_190 : vector<16xi32>
              %mul3A_192 = arith.constant 64 : i32
              %mul3A_193 = arith.muli %mul3A_192, %scan3A_96 : i32
              %add3A_194 = arith.constant 32 : i32
              %add3A_195 = arith.addi %mul3A_193, %add3A_194 : i32
              %add3A_196 = vector.broadcast %add3A_195 : i32 to vector<16xi32>
              %add3A_197 = arith.addi %add3A_196, %iota3A : vector<16xi32>
              %lt3A_198 = arith.constant 128 : i32
              %lt3A_199 = vector.broadcast %lt3A_198 : i32 to vector<16xi32>
              %lt3A_200 = arith.cmpi slt, %sub3A_191, %lt3A_199 : vector<16xi32>
              %and3A_201 = arith.andi %gt3A_183, %lt3A_200 : vector<16xi1>
              %broadcast_in_dim3A_202 = vector.broadcast %add3A_69 : i32 to vector<16xi32>
              tpu.vector_store_idx %arg8[%broadcast_in_dim3A_202, %sub3A_191], %add3A_197 masked %and3A_201 : memref<104x128xi32, #tpu.memory_space<vmem>>[vector<16xi32>, vector<16xi32>], vector<16xi32>, vector<16xi1>
              %reduce_max3A_203 = arith.constant true
              %reduce_max3A_204 = vector.broadcast %reduce_max3A_203 : i1 to vector<16xi1>
              %reduce_max3A_205 = arith.constant -2147483648 : i32
              %reduce_max3A_206 = vector.broadcast %reduce_max3A_205 : i32 to vector<16xi32>
              %reduce_max3A_207 = arith.xori %masked_cumsum3A_186, %reduce_max3A_206 : vector<16xi32>
              %reduce_max3A_208 = tpu.scan <max>, %reduce_max3A_207 masked %reduce_max3A_204 : vector<16xi32>, vector<16xi1> -> vector<16xi32>
              %reduce_max3A_209 = arith.xori %reduce_max3A_208, %reduce_max3A_206 : vector<16xi32>
              %reduce_max3A_210 = vector.extract %reduce_max3A_209[15] : i32 from vector<16xi32>
              %add3A_211 = arith.addi %add3A_172, %reduce_max3A_210 : i32
              %get3A_212 = arith.index_cast %add3A_69 : i32 to index
              %get3A_213 = arith.constant 48 : index
              %get3A_214 = tpu.vector_load %arg6[%get3A_212, %get3A_213] {strides = array<i32>} : memref<104x72xi32, #tpu.memory_space<vmem>>, vector<16xi32>,
              %broadcast_in_dim3A_215 = vector.broadcast %scan3A_96 : i32 to vector<16xi32>
              %shift_right_logical3A_216 = arith.shrui %get3A_214, %broadcast_in_dim3A_215 : vector<16xi32>
              %and3A_217 = arith.constant 1 : i32
              %and3A_218 = vector.broadcast %and3A_217 : i32 to vector<16xi32>
              %and3A_219 = arith.andi %shift_right_logical3A_216, %and3A_218 : vector<16xi32>
              %gt3A_220 = arith.constant 0 : i32
              %gt3A_221 = vector.broadcast %gt3A_220 : i32 to vector<16xi32>
              %gt3A_222 = arith.cmpi sgt, %and3A_219, %gt3A_221 : vector<16xi32>
              %broadcast_in_dim3A_223 = arith.constant true
              %broadcast_in_dim3A_224 = vector.broadcast %broadcast_in_dim3A_223 : i1 to vector<16xi1>
              %masked_cumsum3A_225 = tpu.scan <sum>, %and3A_219 masked %broadcast_in_dim3A_224 : vector<16xi32>, vector<16xi1> -> vector<16xi32>
              %add3A_226 = vector.broadcast %add3A_211 : i32 to vector<16xi32>
              %add3A_227 = arith.addi %add3A_226, %masked_cumsum3A_225 : vector<16xi32>
              %sub3A_228 = arith.constant 1 : i32
              %sub3A_229 = vector.broadcast %sub3A_228 : i32 to vector<16xi32>
              %sub3A_230 = arith.subi %add3A_227, %sub3A_229 : vector<16xi32>
              %mul3A_231 = arith.constant 64 : i32
              %mul3A_232 = arith.muli %mul3A_231, %scan3A_96 : i32
              %add3A_233 = arith.constant 48 : i32
              %add3A_234 = arith.addi %mul3A_232, %add3A_233 : i32
              %add3A_235 = vector.broadcast %add3A_234 : i32 to vector<16xi32>
              %add3A_236 = arith.addi %add3A_235, %iota3A : vector<16xi32>
              %lt3A_237 = arith.constant 128 : i32
              %lt3A_238 = vector.broadcast %lt3A_237 : i32 to vector<16xi32>
              %lt3A_239 = arith.cmpi slt, %sub3A_230, %lt3A_238 : vector<16xi32>
              %and3A_240 = arith.andi %gt3A_222, %lt3A_239 : vector<16xi1>
              %broadcast_in_dim3A_241 = vector.broadcast %add3A_69 : i32 to vector<16xi32>
              tpu.vector_store_idx %arg8[%broadcast_in_dim3A_241, %sub3A_230], %add3A_236 masked %and3A_240 : memref<104x128xi32, #tpu.memory_space<vmem>>[vector<16xi32>, vector<16xi32>], vector<16xi32>, vector<16xi1>
              %reduce_max3A_242 = arith.constant true
              %reduce_max3A_243 = vector.broadcast %reduce_max3A_242 : i1 to vector<16xi1>
              %reduce_max3A_244 = arith.constant -2147483648 : i32
              %reduce_max3A_245 = vector.broadcast %reduce_max3A_244 : i32 to vector<16xi32>
              %reduce_max3A_246 = arith.xori %masked_cumsum3A_225, %reduce_max3A_245 : vector<16xi32>
              %reduce_max3A_247 = tpu.scan <max>, %reduce_max3A_246 masked %reduce_max3A_243 : vector<16xi32>, vector<16xi1> -> vector<16xi32>
              %reduce_max3A_248 = arith.xori %reduce_max3A_247, %reduce_max3A_245 : vector<16xi32>
              %reduce_max3A_249 = vector.extract %reduce_max3A_248[15] : i32 from vector<16xi32>
              %add3A_250 = arith.addi %add3A_211, %reduce_max3A_249 : i32
              scf.yield %add3A_250 : i32
            }
            %scan3A_95 = arith.constant 16 : i32
          } else {
          }
          %scan3A_88 = arith.constant 0 : i32
          scf.yield %scan3A_88 : i32
        }
        %scan3A_64 = arith.constant 16 : i32
      } else {
      }
      %scan3A_57 = arith.constant 0 : i32
      scf.yield %scan3A_57 : i32
    }
    %scan3A_16 = arith.constant 7 : i32
    %lt3A = arith.constant 30 : i32
    %lt3A_17 = arith.cmpi slt, %add3A, %lt3A : i32
    %convert_element_type3A = arith.extui %lt3A_17 : i1 to i32
    %cond3A = arith.constant 0 : i32
    %cond3A_18 = arith.cmpi ne, %convert_element_type3A, %cond3A : i32
    scf.if %cond3A_18 {
      "tpu.region"() ({
        %run_scoped3A = tpu.sem_alloc : memref<!tpu.dma_semaphore, #tpu.memory_space<semaphore_mem>>
        %dma_start3A = arith.constant 0 : i32
        %dma_start3A_23 = tpu.memref_slice %arg4[%mul3A_2, %dma_start3A] : memref<3200x128xi32, #tpu.memory_space<hbm>> -> memref<104x128xi32, #tpu.memory_space<hbm>>
        %dma_start3A_24 = arith.constant 0 : i32
        %dma_start3A_25 = tpu.memref_slice %arg4[%mul3A_2, %dma_start3A_24] : memref<3200x128xi32, #tpu.memory_space<hbm>> -> memref<104x128xi32, #tpu.memory_space<hbm>>
        tpu.enqueue_dma source(%arg8 : memref<104x128xi32, #tpu.memory_space<vmem>>) target(%dma_start3A_25 : memref<104x128xi32, #tpu.memory_space<hbm>>) target_semaphore(%run_scoped3A : memref<!tpu.dma_semaphore, #tpu.memory_space<semaphore_mem>>)
        %dma_wait3A = arith.constant 0 : i32
        %dma_wait3A_26 = tpu.memref_slice %arg4[%mul3A_2, %dma_wait3A] : memref<3200x128xi32, #tpu.memory_space<hbm>> -> memref<104x128xi32, #tpu.memory_space<hbm>>
        %dma_wait3A_27 = arith.constant 0 : i32
        %dma_wait3A_28 = tpu.memref_slice %arg4[%mul3A_2, %dma_wait3A_27] : memref<3200x128xi32, #tpu.memory_space<hbm>> -> memref<104x128xi32, #tpu.memory_space<hbm>>
        tpu.wait_dma2 semaphore(%run_scoped3A : memref<!tpu.dma_semaphore, #tpu.memory_space<semaphore_mem>>) src(%arg8 : memref<104x128xi32, #tpu.memory_space<vmem>>) dst(%dma_wait3A_28 : memref<104x128xi32, #tpu.memory_space<hbm>>)
        tpu.yield
      }) : () -> ()
    } else {
    }
    %eq3A = arith.constant 30 : i32
    %eq3A_19 = arith.cmpi eq, %add3A, %eq3A : i32
    %convert_element_type3A_20 = arith.extui %eq3A_19 : i1 to i32
    %cond3A_21 = arith.constant 0 : i32
    %cond3A_22 = arith.cmpi ne, %convert_element_type3A_20, %cond3A_21 : i32
    scf.if %cond3A_22 {
      "tpu.region"() ({
        %run_scoped3A = tpu.sem_alloc : memref<!tpu.dma_semaphore, #tpu.memory_space<semaphore_mem>>
        %dma_start3A = arith.constant 0 : i32
        %dma_start3A_23 = arith.constant 0 : i32
        %dma_start3A_24 = tpu.memref_slice %arg8[%dma_start3A, %dma_start3A_23] : memref<104x128xi32, #tpu.memory_space<vmem>> -> memref<80x128xi32, #tpu.memory_space<vmem>>
        %dma_start3A_25 = arith.constant 3120 : i32
        %dma_start3A_26 = arith.constant 0 : i32
        %dma_start3A_27 = tpu.memref_slice %arg4[%dma_start3A_25, %dma_start3A_26] : memref<3200x128xi32, #tpu.memory_space<hbm>> -> memref<80x128xi32, #tpu.memory_space<hbm>>
        %dma_start3A_28 = arith.constant 3120 : i32
        %dma_start3A_29 = arith.constant 0 : i32
        %dma_start3A_30 = tpu.memref_slice %arg4[%dma_start3A_28, %dma_start3A_29] : memref<3200x128xi32, #tpu.memory_space<hbm>> -> memref<80x128xi32, #tpu.memory_space<hbm>>
        %dma_start3A_31 = arith.constant 0 : i32
        %dma_start3A_32 = arith.constant 0 : i32
        %dma_start3A_33 = tpu.memref_slice %arg8[%dma_start3A_31, %dma_start3A_32] : memref<104x128xi32, #tpu.memory_space<vmem>> -> memref<80x128xi32, #tpu.memory_space<vmem>>
        tpu.enqueue_dma source(%dma_start3A_33 : memref<80x128xi32, #tpu.memory_space<vmem>>) target(%dma_start3A_30 : memref<80x128xi32, #tpu.memory_space<hbm>>) target_semaphore(%run_scoped3A : memref<!tpu.dma_semaphore, #tpu.memory_space<semaphore_mem>>)
        %dma_wait3A = arith.constant 0 : i32
        %dma_wait3A_34 = arith.constant 0 : i32
        %dma_wait3A_35 = tpu.memref_slice %arg8[%dma_wait3A, %dma_wait3A_34] : memref<104x128xi32, #tpu.memory_space<vmem>> -> memref<80x128xi32, #tpu.memory_space<vmem>>
        %dma_wait3A_36 = arith.constant 3120 : i32
        %dma_wait3A_37 = arith.constant 0 : i32
        %dma_wait3A_38 = tpu.memref_slice %arg4[%dma_wait3A_36, %dma_wait3A_37] : memref<3200x128xi32, #tpu.memory_space<hbm>> -> memref<80x128xi32, #tpu.memory_space<hbm>>
        %dma_wait3A_39 = arith.constant 3120 : i32
        %dma_wait3A_40 = arith.constant 0 : i32
        %dma_wait3A_41 = tpu.memref_slice %arg4[%dma_wait3A_39, %dma_wait3A_40] : memref<3200x128xi32, #tpu.memory_space<hbm>> -> memref<80x128xi32, #tpu.memory_space<hbm>>
        %dma_wait3A_42 = arith.constant 0 : i32
        %dma_wait3A_43 = arith.constant 0 : i32
        %dma_wait3A_44 = tpu.memref_slice %arg8[%dma_wait3A_42, %dma_wait3A_43] : memref<104x128xi32, #tpu.memory_space<vmem>> -> memref<80x128xi32, #tpu.memory_space<vmem>>
        tpu.wait_dma2 semaphore(%run_scoped3A : memref<!tpu.dma_semaphore, #tpu.memory_space<semaphore_mem>>) src(%dma_wait3A_44 : memref<80x128xi32, #tpu.memory_space<vmem>>) dst(%dma_wait3A_41 : memref<80x128xi32, #tpu.memory_space<hbm>>)
        tpu.yield
      }) : () -> ()
    } else {
    }
    "tpu.region"() ({
      %run_scoped3A = tpu.sem_alloc : memref<!tpu.dma_semaphore, #tpu.memory_space<semaphore_mem>>
      %dma_start3A = arith.constant 0 : i32
      %dma_start3A_23 = tpu.memref_slice %arg5[%add3A, %dma_start3A] : memref<32x128xi32, #tpu.memory_space<hbm>> -> memref<1x128xi32, #tpu.memory_space<hbm>>
      %dma_start3A_24 = tpu.memref_squeeze %dma_start3A_23 : memref<1x128xi32, #tpu.memory_space<hbm>> -> memref<128xi32, #tpu.memory_space<hbm>>
      %dma_start3A_25 = arith.constant 0 : i32
      %dma_start3A_26 = tpu.memref_slice %arg5[%add3A, %dma_start3A_25] : memref<32x128xi32, #tpu.memory_space<hbm>> -> memref<1x128xi32, #tpu.memory_space<hbm>>
      %dma_start3A_27 = tpu.memref_squeeze %dma_start3A_26 : memref<1x128xi32, #tpu.memory_space<hbm>> -> memref<128xi32, #tpu.memory_space<hbm>>
      tpu.enqueue_dma source(%arg9 : memref<128xi32, #tpu.memory_space<vmem>>) target(%dma_start3A_27 : memref<128xi32, #tpu.memory_space<hbm>>) target_semaphore(%run_scoped3A : memref<!tpu.dma_semaphore, #tpu.memory_space<semaphore_mem>>)
      %dma_wait3A = arith.constant 0 : i32
      %dma_wait3A_28 = tpu.memref_slice %arg5[%add3A, %dma_wait3A] : memref<32x128xi32, #tpu.memory_space<hbm>> -> memref<1x128xi32, #tpu.memory_space<hbm>>
      %dma_wait3A_29 = tpu.memref_squeeze %dma_wait3A_28 : memref<1x128xi32, #tpu.memory_space<hbm>> -> memref<128xi32, #tpu.memory_space<hbm>>
      %dma_wait3A_30 = arith.constant 0 : i32
      %dma_wait3A_31 = tpu.memref_slice %arg5[%add3A, %dma_wait3A_30] : memref<32x128xi32, #tpu.memory_space<hbm>> -> memref<1x128xi32, #tpu.memory_space<hbm>>
      %dma_wait3A_32 = tpu.memref_squeeze %dma_wait3A_31 : memref<1x128xi32, #tpu.memory_space<hbm>> -> memref<128xi32, #tpu.memory_space<hbm>>
      tpu.wait_dma2 semaphore(%run_scoped3A : memref<!tpu.dma_semaphore, #tpu.memory_space<semaphore_mem>>) src(%arg9 : memref<128xi32, #tpu.memory_space<vmem>>) dst(%dma_wait3A_32 : memref<128xi32, #tpu.memory_space<hbm>>)
      tpu.yield
    }) : () -> ()
    return
  }
}

module attributes {stable_mosaic.version = 14 : i64} {
  func.func @body(%arg0: i32, %arg1: memref<1600x1024xf32, #tpu.memory_space<vmem>>, %arg2: memref<1024x1024xf32, #tpu.memory_space<vmem>>, %arg3: memref<32x1024xf32, #tpu.memory_space<vmem>>, %arg4: memref<1x1024xf32, #tpu.memory_space<vmem>>, %arg5: memref<1x1024xf32, #tpu.memory_space<vmem>>, %arg6: memref<50x32x1024xf32, #tpu.memory_space<vmem>>, %arg7: memref<1600x72xi32, #tpu.memory_space<vmem>>, %arg8: memref<32x1024xf32, #tpu.memory_space<vmem>>, %arg9: memref<1600x1024xf32, #tpu.memory_space<vmem>>, %arg10: memref<1600x1024xi32, #tpu.memory_space<vmem>>) attributes {dimension_semantics = [#tpu.dimension_semantics<arbitrary>], iteration_bounds = array<i64: 2>, scalar_prefetch = 0 : i64, scratch_operands = 3 : i64, tpu.core_type = #tpu.core_type<tc>, window_params = [{transform_indices = @transform_0, window_bounds = array<i64: 1600, 1024>}, {pipeline_mode = #tpu.pipeline_mode<synchronous>, transform_indices = @transform_1, window_bounds = array<i64: 1024, 1024>}, {pipeline_mode = #tpu.pipeline_mode<synchronous>, transform_indices = @transform_2, window_bounds = array<i64: 32, 1024>}, {pipeline_mode = #tpu.pipeline_mode<synchronous>, transform_indices = @transform_3, window_bounds = array<i64: 1, 1024>}, {pipeline_mode = #tpu.pipeline_mode<synchronous>, transform_indices = @transform_4, window_bounds = array<i64: 1, 1024>}, {transform_indices = @transform_5, window_bounds = array<i64: 50, 32, 1024>}, {transform_indices = @transform_6, window_bounds = array<i64: 1600, 72>}]} {
    %eq3A = arith.constant 0 : i32
    %eq3A_0 = arith.cmpi eq, %arg0, %eq3A : i32
    %convert_element_type3A = arith.extui %eq3A_0 : i1 to i32
    %cond3A = arith.constant 0 : i32
    %cond3A_1 = arith.cmpi ne, %convert_element_type3A, %cond3A : i32
    scf.if %cond3A_1 {
      %get3A_1405 = arith.constant 0 : index
      %get3A_1406 = arith.constant 0 : index
      %get3A_1407 = vector.load %arg3[%get3A_1405, %get3A_1406] : memref<32x1024xf32, #tpu.memory_space<vmem>>, vector<32x1024xf32>
      %swap3A_1408 = arith.constant 0 : index
      %swap3A_1409 = arith.constant 0 : index
      %swap3A_1410 = vector.load %arg8[%swap3A_1408, %swap3A_1409] : memref<32x1024xf32, #tpu.memory_space<vmem>>, vector<32x1024xf32>
      tpu.vector_store %arg8[%swap3A_1408, %swap3A_1409], %get3A_1407 {strides = array<i32>} : memref<32x1024xf32, #tpu.memory_space<vmem>>, vector<32x1024xf32>,
    } else {
    }
    %get3A = arith.constant 0 : index
    %get3A_2 = arith.constant 0 : index
    %get3A_3 = vector.load %arg1[%get3A, %get3A_2] : memref<1600x1024xf32, #tpu.memory_space<vmem>>, vector<1600x1024xf32>
    %get3A_4 = arith.constant 0 : index
    %get3A_5 = arith.constant 0 : index
    %get3A_6 = vector.load %arg2[%get3A_4, %get3A_5] : memref<1024x1024xf32, #tpu.memory_space<vmem>>, vector<1024x1024xf32>
    %dot_general3A = arith.constant dense<0.000000e+00> : vector<1600x1024xf32>
    %dot_general3A_7 = tpu.matmul %get3A_3, %get3A_6, %dot_general3A {dimension_numbers = #tpu.dot_dimension_numbers<[1], [1], [0], [0], [0, 0, 1, 0], [], []>, transpose_lhs_hint = false} : vector<1600x1024xf32>, vector<1024x1024xf32>, vector<1600x1024xf32> -> vector<1600x1024xf32>
    %swap3A = arith.constant 0 : index
    %swap3A_8 = arith.constant 0 : index
    %swap3A_9 = vector.load %arg9[%swap3A, %swap3A_8] : memref<1600x1024xf32, #tpu.memory_space<vmem>>, vector<1600x1024xf32>
    tpu.vector_store %arg9[%swap3A, %swap3A_8], %dot_general3A_7 {strides = array<i32>} : memref<1600x1024xf32, #tpu.memory_space<vmem>>, vector<1600x1024xf32>,
    %get3A_10 = arith.constant 0 : index
    %get3A_11 = arith.constant 0 : index
    %get3A_12 = vector.load %arg4[%get3A_10, %get3A_11] : memref<1x1024xf32, #tpu.memory_space<vmem>>, vector<1x1024xf32>
    %get3A_13 = arith.constant 0 : index
    %get3A_14 = arith.constant 0 : index
    %get3A_15 = vector.load %arg5[%get3A_13, %get3A_14] : memref<1x1024xf32, #tpu.memory_space<vmem>>, vector<1x1024xf32>
    %get3A_16 = arith.constant 0 : index
    %get3A_17 = arith.constant 0 : index
    %get3A_18 = vector.load %arg8[%get3A_16, %get3A_17] : memref<32x1024xf32, #tpu.memory_space<vmem>>, vector<32x1024xf32>
    %get3A_19 = arith.constant 0 : index
    %get3A_20 = arith.constant 0 : index
    %get3A_21 = vector.load %arg9[%get3A_19, %get3A_20] : memref<1600x1024xf32, #tpu.memory_space<vmem>>, vector<32x1024xf32>
    %mul3A = vector.broadcast %get3A_12 : vector<1x1024xf32> to vector<32x1024xf32>
    %mul3A_22 = arith.mulf %get3A_18, %mul3A : vector<32x1024xf32>
    %sub3A = arith.constant 1.000000e+00 : f32
    %sub3A_23 = vector.broadcast %sub3A : f32 to vector<1x1024xf32>
    %sub3A_24 = arith.subf %sub3A_23, %get3A_12 : vector<1x1024xf32>
    %mul3A_25 = vector.broadcast %sub3A_24 : vector<1x1024xf32> to vector<32x1024xf32>
    %mul3A_26 = arith.mulf %mul3A_25, %get3A_21 : vector<32x1024xf32>
    %add3A = arith.addf %mul3A_22, %mul3A_26 : vector<32x1024xf32>
    %gt3A = vector.broadcast %get3A_15 : vector<1x1024xf32> to vector<32x1024xf32>
    %gt3A_27 = arith.cmpf ogt, %add3A, %gt3A : vector<32x1024xf32>
    %jit3A = arith.constant 0.000000e+00 : f32
    %broadcast_in_dim3A = vector.broadcast %jit3A : f32 to vector<32x1024xf32>
    %select_n3A = arith.select %gt3A_27, %broadcast_in_dim3A, %add3A : vector<32x1024xi1>, vector<32x1024xf32>
    %swap3A_28 = arith.constant 0 : index
    %swap3A_29 = arith.constant 0 : index
    %swap3A_30 = arith.constant 0 : index
    %swap3A_31 = vector.load %arg6[%swap3A_28, %swap3A_29, %swap3A_30] : memref<50x32x1024xf32, #tpu.memory_space<vmem>>, vector<1x32x1024xf32>
    %swap3A_32 = vector.shape_cast %swap3A_31 : vector<1x32x1024xf32> to vector<32x1024xf32>
    %swap3A_33 = vector.shape_cast %select_n3A : vector<32x1024xf32> to vector<1x32x1024xf32>
    tpu.vector_store %arg6[%swap3A_28, %swap3A_29, %swap3A_30], %swap3A_33 {strides = array<i32>} : memref<50x32x1024xf32, #tpu.memory_space<vmem>>, vector<1x32x1024xf32>,
    %convert_element_type3A_34 = arith.extui %gt3A_27 : vector<32x1024xi1> to vector<32x1024xi32>
    %swap3A_35 = arith.constant 0 : index
    %swap3A_36 = arith.constant 0 : index
    %swap3A_37 = vector.load %arg10[%swap3A_35, %swap3A_36] : memref<1600x1024xi32, #tpu.memory_space<vmem>>, vector<32x1024xi32>
    tpu.vector_store %arg10[%swap3A_35, %swap3A_36], %convert_element_type3A_34 {strides = array<i32>} : memref<1600x1024xi32, #tpu.memory_space<vmem>>, vector<32x1024xi32>,
    %get3A_38 = arith.constant 32 : index
    %get3A_39 = arith.constant 0 : index
    %get3A_40 = vector.load %arg9[%get3A_38, %get3A_39] : memref<1600x1024xf32, #tpu.memory_space<vmem>>, vector<32x1024xf32>
    %mul3A_41 = vector.broadcast %get3A_12 : vector<1x1024xf32> to vector<32x1024xf32>
    %mul3A_42 = arith.mulf %select_n3A, %mul3A_41 : vector<32x1024xf32>
    %sub3A_43 = arith.constant 1.000000e+00 : f32
    %sub3A_44 = vector.broadcast %sub3A_43 : f32 to vector<1x1024xf32>
    %sub3A_45 = arith.subf %sub3A_44, %get3A_12 : vector<1x1024xf32>
    %mul3A_46 = vector.broadcast %sub3A_45 : vector<1x1024xf32> to vector<32x1024xf32>
    %mul3A_47 = arith.mulf %mul3A_46, %get3A_40 : vector<32x1024xf32>
    %add3A_48 = arith.addf %mul3A_42, %mul3A_47 : vector<32x1024xf32>
    %gt3A_49 = vector.broadcast %get3A_15 : vector<1x1024xf32> to vector<32x1024xf32>
    %gt3A_50 = arith.cmpf ogt, %add3A_48, %gt3A_49 : vector<32x1024xf32>
    %jit3A_51 = arith.constant 0.000000e+00 : f32
    %broadcast_in_dim3A_52 = vector.broadcast %jit3A_51 : f32 to vector<32x1024xf32>
    %select_n3A_53 = arith.select %gt3A_50, %broadcast_in_dim3A_52, %add3A_48 : vector<32x1024xi1>, vector<32x1024xf32>
    %swap3A_54 = arith.constant 1 : index
    %swap3A_55 = arith.constant 0 : index
    %swap3A_56 = arith.constant 0 : index
    %swap3A_57 = vector.load %arg6[%swap3A_54, %swap3A_55, %swap3A_56] : memref<50x32x1024xf32, #tpu.memory_space<vmem>>, vector<1x32x1024xf32>
    %swap3A_58 = vector.shape_cast %swap3A_57 : vector<1x32x1024xf32> to vector<32x1024xf32>
    %swap3A_59 = vector.shape_cast %select_n3A_53 : vector<32x1024xf32> to vector<1x32x1024xf32>
    tpu.vector_store %arg6[%swap3A_54, %swap3A_55, %swap3A_56], %swap3A_59 {strides = array<i32>} : memref<50x32x1024xf32, #tpu.memory_space<vmem>>, vector<1x32x1024xf32>,
    %convert_element_type3A_60 = arith.extui %gt3A_50 : vector<32x1024xi1> to vector<32x1024xi32>
    %swap3A_61 = arith.constant 32 : index
    %swap3A_62 = arith.constant 0 : index
    %swap3A_63 = vector.load %arg10[%swap3A_61, %swap3A_62] : memref<1600x1024xi32, #tpu.memory_space<vmem>>, vector<32x1024xi32>
    tpu.vector_store %arg10[%swap3A_61, %swap3A_62], %convert_element_type3A_60 {strides = array<i32>} : memref<1600x1024xi32, #tpu.memory_space<vmem>>, vector<32x1024xi32>,
    %get3A_64 = arith.constant 64 : index
    %get3A_65 = arith.constant 0 : index
    %get3A_66 = vector.load %arg9[%get3A_64, %get3A_65] : memref<1600x1024xf32, #tpu.memory_space<vmem>>, vector<32x1024xf32>
    %mul3A_67 = vector.broadcast %get3A_12 : vector<1x1024xf32> to vector<32x1024xf32>
    %mul3A_68 = arith.mulf %select_n3A_53, %mul3A_67 : vector<32x1024xf32>
    %sub3A_69 = arith.constant 1.000000e+00 : f32
    %sub3A_70 = vector.broadcast %sub3A_69 : f32 to vector<1x1024xf32>
    %sub3A_71 = arith.subf %sub3A_70, %get3A_12 : vector<1x1024xf32>
    %mul3A_72 = vector.broadcast %sub3A_71 : vector<1x1024xf32> to vector<32x1024xf32>
    %mul3A_73 = arith.mulf %mul3A_72, %get3A_66 : vector<32x1024xf32>
    %add3A_74 = arith.addf %mul3A_68, %mul3A_73 : vector<32x1024xf32>
    %gt3A_75 = vector.broadcast %get3A_15 : vector<1x1024xf32> to vector<32x1024xf32>
    %gt3A_76 = arith.cmpf ogt, %add3A_74, %gt3A_75 : vector<32x1024xf32>
    %jit3A_77 = arith.constant 0.000000e+00 : f32
    %broadcast_in_dim3A_78 = vector.broadcast %jit3A_77 : f32 to vector<32x1024xf32>
    %select_n3A_79 = arith.select %gt3A_76, %broadcast_in_dim3A_78, %add3A_74 : vector<32x1024xi1>, vector<32x1024xf32>
    %swap3A_80 = arith.constant 2 : index
    %swap3A_81 = arith.constant 0 : index
    %swap3A_82 = arith.constant 0 : index
    %swap3A_83 = vector.load %arg6[%swap3A_80, %swap3A_81, %swap3A_82] : memref<50x32x1024xf32, #tpu.memory_space<vmem>>, vector<1x32x1024xf32>
    %swap3A_84 = vector.shape_cast %swap3A_83 : vector<1x32x1024xf32> to vector<32x1024xf32>
    %swap3A_85 = vector.shape_cast %select_n3A_79 : vector<32x1024xf32> to vector<1x32x1024xf32>
    tpu.vector_store %arg6[%swap3A_80, %swap3A_81, %swap3A_82], %swap3A_85 {strides = array<i32>} : memref<50x32x1024xf32, #tpu.memory_space<vmem>>, vector<1x32x1024xf32>,
    %convert_element_type3A_86 = arith.extui %gt3A_76 : vector<32x1024xi1> to vector<32x1024xi32>
    %swap3A_87 = arith.constant 64 : index
    %swap3A_88 = arith.constant 0 : index
    %swap3A_89 = vector.load %arg10[%swap3A_87, %swap3A_88] : memref<1600x1024xi32, #tpu.memory_space<vmem>>, vector<32x1024xi32>
    tpu.vector_store %arg10[%swap3A_87, %swap3A_88], %convert_element_type3A_86 {strides = array<i32>} : memref<1600x1024xi32, #tpu.memory_space<vmem>>, vector<32x1024xi32>,
    %get3A_90 = arith.constant 96 : index
    %get3A_91 = arith.constant 0 : index
    %get3A_92 = vector.load %arg9[%get3A_90, %get3A_91] : memref<1600x1024xf32, #tpu.memory_space<vmem>>, vector<32x1024xf32>
    %mul3A_93 = vector.broadcast %get3A_12 : vector<1x1024xf32> to vector<32x1024xf32>
    %mul3A_94 = arith.mulf %select_n3A_79, %mul3A_93 : vector<32x1024xf32>
    %sub3A_95 = arith.constant 1.000000e+00 : f32
    %sub3A_96 = vector.broadcast %sub3A_95 : f32 to vector<1x1024xf32>
    %sub3A_97 = arith.subf %sub3A_96, %get3A_12 : vector<1x1024xf32>
    %mul3A_98 = vector.broadcast %sub3A_97 : vector<1x1024xf32> to vector<32x1024xf32>
    %mul3A_99 = arith.mulf %mul3A_98, %get3A_92 : vector<32x1024xf32>
    %add3A_100 = arith.addf %mul3A_94, %mul3A_99 : vector<32x1024xf32>
    %gt3A_101 = vector.broadcast %get3A_15 : vector<1x1024xf32> to vector<32x1024xf32>
    %gt3A_102 = arith.cmpf ogt, %add3A_100, %gt3A_101 : vector<32x1024xf32>
    %jit3A_103 = arith.constant 0.000000e+00 : f32
    %broadcast_in_dim3A_104 = vector.broadcast %jit3A_103 : f32 to vector<32x1024xf32>
    %select_n3A_105 = arith.select %gt3A_102, %broadcast_in_dim3A_104, %add3A_100 : vector<32x1024xi1>, vector<32x1024xf32>
    %swap3A_106 = arith.constant 3 : index
    %swap3A_107 = arith.constant 0 : index
    %swap3A_108 = arith.constant 0 : index
    %swap3A_109 = vector.load %arg6[%swap3A_106, %swap3A_107, %swap3A_108] : memref<50x32x1024xf32, #tpu.memory_space<vmem>>, vector<1x32x1024xf32>
    %swap3A_110 = vector.shape_cast %swap3A_109 : vector<1x32x1024xf32> to vector<32x1024xf32>
    %swap3A_111 = vector.shape_cast %select_n3A_105 : vector<32x1024xf32> to vector<1x32x1024xf32>
    tpu.vector_store %arg6[%swap3A_106, %swap3A_107, %swap3A_108], %swap3A_111 {strides = array<i32>} : memref<50x32x1024xf32, #tpu.memory_space<vmem>>, vector<1x32x1024xf32>,
    %convert_element_type3A_112 = arith.extui %gt3A_102 : vector<32x1024xi1> to vector<32x1024xi32>
    %swap3A_113 = arith.constant 96 : index
    %swap3A_114 = arith.constant 0 : index
    %swap3A_115 = vector.load %arg10[%swap3A_113, %swap3A_114] : memref<1600x1024xi32, #tpu.memory_space<vmem>>, vector<32x1024xi32>
    tpu.vector_store %arg10[%swap3A_113, %swap3A_114], %convert_element_type3A_112 {strides = array<i32>} : memref<1600x1024xi32, #tpu.memory_space<vmem>>, vector<32x1024xi32>,
    %get3A_116 = arith.constant 128 : index
    %get3A_117 = arith.constant 0 : index
    %get3A_118 = vector.load %arg9[%get3A_116, %get3A_117] : memref<1600x1024xf32, #tpu.memory_space<vmem>>, vector<32x1024xf32>
    %mul3A_119 = vector.broadcast %get3A_12 : vector<1x1024xf32> to vector<32x1024xf32>
    %mul3A_120 = arith.mulf %select_n3A_105, %mul3A_119 : vector<32x1024xf32>
    %sub3A_121 = arith.constant 1.000000e+00 : f32
    %sub3A_122 = vector.broadcast %sub3A_121 : f32 to vector<1x1024xf32>
    %sub3A_123 = arith.subf %sub3A_122, %get3A_12 : vector<1x1024xf32>
    %mul3A_124 = vector.broadcast %sub3A_123 : vector<1x1024xf32> to vector<32x1024xf32>
    %mul3A_125 = arith.mulf %mul3A_124, %get3A_118 : vector<32x1024xf32>
    %add3A_126 = arith.addf %mul3A_120, %mul3A_125 : vector<32x1024xf32>
    %gt3A_127 = vector.broadcast %get3A_15 : vector<1x1024xf32> to vector<32x1024xf32>
    %gt3A_128 = arith.cmpf ogt, %add3A_126, %gt3A_127 : vector<32x1024xf32>
    %jit3A_129 = arith.constant 0.000000e+00 : f32
    %broadcast_in_dim3A_130 = vector.broadcast %jit3A_129 : f32 to vector<32x1024xf32>
    %select_n3A_131 = arith.select %gt3A_128, %broadcast_in_dim3A_130, %add3A_126 : vector<32x1024xi1>, vector<32x1024xf32>
    %swap3A_132 = arith.constant 4 : index
    %swap3A_133 = arith.constant 0 : index
    %swap3A_134 = arith.constant 0 : index
    %swap3A_135 = vector.load %arg6[%swap3A_132, %swap3A_133, %swap3A_134] : memref<50x32x1024xf32, #tpu.memory_space<vmem>>, vector<1x32x1024xf32>
    %swap3A_136 = vector.shape_cast %swap3A_135 : vector<1x32x1024xf32> to vector<32x1024xf32>
    %swap3A_137 = vector.shape_cast %select_n3A_131 : vector<32x1024xf32> to vector<1x32x1024xf32>
    tpu.vector_store %arg6[%swap3A_132, %swap3A_133, %swap3A_134], %swap3A_137 {strides = array<i32>} : memref<50x32x1024xf32, #tpu.memory_space<vmem>>, vector<1x32x1024xf32>,
    %convert_element_type3A_138 = arith.extui %gt3A_128 : vector<32x1024xi1> to vector<32x1024xi32>
    %swap3A_139 = arith.constant 128 : index
    %swap3A_140 = arith.constant 0 : index
    %swap3A_141 = vector.load %arg10[%swap3A_139, %swap3A_140] : memref<1600x1024xi32, #tpu.memory_space<vmem>>, vector<32x1024xi32>
    tpu.vector_store %arg10[%swap3A_139, %swap3A_140], %convert_element_type3A_138 {strides = array<i32>} : memref<1600x1024xi32, #tpu.memory_space<vmem>>, vector<32x1024xi32>,
    %get3A_142 = arith.constant 160 : index
    %get3A_143 = arith.constant 0 : index
    %get3A_144 = vector.load %arg9[%get3A_142, %get3A_143] : memref<1600x1024xf32, #tpu.memory_space<vmem>>, vector<32x1024xf32>
    %mul3A_145 = vector.broadcast %get3A_12 : vector<1x1024xf32> to vector<32x1024xf32>
    %mul3A_146 = arith.mulf %select_n3A_131, %mul3A_145 : vector<32x1024xf32>
    %sub3A_147 = arith.constant 1.000000e+00 : f32
    %sub3A_148 = vector.broadcast %sub3A_147 : f32 to vector<1x1024xf32>
    %sub3A_149 = arith.subf %sub3A_148, %get3A_12 : vector<1x1024xf32>
    %mul3A_150 = vector.broadcast %sub3A_149 : vector<1x1024xf32> to vector<32x1024xf32>
    %mul3A_151 = arith.mulf %mul3A_150, %get3A_144 : vector<32x1024xf32>
    %add3A_152 = arith.addf %mul3A_146, %mul3A_151 : vector<32x1024xf32>
    %gt3A_153 = vector.broadcast %get3A_15 : vector<1x1024xf32> to vector<32x1024xf32>
    %gt3A_154 = arith.cmpf ogt, %add3A_152, %gt3A_153 : vector<32x1024xf32>
    %jit3A_155 = arith.constant 0.000000e+00 : f32
    %broadcast_in_dim3A_156 = vector.broadcast %jit3A_155 : f32 to vector<32x1024xf32>
    %select_n3A_157 = arith.select %gt3A_154, %broadcast_in_dim3A_156, %add3A_152 : vector<32x1024xi1>, vector<32x1024xf32>
    %swap3A_158 = arith.constant 5 : index
    %swap3A_159 = arith.constant 0 : index
    %swap3A_160 = arith.constant 0 : index
    %swap3A_161 = vector.load %arg6[%swap3A_158, %swap3A_159, %swap3A_160] : memref<50x32x1024xf32, #tpu.memory_space<vmem>>, vector<1x32x1024xf32>
    %swap3A_162 = vector.shape_cast %swap3A_161 : vector<1x32x1024xf32> to vector<32x1024xf32>
    %swap3A_163 = vector.shape_cast %select_n3A_157 : vector<32x1024xf32> to vector<1x32x1024xf32>
    tpu.vector_store %arg6[%swap3A_158, %swap3A_159, %swap3A_160], %swap3A_163 {strides = array<i32>} : memref<50x32x1024xf32, #tpu.memory_space<vmem>>, vector<1x32x1024xf32>,
    %convert_element_type3A_164 = arith.extui %gt3A_154 : vector<32x1024xi1> to vector<32x1024xi32>
    %swap3A_165 = arith.constant 160 : index
    %swap3A_166 = arith.constant 0 : index
    %swap3A_167 = vector.load %arg10[%swap3A_165, %swap3A_166] : memref<1600x1024xi32, #tpu.memory_space<vmem>>, vector<32x1024xi32>
    tpu.vector_store %arg10[%swap3A_165, %swap3A_166], %convert_element_type3A_164 {strides = array<i32>} : memref<1600x1024xi32, #tpu.memory_space<vmem>>, vector<32x1024xi32>,
    %get3A_168 = arith.constant 192 : index
    %get3A_169 = arith.constant 0 : index
    %get3A_170 = vector.load %arg9[%get3A_168, %get3A_169] : memref<1600x1024xf32, #tpu.memory_space<vmem>>, vector<32x1024xf32>
    %mul3A_171 = vector.broadcast %get3A_12 : vector<1x1024xf32> to vector<32x1024xf32>
    %mul3A_172 = arith.mulf %select_n3A_157, %mul3A_171 : vector<32x1024xf32>
    %sub3A_173 = arith.constant 1.000000e+00 : f32
    %sub3A_174 = vector.broadcast %sub3A_173 : f32 to vector<1x1024xf32>
    %sub3A_175 = arith.subf %sub3A_174, %get3A_12 : vector<1x1024xf32>
    %mul3A_176 = vector.broadcast %sub3A_175 : vector<1x1024xf32> to vector<32x1024xf32>
    %mul3A_177 = arith.mulf %mul3A_176, %get3A_170 : vector<32x1024xf32>
    %add3A_178 = arith.addf %mul3A_172, %mul3A_177 : vector<32x1024xf32>
    %gt3A_179 = vector.broadcast %get3A_15 : vector<1x1024xf32> to vector<32x1024xf32>
    %gt3A_180 = arith.cmpf ogt, %add3A_178, %gt3A_179 : vector<32x1024xf32>
    %jit3A_181 = arith.constant 0.000000e+00 : f32
    %broadcast_in_dim3A_182 = vector.broadcast %jit3A_181 : f32 to vector<32x1024xf32>
    %select_n3A_183 = arith.select %gt3A_180, %broadcast_in_dim3A_182, %add3A_178 : vector<32x1024xi1>, vector<32x1024xf32>
    %swap3A_184 = arith.constant 6 : index
    %swap3A_185 = arith.constant 0 : index
    %swap3A_186 = arith.constant 0 : index
    %swap3A_187 = vector.load %arg6[%swap3A_184, %swap3A_185, %swap3A_186] : memref<50x32x1024xf32, #tpu.memory_space<vmem>>, vector<1x32x1024xf32>
    %swap3A_188 = vector.shape_cast %swap3A_187 : vector<1x32x1024xf32> to vector<32x1024xf32>
    %swap3A_189 = vector.shape_cast %select_n3A_183 : vector<32x1024xf32> to vector<1x32x1024xf32>
    tpu.vector_store %arg6[%swap3A_184, %swap3A_185, %swap3A_186], %swap3A_189 {strides = array<i32>} : memref<50x32x1024xf32, #tpu.memory_space<vmem>>, vector<1x32x1024xf32>,
    %convert_element_type3A_190 = arith.extui %gt3A_180 : vector<32x1024xi1> to vector<32x1024xi32>
    %swap3A_191 = arith.constant 192 : index
    %swap3A_192 = arith.constant 0 : index
    %swap3A_193 = vector.load %arg10[%swap3A_191, %swap3A_192] : memref<1600x1024xi32, #tpu.memory_space<vmem>>, vector<32x1024xi32>
    tpu.vector_store %arg10[%swap3A_191, %swap3A_192], %convert_element_type3A_190 {strides = array<i32>} : memref<1600x1024xi32, #tpu.memory_space<vmem>>, vector<32x1024xi32>,
    %get3A_194 = arith.constant 224 : index
    %get3A_195 = arith.constant 0 : index
    %get3A_196 = vector.load %arg9[%get3A_194, %get3A_195] : memref<1600x1024xf32, #tpu.memory_space<vmem>>, vector<32x1024xf32>
    %mul3A_197 = vector.broadcast %get3A_12 : vector<1x1024xf32> to vector<32x1024xf32>
    %mul3A_198 = arith.mulf %select_n3A_183, %mul3A_197 : vector<32x1024xf32>
    %sub3A_199 = arith.constant 1.000000e+00 : f32
    %sub3A_200 = vector.broadcast %sub3A_199 : f32 to vector<1x1024xf32>
    %sub3A_201 = arith.subf %sub3A_200, %get3A_12 : vector<1x1024xf32>
    %mul3A_202 = vector.broadcast %sub3A_201 : vector<1x1024xf32> to vector<32x1024xf32>
    %mul3A_203 = arith.mulf %mul3A_202, %get3A_196 : vector<32x1024xf32>
    %add3A_204 = arith.addf %mul3A_198, %mul3A_203 : vector<32x1024xf32>
    %gt3A_205 = vector.broadcast %get3A_15 : vector<1x1024xf32> to vector<32x1024xf32>
    %gt3A_206 = arith.cmpf ogt, %add3A_204, %gt3A_205 : vector<32x1024xf32>
    %jit3A_207 = arith.constant 0.000000e+00 : f32
    %broadcast_in_dim3A_208 = vector.broadcast %jit3A_207 : f32 to vector<32x1024xf32>
    %select_n3A_209 = arith.select %gt3A_206, %broadcast_in_dim3A_208, %add3A_204 : vector<32x1024xi1>, vector<32x1024xf32>
    %swap3A_210 = arith.constant 7 : index
    %swap3A_211 = arith.constant 0 : index
    %swap3A_212 = arith.constant 0 : index
    %swap3A_213 = vector.load %arg6[%swap3A_210, %swap3A_211, %swap3A_212] : memref<50x32x1024xf32, #tpu.memory_space<vmem>>, vector<1x32x1024xf32>
    %swap3A_214 = vector.shape_cast %swap3A_213 : vector<1x32x1024xf32> to vector<32x1024xf32>
    %swap3A_215 = vector.shape_cast %select_n3A_209 : vector<32x1024xf32> to vector<1x32x1024xf32>
    tpu.vector_store %arg6[%swap3A_210, %swap3A_211, %swap3A_212], %swap3A_215 {strides = array<i32>} : memref<50x32x1024xf32, #tpu.memory_space<vmem>>, vector<1x32x1024xf32>,
    %convert_element_type3A_216 = arith.extui %gt3A_206 : vector<32x1024xi1> to vector<32x1024xi32>
    %swap3A_217 = arith.constant 224 : index
    %swap3A_218 = arith.constant 0 : index
    %swap3A_219 = vector.load %arg10[%swap3A_217, %swap3A_218] : memref<1600x1024xi32, #tpu.memory_space<vmem>>, vector<32x1024xi32>
    tpu.vector_store %arg10[%swap3A_217, %swap3A_218], %convert_element_type3A_216 {strides = array<i32>} : memref<1600x1024xi32, #tpu.memory_space<vmem>>, vector<32x1024xi32>,
    %get3A_220 = arith.constant 256 : index
    %get3A_221 = arith.constant 0 : index
    %get3A_222 = vector.load %arg9[%get3A_220, %get3A_221] : memref<1600x1024xf32, #tpu.memory_space<vmem>>, vector<32x1024xf32>
    %mul3A_223 = vector.broadcast %get3A_12 : vector<1x1024xf32> to vector<32x1024xf32>
    %mul3A_224 = arith.mulf %select_n3A_209, %mul3A_223 : vector<32x1024xf32>
    %sub3A_225 = arith.constant 1.000000e+00 : f32
    %sub3A_226 = vector.broadcast %sub3A_225 : f32 to vector<1x1024xf32>
    %sub3A_227 = arith.subf %sub3A_226, %get3A_12 : vector<1x1024xf32>
    %mul3A_228 = vector.broadcast %sub3A_227 : vector<1x1024xf32> to vector<32x1024xf32>
    %mul3A_229 = arith.mulf %mul3A_228, %get3A_222 : vector<32x1024xf32>
    %add3A_230 = arith.addf %mul3A_224, %mul3A_229 : vector<32x1024xf32>
    %gt3A_231 = vector.broadcast %get3A_15 : vector<1x1024xf32> to vector<32x1024xf32>
    %gt3A_232 = arith.cmpf ogt, %add3A_230, %gt3A_231 : vector<32x1024xf32>
    %jit3A_233 = arith.constant 0.000000e+00 : f32
    %broadcast_in_dim3A_234 = vector.broadcast %jit3A_233 : f32 to vector<32x1024xf32>
    %select_n3A_235 = arith.select %gt3A_232, %broadcast_in_dim3A_234, %add3A_230 : vector<32x1024xi1>, vector<32x1024xf32>
    %swap3A_236 = arith.constant 8 : index
    %swap3A_237 = arith.constant 0 : index
    %swap3A_238 = arith.constant 0 : index
    %swap3A_239 = vector.load %arg6[%swap3A_236, %swap3A_237, %swap3A_238] : memref<50x32x1024xf32, #tpu.memory_space<vmem>>, vector<1x32x1024xf32>
    %swap3A_240 = vector.shape_cast %swap3A_239 : vector<1x32x1024xf32> to vector<32x1024xf32>
    %swap3A_241 = vector.shape_cast %select_n3A_235 : vector<32x1024xf32> to vector<1x32x1024xf32>
    tpu.vector_store %arg6[%swap3A_236, %swap3A_237, %swap3A_238], %swap3A_241 {strides = array<i32>} : memref<50x32x1024xf32, #tpu.memory_space<vmem>>, vector<1x32x1024xf32>,
    %convert_element_type3A_242 = arith.extui %gt3A_232 : vector<32x1024xi1> to vector<32x1024xi32>
    %swap3A_243 = arith.constant 256 : index
    %swap3A_244 = arith.constant 0 : index
    %swap3A_245 = vector.load %arg10[%swap3A_243, %swap3A_244] : memref<1600x1024xi32, #tpu.memory_space<vmem>>, vector<32x1024xi32>
    tpu.vector_store %arg10[%swap3A_243, %swap3A_244], %convert_element_type3A_242 {strides = array<i32>} : memref<1600x1024xi32, #tpu.memory_space<vmem>>, vector<32x1024xi32>,
    %get3A_246 = arith.constant 288 : index
    %get3A_247 = arith.constant 0 : index
    %get3A_248 = vector.load %arg9[%get3A_246, %get3A_247] : memref<1600x1024xf32, #tpu.memory_space<vmem>>, vector<32x1024xf32>
    %mul3A_249 = vector.broadcast %get3A_12 : vector<1x1024xf32> to vector<32x1024xf32>
    %mul3A_250 = arith.mulf %select_n3A_235, %mul3A_249 : vector<32x1024xf32>
    %sub3A_251 = arith.constant 1.000000e+00 : f32
    %sub3A_252 = vector.broadcast %sub3A_251 : f32 to vector<1x1024xf32>
    %sub3A_253 = arith.subf %sub3A_252, %get3A_12 : vector<1x1024xf32>
    %mul3A_254 = vector.broadcast %sub3A_253 : vector<1x1024xf32> to vector<32x1024xf32>
    %mul3A_255 = arith.mulf %mul3A_254, %get3A_248 : vector<32x1024xf32>
    %add3A_256 = arith.addf %mul3A_250, %mul3A_255 : vector<32x1024xf32>
    %gt3A_257 = vector.broadcast %get3A_15 : vector<1x1024xf32> to vector<32x1024xf32>
    %gt3A_258 = arith.cmpf ogt, %add3A_256, %gt3A_257 : vector<32x1024xf32>
    %jit3A_259 = arith.constant 0.000000e+00 : f32
    %broadcast_in_dim3A_260 = vector.broadcast %jit3A_259 : f32 to vector<32x1024xf32>
    %select_n3A_261 = arith.select %gt3A_258, %broadcast_in_dim3A_260, %add3A_256 : vector<32x1024xi1>, vector<32x1024xf32>
    %swap3A_262 = arith.constant 9 : index
    %swap3A_263 = arith.constant 0 : index
    %swap3A_264 = arith.constant 0 : index
    %swap3A_265 = vector.load %arg6[%swap3A_262, %swap3A_263, %swap3A_264] : memref<50x32x1024xf32, #tpu.memory_space<vmem>>, vector<1x32x1024xf32>
    %swap3A_266 = vector.shape_cast %swap3A_265 : vector<1x32x1024xf32> to vector<32x1024xf32>
    %swap3A_267 = vector.shape_cast %select_n3A_261 : vector<32x1024xf32> to vector<1x32x1024xf32>
    tpu.vector_store %arg6[%swap3A_262, %swap3A_263, %swap3A_264], %swap3A_267 {strides = array<i32>} : memref<50x32x1024xf32, #tpu.memory_space<vmem>>, vector<1x32x1024xf32>,
    %convert_element_type3A_268 = arith.extui %gt3A_258 : vector<32x1024xi1> to vector<32x1024xi32>
    %swap3A_269 = arith.constant 288 : index
    %swap3A_270 = arith.constant 0 : index
    %swap3A_271 = vector.load %arg10[%swap3A_269, %swap3A_270] : memref<1600x1024xi32, #tpu.memory_space<vmem>>, vector<32x1024xi32>
    tpu.vector_store %arg10[%swap3A_269, %swap3A_270], %convert_element_type3A_268 {strides = array<i32>} : memref<1600x1024xi32, #tpu.memory_space<vmem>>, vector<32x1024xi32>,
    %get3A_272 = arith.constant 320 : index
    %get3A_273 = arith.constant 0 : index
    %get3A_274 = vector.load %arg9[%get3A_272, %get3A_273] : memref<1600x1024xf32, #tpu.memory_space<vmem>>, vector<32x1024xf32>
    %mul3A_275 = vector.broadcast %get3A_12 : vector<1x1024xf32> to vector<32x1024xf32>
    %mul3A_276 = arith.mulf %select_n3A_261, %mul3A_275 : vector<32x1024xf32>
    %sub3A_277 = arith.constant 1.000000e+00 : f32
    %sub3A_278 = vector.broadcast %sub3A_277 : f32 to vector<1x1024xf32>
    %sub3A_279 = arith.subf %sub3A_278, %get3A_12 : vector<1x1024xf32>
    %mul3A_280 = vector.broadcast %sub3A_279 : vector<1x1024xf32> to vector<32x1024xf32>
    %mul3A_281 = arith.mulf %mul3A_280, %get3A_274 : vector<32x1024xf32>
    %add3A_282 = arith.addf %mul3A_276, %mul3A_281 : vector<32x1024xf32>
    %gt3A_283 = vector.broadcast %get3A_15 : vector<1x1024xf32> to vector<32x1024xf32>
    %gt3A_284 = arith.cmpf ogt, %add3A_282, %gt3A_283 : vector<32x1024xf32>
    %jit3A_285 = arith.constant 0.000000e+00 : f32
    %broadcast_in_dim3A_286 = vector.broadcast %jit3A_285 : f32 to vector<32x1024xf32>
    %select_n3A_287 = arith.select %gt3A_284, %broadcast_in_dim3A_286, %add3A_282 : vector<32x1024xi1>, vector<32x1024xf32>
    %swap3A_288 = arith.constant 10 : index
    %swap3A_289 = arith.constant 0 : index
    %swap3A_290 = arith.constant 0 : index
    %swap3A_291 = vector.load %arg6[%swap3A_288, %swap3A_289, %swap3A_290] : memref<50x32x1024xf32, #tpu.memory_space<vmem>>, vector<1x32x1024xf32>
    %swap3A_292 = vector.shape_cast %swap3A_291 : vector<1x32x1024xf32> to vector<32x1024xf32>
    %swap3A_293 = vector.shape_cast %select_n3A_287 : vector<32x1024xf32> to vector<1x32x1024xf32>
    tpu.vector_store %arg6[%swap3A_288, %swap3A_289, %swap3A_290], %swap3A_293 {strides = array<i32>} : memref<50x32x1024xf32, #tpu.memory_space<vmem>>, vector<1x32x1024xf32>,
    %convert_element_type3A_294 = arith.extui %gt3A_284 : vector<32x1024xi1> to vector<32x1024xi32>
    %swap3A_295 = arith.constant 320 : index
    %swap3A_296 = arith.constant 0 : index
    %swap3A_297 = vector.load %arg10[%swap3A_295, %swap3A_296] : memref<1600x1024xi32, #tpu.memory_space<vmem>>, vector<32x1024xi32>
    tpu.vector_store %arg10[%swap3A_295, %swap3A_296], %convert_element_type3A_294 {strides = array<i32>} : memref<1600x1024xi32, #tpu.memory_space<vmem>>, vector<32x1024xi32>,
    %get3A_298 = arith.constant 352 : index
    %get3A_299 = arith.constant 0 : index
    %get3A_300 = vector.load %arg9[%get3A_298, %get3A_299] : memref<1600x1024xf32, #tpu.memory_space<vmem>>, vector<32x1024xf32>
    %mul3A_301 = vector.broadcast %get3A_12 : vector<1x1024xf32> to vector<32x1024xf32>
    %mul3A_302 = arith.mulf %select_n3A_287, %mul3A_301 : vector<32x1024xf32>
    %sub3A_303 = arith.constant 1.000000e+00 : f32
    %sub3A_304 = vector.broadcast %sub3A_303 : f32 to vector<1x1024xf32>
    %sub3A_305 = arith.subf %sub3A_304, %get3A_12 : vector<1x1024xf32>
    %mul3A_306 = vector.broadcast %sub3A_305 : vector<1x1024xf32> to vector<32x1024xf32>
    %mul3A_307 = arith.mulf %mul3A_306, %get3A_300 : vector<32x1024xf32>
    %add3A_308 = arith.addf %mul3A_302, %mul3A_307 : vector<32x1024xf32>
    %gt3A_309 = vector.broadcast %get3A_15 : vector<1x1024xf32> to vector<32x1024xf32>
    %gt3A_310 = arith.cmpf ogt, %add3A_308, %gt3A_309 : vector<32x1024xf32>
    %jit3A_311 = arith.constant 0.000000e+00 : f32
    %broadcast_in_dim3A_312 = vector.broadcast %jit3A_311 : f32 to vector<32x1024xf32>
    %select_n3A_313 = arith.select %gt3A_310, %broadcast_in_dim3A_312, %add3A_308 : vector<32x1024xi1>, vector<32x1024xf32>
    %swap3A_314 = arith.constant 11 : index
    %swap3A_315 = arith.constant 0 : index
    %swap3A_316 = arith.constant 0 : index
    %swap3A_317 = vector.load %arg6[%swap3A_314, %swap3A_315, %swap3A_316] : memref<50x32x1024xf32, #tpu.memory_space<vmem>>, vector<1x32x1024xf32>
    %swap3A_318 = vector.shape_cast %swap3A_317 : vector<1x32x1024xf32> to vector<32x1024xf32>
    %swap3A_319 = vector.shape_cast %select_n3A_313 : vector<32x1024xf32> to vector<1x32x1024xf32>
    tpu.vector_store %arg6[%swap3A_314, %swap3A_315, %swap3A_316], %swap3A_319 {strides = array<i32>} : memref<50x32x1024xf32, #tpu.memory_space<vmem>>, vector<1x32x1024xf32>,
    %convert_element_type3A_320 = arith.extui %gt3A_310 : vector<32x1024xi1> to vector<32x1024xi32>
    %swap3A_321 = arith.constant 352 : index
    %swap3A_322 = arith.constant 0 : index
    %swap3A_323 = vector.load %arg10[%swap3A_321, %swap3A_322] : memref<1600x1024xi32, #tpu.memory_space<vmem>>, vector<32x1024xi32>
    tpu.vector_store %arg10[%swap3A_321, %swap3A_322], %convert_element_type3A_320 {strides = array<i32>} : memref<1600x1024xi32, #tpu.memory_space<vmem>>, vector<32x1024xi32>,
    %get3A_324 = arith.constant 384 : index
    %get3A_325 = arith.constant 0 : index
    %get3A_326 = vector.load %arg9[%get3A_324, %get3A_325] : memref<1600x1024xf32, #tpu.memory_space<vmem>>, vector<32x1024xf32>
    %mul3A_327 = vector.broadcast %get3A_12 : vector<1x1024xf32> to vector<32x1024xf32>
    %mul3A_328 = arith.mulf %select_n3A_313, %mul3A_327 : vector<32x1024xf32>
    %sub3A_329 = arith.constant 1.000000e+00 : f32
    %sub3A_330 = vector.broadcast %sub3A_329 : f32 to vector<1x1024xf32>
    %sub3A_331 = arith.subf %sub3A_330, %get3A_12 : vector<1x1024xf32>
    %mul3A_332 = vector.broadcast %sub3A_331 : vector<1x1024xf32> to vector<32x1024xf32>
    %mul3A_333 = arith.mulf %mul3A_332, %get3A_326 : vector<32x1024xf32>
    %add3A_334 = arith.addf %mul3A_328, %mul3A_333 : vector<32x1024xf32>
    %gt3A_335 = vector.broadcast %get3A_15 : vector<1x1024xf32> to vector<32x1024xf32>
    %gt3A_336 = arith.cmpf ogt, %add3A_334, %gt3A_335 : vector<32x1024xf32>
    %jit3A_337 = arith.constant 0.000000e+00 : f32
    %broadcast_in_dim3A_338 = vector.broadcast %jit3A_337 : f32 to vector<32x1024xf32>
    %select_n3A_339 = arith.select %gt3A_336, %broadcast_in_dim3A_338, %add3A_334 : vector<32x1024xi1>, vector<32x1024xf32>
    %swap3A_340 = arith.constant 12 : index
    %swap3A_341 = arith.constant 0 : index
    %swap3A_342 = arith.constant 0 : index
    %swap3A_343 = vector.load %arg6[%swap3A_340, %swap3A_341, %swap3A_342] : memref<50x32x1024xf32, #tpu.memory_space<vmem>>, vector<1x32x1024xf32>
    %swap3A_344 = vector.shape_cast %swap3A_343 : vector<1x32x1024xf32> to vector<32x1024xf32>
    %swap3A_345 = vector.shape_cast %select_n3A_339 : vector<32x1024xf32> to vector<1x32x1024xf32>
    tpu.vector_store %arg6[%swap3A_340, %swap3A_341, %swap3A_342], %swap3A_345 {strides = array<i32>} : memref<50x32x1024xf32, #tpu.memory_space<vmem>>, vector<1x32x1024xf32>,
    %convert_element_type3A_346 = arith.extui %gt3A_336 : vector<32x1024xi1> to vector<32x1024xi32>
    %swap3A_347 = arith.constant 384 : index
    %swap3A_348 = arith.constant 0 : index
    %swap3A_349 = vector.load %arg10[%swap3A_347, %swap3A_348] : memref<1600x1024xi32, #tpu.memory_space<vmem>>, vector<32x1024xi32>
    tpu.vector_store %arg10[%swap3A_347, %swap3A_348], %convert_element_type3A_346 {strides = array<i32>} : memref<1600x1024xi32, #tpu.memory_space<vmem>>, vector<32x1024xi32>,
    %get3A_350 = arith.constant 416 : index
    %get3A_351 = arith.constant 0 : index
    %get3A_352 = vector.load %arg9[%get3A_350, %get3A_351] : memref<1600x1024xf32, #tpu.memory_space<vmem>>, vector<32x1024xf32>
    %mul3A_353 = vector.broadcast %get3A_12 : vector<1x1024xf32> to vector<32x1024xf32>
    %mul3A_354 = arith.mulf %select_n3A_339, %mul3A_353 : vector<32x1024xf32>
    %sub3A_355 = arith.constant 1.000000e+00 : f32
    %sub3A_356 = vector.broadcast %sub3A_355 : f32 to vector<1x1024xf32>
    %sub3A_357 = arith.subf %sub3A_356, %get3A_12 : vector<1x1024xf32>
    %mul3A_358 = vector.broadcast %sub3A_357 : vector<1x1024xf32> to vector<32x1024xf32>
    %mul3A_359 = arith.mulf %mul3A_358, %get3A_352 : vector<32x1024xf32>
    %add3A_360 = arith.addf %mul3A_354, %mul3A_359 : vector<32x1024xf32>
    %gt3A_361 = vector.broadcast %get3A_15 : vector<1x1024xf32> to vector<32x1024xf32>
    %gt3A_362 = arith.cmpf ogt, %add3A_360, %gt3A_361 : vector<32x1024xf32>
    %jit3A_363 = arith.constant 0.000000e+00 : f32
    %broadcast_in_dim3A_364 = vector.broadcast %jit3A_363 : f32 to vector<32x1024xf32>
    %select_n3A_365 = arith.select %gt3A_362, %broadcast_in_dim3A_364, %add3A_360 : vector<32x1024xi1>, vector<32x1024xf32>
    %swap3A_366 = arith.constant 13 : index
    %swap3A_367 = arith.constant 0 : index
    %swap3A_368 = arith.constant 0 : index
    %swap3A_369 = vector.load %arg6[%swap3A_366, %swap3A_367, %swap3A_368] : memref<50x32x1024xf32, #tpu.memory_space<vmem>>, vector<1x32x1024xf32>
    %swap3A_370 = vector.shape_cast %swap3A_369 : vector<1x32x1024xf32> to vector<32x1024xf32>
    %swap3A_371 = vector.shape_cast %select_n3A_365 : vector<32x1024xf32> to vector<1x32x1024xf32>
    tpu.vector_store %arg6[%swap3A_366, %swap3A_367, %swap3A_368], %swap3A_371 {strides = array<i32>} : memref<50x32x1024xf32, #tpu.memory_space<vmem>>, vector<1x32x1024xf32>,
    %convert_element_type3A_372 = arith.extui %gt3A_362 : vector<32x1024xi1> to vector<32x1024xi32>
    %swap3A_373 = arith.constant 416 : index
    %swap3A_374 = arith.constant 0 : index
    %swap3A_375 = vector.load %arg10[%swap3A_373, %swap3A_374] : memref<1600x1024xi32, #tpu.memory_space<vmem>>, vector<32x1024xi32>
    tpu.vector_store %arg10[%swap3A_373, %swap3A_374], %convert_element_type3A_372 {strides = array<i32>} : memref<1600x1024xi32, #tpu.memory_space<vmem>>, vector<32x1024xi32>,
    %get3A_376 = arith.constant 448 : index
    %get3A_377 = arith.constant 0 : index
    %get3A_378 = vector.load %arg9[%get3A_376, %get3A_377] : memref<1600x1024xf32, #tpu.memory_space<vmem>>, vector<32x1024xf32>
    %mul3A_379 = vector.broadcast %get3A_12 : vector<1x1024xf32> to vector<32x1024xf32>
    %mul3A_380 = arith.mulf %select_n3A_365, %mul3A_379 : vector<32x1024xf32>
    %sub3A_381 = arith.constant 1.000000e+00 : f32
    %sub3A_382 = vector.broadcast %sub3A_381 : f32 to vector<1x1024xf32>
    %sub3A_383 = arith.subf %sub3A_382, %get3A_12 : vector<1x1024xf32>
    %mul3A_384 = vector.broadcast %sub3A_383 : vector<1x1024xf32> to vector<32x1024xf32>
    %mul3A_385 = arith.mulf %mul3A_384, %get3A_378 : vector<32x1024xf32>
    %add3A_386 = arith.addf %mul3A_380, %mul3A_385 : vector<32x1024xf32>
    %gt3A_387 = vector.broadcast %get3A_15 : vector<1x1024xf32> to vector<32x1024xf32>
    %gt3A_388 = arith.cmpf ogt, %add3A_386, %gt3A_387 : vector<32x1024xf32>
    %jit3A_389 = arith.constant 0.000000e+00 : f32
    %broadcast_in_dim3A_390 = vector.broadcast %jit3A_389 : f32 to vector<32x1024xf32>
    %select_n3A_391 = arith.select %gt3A_388, %broadcast_in_dim3A_390, %add3A_386 : vector<32x1024xi1>, vector<32x1024xf32>
    %swap3A_392 = arith.constant 14 : index
    %swap3A_393 = arith.constant 0 : index
    %swap3A_394 = arith.constant 0 : index
    %swap3A_395 = vector.load %arg6[%swap3A_392, %swap3A_393, %swap3A_394] : memref<50x32x1024xf32, #tpu.memory_space<vmem>>, vector<1x32x1024xf32>
    %swap3A_396 = vector.shape_cast %swap3A_395 : vector<1x32x1024xf32> to vector<32x1024xf32>
    %swap3A_397 = vector.shape_cast %select_n3A_391 : vector<32x1024xf32> to vector<1x32x1024xf32>
    tpu.vector_store %arg6[%swap3A_392, %swap3A_393, %swap3A_394], %swap3A_397 {strides = array<i32>} : memref<50x32x1024xf32, #tpu.memory_space<vmem>>, vector<1x32x1024xf32>,
    %convert_element_type3A_398 = arith.extui %gt3A_388 : vector<32x1024xi1> to vector<32x1024xi32>
    %swap3A_399 = arith.constant 448 : index
    %swap3A_400 = arith.constant 0 : index
    %swap3A_401 = vector.load %arg10[%swap3A_399, %swap3A_400] : memref<1600x1024xi32, #tpu.memory_space<vmem>>, vector<32x1024xi32>
    tpu.vector_store %arg10[%swap3A_399, %swap3A_400], %convert_element_type3A_398 {strides = array<i32>} : memref<1600x1024xi32, #tpu.memory_space<vmem>>, vector<32x1024xi32>,
    %get3A_402 = arith.constant 480 : index
    %get3A_403 = arith.constant 0 : index
    %get3A_404 = vector.load %arg9[%get3A_402, %get3A_403] : memref<1600x1024xf32, #tpu.memory_space<vmem>>, vector<32x1024xf32>
    %mul3A_405 = vector.broadcast %get3A_12 : vector<1x1024xf32> to vector<32x1024xf32>
    %mul3A_406 = arith.mulf %select_n3A_391, %mul3A_405 : vector<32x1024xf32>
    %sub3A_407 = arith.constant 1.000000e+00 : f32
    %sub3A_408 = vector.broadcast %sub3A_407 : f32 to vector<1x1024xf32>
    %sub3A_409 = arith.subf %sub3A_408, %get3A_12 : vector<1x1024xf32>
    %mul3A_410 = vector.broadcast %sub3A_409 : vector<1x1024xf32> to vector<32x1024xf32>
    %mul3A_411 = arith.mulf %mul3A_410, %get3A_404 : vector<32x1024xf32>
    %add3A_412 = arith.addf %mul3A_406, %mul3A_411 : vector<32x1024xf32>
    %gt3A_413 = vector.broadcast %get3A_15 : vector<1x1024xf32> to vector<32x1024xf32>
    %gt3A_414 = arith.cmpf ogt, %add3A_412, %gt3A_413 : vector<32x1024xf32>
    %jit3A_415 = arith.constant 0.000000e+00 : f32
    %broadcast_in_dim3A_416 = vector.broadcast %jit3A_415 : f32 to vector<32x1024xf32>
    %select_n3A_417 = arith.select %gt3A_414, %broadcast_in_dim3A_416, %add3A_412 : vector<32x1024xi1>, vector<32x1024xf32>
    %swap3A_418 = arith.constant 15 : index
    %swap3A_419 = arith.constant 0 : index
    %swap3A_420 = arith.constant 0 : index
    %swap3A_421 = vector.load %arg6[%swap3A_418, %swap3A_419, %swap3A_420] : memref<50x32x1024xf32, #tpu.memory_space<vmem>>, vector<1x32x1024xf32>
    %swap3A_422 = vector.shape_cast %swap3A_421 : vector<1x32x1024xf32> to vector<32x1024xf32>
    %swap3A_423 = vector.shape_cast %select_n3A_417 : vector<32x1024xf32> to vector<1x32x1024xf32>
    tpu.vector_store %arg6[%swap3A_418, %swap3A_419, %swap3A_420], %swap3A_423 {strides = array<i32>} : memref<50x32x1024xf32, #tpu.memory_space<vmem>>, vector<1x32x1024xf32>,
    %convert_element_type3A_424 = arith.extui %gt3A_414 : vector<32x1024xi1> to vector<32x1024xi32>
    %swap3A_425 = arith.constant 480 : index
    %swap3A_426 = arith.constant 0 : index
    %swap3A_427 = vector.load %arg10[%swap3A_425, %swap3A_426] : memref<1600x1024xi32, #tpu.memory_space<vmem>>, vector<32x1024xi32>
    tpu.vector_store %arg10[%swap3A_425, %swap3A_426], %convert_element_type3A_424 {strides = array<i32>} : memref<1600x1024xi32, #tpu.memory_space<vmem>>, vector<32x1024xi32>,
    %get3A_428 = arith.constant 512 : index
    %get3A_429 = arith.constant 0 : index
    %get3A_430 = vector.load %arg9[%get3A_428, %get3A_429] : memref<1600x1024xf32, #tpu.memory_space<vmem>>, vector<32x1024xf32>
    %mul3A_431 = vector.broadcast %get3A_12 : vector<1x1024xf32> to vector<32x1024xf32>
    %mul3A_432 = arith.mulf %select_n3A_417, %mul3A_431 : vector<32x1024xf32>
    %sub3A_433 = arith.constant 1.000000e+00 : f32
    %sub3A_434 = vector.broadcast %sub3A_433 : f32 to vector<1x1024xf32>
    %sub3A_435 = arith.subf %sub3A_434, %get3A_12 : vector<1x1024xf32>
    %mul3A_436 = vector.broadcast %sub3A_435 : vector<1x1024xf32> to vector<32x1024xf32>
    %mul3A_437 = arith.mulf %mul3A_436, %get3A_430 : vector<32x1024xf32>
    %add3A_438 = arith.addf %mul3A_432, %mul3A_437 : vector<32x1024xf32>
    %gt3A_439 = vector.broadcast %get3A_15 : vector<1x1024xf32> to vector<32x1024xf32>
    %gt3A_440 = arith.cmpf ogt, %add3A_438, %gt3A_439 : vector<32x1024xf32>
    %jit3A_441 = arith.constant 0.000000e+00 : f32
    %broadcast_in_dim3A_442 = vector.broadcast %jit3A_441 : f32 to vector<32x1024xf32>
    %select_n3A_443 = arith.select %gt3A_440, %broadcast_in_dim3A_442, %add3A_438 : vector<32x1024xi1>, vector<32x1024xf32>
    %swap3A_444 = arith.constant 16 : index
    %swap3A_445 = arith.constant 0 : index
    %swap3A_446 = arith.constant 0 : index
    %swap3A_447 = vector.load %arg6[%swap3A_444, %swap3A_445, %swap3A_446] : memref<50x32x1024xf32, #tpu.memory_space<vmem>>, vector<1x32x1024xf32>
    %swap3A_448 = vector.shape_cast %swap3A_447 : vector<1x32x1024xf32> to vector<32x1024xf32>
    %swap3A_449 = vector.shape_cast %select_n3A_443 : vector<32x1024xf32> to vector<1x32x1024xf32>
    tpu.vector_store %arg6[%swap3A_444, %swap3A_445, %swap3A_446], %swap3A_449 {strides = array<i32>} : memref<50x32x1024xf32, #tpu.memory_space<vmem>>, vector<1x32x1024xf32>,
    %convert_element_type3A_450 = arith.extui %gt3A_440 : vector<32x1024xi1> to vector<32x1024xi32>
    %swap3A_451 = arith.constant 512 : index
    %swap3A_452 = arith.constant 0 : index
    %swap3A_453 = vector.load %arg10[%swap3A_451, %swap3A_452] : memref<1600x1024xi32, #tpu.memory_space<vmem>>, vector<32x1024xi32>
    tpu.vector_store %arg10[%swap3A_451, %swap3A_452], %convert_element_type3A_450 {strides = array<i32>} : memref<1600x1024xi32, #tpu.memory_space<vmem>>, vector<32x1024xi32>,
    %get3A_454 = arith.constant 544 : index
    %get3A_455 = arith.constant 0 : index
    %get3A_456 = vector.load %arg9[%get3A_454, %get3A_455] : memref<1600x1024xf32, #tpu.memory_space<vmem>>, vector<32x1024xf32>
    %mul3A_457 = vector.broadcast %get3A_12 : vector<1x1024xf32> to vector<32x1024xf32>
    %mul3A_458 = arith.mulf %select_n3A_443, %mul3A_457 : vector<32x1024xf32>
    %sub3A_459 = arith.constant 1.000000e+00 : f32
    %sub3A_460 = vector.broadcast %sub3A_459 : f32 to vector<1x1024xf32>
    %sub3A_461 = arith.subf %sub3A_460, %get3A_12 : vector<1x1024xf32>
    %mul3A_462 = vector.broadcast %sub3A_461 : vector<1x1024xf32> to vector<32x1024xf32>
    %mul3A_463 = arith.mulf %mul3A_462, %get3A_456 : vector<32x1024xf32>
    %add3A_464 = arith.addf %mul3A_458, %mul3A_463 : vector<32x1024xf32>
    %gt3A_465 = vector.broadcast %get3A_15 : vector<1x1024xf32> to vector<32x1024xf32>
    %gt3A_466 = arith.cmpf ogt, %add3A_464, %gt3A_465 : vector<32x1024xf32>
    %jit3A_467 = arith.constant 0.000000e+00 : f32
    %broadcast_in_dim3A_468 = vector.broadcast %jit3A_467 : f32 to vector<32x1024xf32>
    %select_n3A_469 = arith.select %gt3A_466, %broadcast_in_dim3A_468, %add3A_464 : vector<32x1024xi1>, vector<32x1024xf32>
    %swap3A_470 = arith.constant 17 : index
    %swap3A_471 = arith.constant 0 : index
    %swap3A_472 = arith.constant 0 : index
    %swap3A_473 = vector.load %arg6[%swap3A_470, %swap3A_471, %swap3A_472] : memref<50x32x1024xf32, #tpu.memory_space<vmem>>, vector<1x32x1024xf32>
    %swap3A_474 = vector.shape_cast %swap3A_473 : vector<1x32x1024xf32> to vector<32x1024xf32>
    %swap3A_475 = vector.shape_cast %select_n3A_469 : vector<32x1024xf32> to vector<1x32x1024xf32>
    tpu.vector_store %arg6[%swap3A_470, %swap3A_471, %swap3A_472], %swap3A_475 {strides = array<i32>} : memref<50x32x1024xf32, #tpu.memory_space<vmem>>, vector<1x32x1024xf32>,
    %convert_element_type3A_476 = arith.extui %gt3A_466 : vector<32x1024xi1> to vector<32x1024xi32>
    %swap3A_477 = arith.constant 544 : index
    %swap3A_478 = arith.constant 0 : index
    %swap3A_479 = vector.load %arg10[%swap3A_477, %swap3A_478] : memref<1600x1024xi32, #tpu.memory_space<vmem>>, vector<32x1024xi32>
    tpu.vector_store %arg10[%swap3A_477, %swap3A_478], %convert_element_type3A_476 {strides = array<i32>} : memref<1600x1024xi32, #tpu.memory_space<vmem>>, vector<32x1024xi32>,
    %get3A_480 = arith.constant 576 : index
    %get3A_481 = arith.constant 0 : index
    %get3A_482 = vector.load %arg9[%get3A_480, %get3A_481] : memref<1600x1024xf32, #tpu.memory_space<vmem>>, vector<32x1024xf32>
    %mul3A_483 = vector.broadcast %get3A_12 : vector<1x1024xf32> to vector<32x1024xf32>
    %mul3A_484 = arith.mulf %select_n3A_469, %mul3A_483 : vector<32x1024xf32>
    %sub3A_485 = arith.constant 1.000000e+00 : f32
    %sub3A_486 = vector.broadcast %sub3A_485 : f32 to vector<1x1024xf32>
    %sub3A_487 = arith.subf %sub3A_486, %get3A_12 : vector<1x1024xf32>
    %mul3A_488 = vector.broadcast %sub3A_487 : vector<1x1024xf32> to vector<32x1024xf32>
    %mul3A_489 = arith.mulf %mul3A_488, %get3A_482 : vector<32x1024xf32>
    %add3A_490 = arith.addf %mul3A_484, %mul3A_489 : vector<32x1024xf32>
    %gt3A_491 = vector.broadcast %get3A_15 : vector<1x1024xf32> to vector<32x1024xf32>
    %gt3A_492 = arith.cmpf ogt, %add3A_490, %gt3A_491 : vector<32x1024xf32>
    %jit3A_493 = arith.constant 0.000000e+00 : f32
    %broadcast_in_dim3A_494 = vector.broadcast %jit3A_493 : f32 to vector<32x1024xf32>
    %select_n3A_495 = arith.select %gt3A_492, %broadcast_in_dim3A_494, %add3A_490 : vector<32x1024xi1>, vector<32x1024xf32>
    %swap3A_496 = arith.constant 18 : index
    %swap3A_497 = arith.constant 0 : index
    %swap3A_498 = arith.constant 0 : index
    %swap3A_499 = vector.load %arg6[%swap3A_496, %swap3A_497, %swap3A_498] : memref<50x32x1024xf32, #tpu.memory_space<vmem>>, vector<1x32x1024xf32>
    %swap3A_500 = vector.shape_cast %swap3A_499 : vector<1x32x1024xf32> to vector<32x1024xf32>
    %swap3A_501 = vector.shape_cast %select_n3A_495 : vector<32x1024xf32> to vector<1x32x1024xf32>
    tpu.vector_store %arg6[%swap3A_496, %swap3A_497, %swap3A_498], %swap3A_501 {strides = array<i32>} : memref<50x32x1024xf32, #tpu.memory_space<vmem>>, vector<1x32x1024xf32>,
    %convert_element_type3A_502 = arith.extui %gt3A_492 : vector<32x1024xi1> to vector<32x1024xi32>
    %swap3A_503 = arith.constant 576 : index
    %swap3A_504 = arith.constant 0 : index
    %swap3A_505 = vector.load %arg10[%swap3A_503, %swap3A_504] : memref<1600x1024xi32, #tpu.memory_space<vmem>>, vector<32x1024xi32>
    tpu.vector_store %arg10[%swap3A_503, %swap3A_504], %convert_element_type3A_502 {strides = array<i32>} : memref<1600x1024xi32, #tpu.memory_space<vmem>>, vector<32x1024xi32>,
    %get3A_506 = arith.constant 608 : index
    %get3A_507 = arith.constant 0 : index
    %get3A_508 = vector.load %arg9[%get3A_506, %get3A_507] : memref<1600x1024xf32, #tpu.memory_space<vmem>>, vector<32x1024xf32>
    %mul3A_509 = vector.broadcast %get3A_12 : vector<1x1024xf32> to vector<32x1024xf32>
    %mul3A_510 = arith.mulf %select_n3A_495, %mul3A_509 : vector<32x1024xf32>
    %sub3A_511 = arith.constant 1.000000e+00 : f32
    %sub3A_512 = vector.broadcast %sub3A_511 : f32 to vector<1x1024xf32>
    %sub3A_513 = arith.subf %sub3A_512, %get3A_12 : vector<1x1024xf32>
    %mul3A_514 = vector.broadcast %sub3A_513 : vector<1x1024xf32> to vector<32x1024xf32>
    %mul3A_515 = arith.mulf %mul3A_514, %get3A_508 : vector<32x1024xf32>
    %add3A_516 = arith.addf %mul3A_510, %mul3A_515 : vector<32x1024xf32>
    %gt3A_517 = vector.broadcast %get3A_15 : vector<1x1024xf32> to vector<32x1024xf32>
    %gt3A_518 = arith.cmpf ogt, %add3A_516, %gt3A_517 : vector<32x1024xf32>
    %jit3A_519 = arith.constant 0.000000e+00 : f32
    %broadcast_in_dim3A_520 = vector.broadcast %jit3A_519 : f32 to vector<32x1024xf32>
    %select_n3A_521 = arith.select %gt3A_518, %broadcast_in_dim3A_520, %add3A_516 : vector<32x1024xi1>, vector<32x1024xf32>
    %swap3A_522 = arith.constant 19 : index
    %swap3A_523 = arith.constant 0 : index
    %swap3A_524 = arith.constant 0 : index
    %swap3A_525 = vector.load %arg6[%swap3A_522, %swap3A_523, %swap3A_524] : memref<50x32x1024xf32, #tpu.memory_space<vmem>>, vector<1x32x1024xf32>
    %swap3A_526 = vector.shape_cast %swap3A_525 : vector<1x32x1024xf32> to vector<32x1024xf32>
    %swap3A_527 = vector.shape_cast %select_n3A_521 : vector<32x1024xf32> to vector<1x32x1024xf32>
    tpu.vector_store %arg6[%swap3A_522, %swap3A_523, %swap3A_524], %swap3A_527 {strides = array<i32>} : memref<50x32x1024xf32, #tpu.memory_space<vmem>>, vector<1x32x1024xf32>,
    %convert_element_type3A_528 = arith.extui %gt3A_518 : vector<32x1024xi1> to vector<32x1024xi32>
    %swap3A_529 = arith.constant 608 : index
    %swap3A_530 = arith.constant 0 : index
    %swap3A_531 = vector.load %arg10[%swap3A_529, %swap3A_530] : memref<1600x1024xi32, #tpu.memory_space<vmem>>, vector<32x1024xi32>
    tpu.vector_store %arg10[%swap3A_529, %swap3A_530], %convert_element_type3A_528 {strides = array<i32>} : memref<1600x1024xi32, #tpu.memory_space<vmem>>, vector<32x1024xi32>,
    %get3A_532 = arith.constant 640 : index
    %get3A_533 = arith.constant 0 : index
    %get3A_534 = vector.load %arg9[%get3A_532, %get3A_533] : memref<1600x1024xf32, #tpu.memory_space<vmem>>, vector<32x1024xf32>
    %mul3A_535 = vector.broadcast %get3A_12 : vector<1x1024xf32> to vector<32x1024xf32>
    %mul3A_536 = arith.mulf %select_n3A_521, %mul3A_535 : vector<32x1024xf32>
    %sub3A_537 = arith.constant 1.000000e+00 : f32
    %sub3A_538 = vector.broadcast %sub3A_537 : f32 to vector<1x1024xf32>
    %sub3A_539 = arith.subf %sub3A_538, %get3A_12 : vector<1x1024xf32>
    %mul3A_540 = vector.broadcast %sub3A_539 : vector<1x1024xf32> to vector<32x1024xf32>
    %mul3A_541 = arith.mulf %mul3A_540, %get3A_534 : vector<32x1024xf32>
    %add3A_542 = arith.addf %mul3A_536, %mul3A_541 : vector<32x1024xf32>
    %gt3A_543 = vector.broadcast %get3A_15 : vector<1x1024xf32> to vector<32x1024xf32>
    %gt3A_544 = arith.cmpf ogt, %add3A_542, %gt3A_543 : vector<32x1024xf32>
    %jit3A_545 = arith.constant 0.000000e+00 : f32
    %broadcast_in_dim3A_546 = vector.broadcast %jit3A_545 : f32 to vector<32x1024xf32>
    %select_n3A_547 = arith.select %gt3A_544, %broadcast_in_dim3A_546, %add3A_542 : vector<32x1024xi1>, vector<32x1024xf32>
    %swap3A_548 = arith.constant 20 : index
    %swap3A_549 = arith.constant 0 : index
    %swap3A_550 = arith.constant 0 : index
    %swap3A_551 = vector.load %arg6[%swap3A_548, %swap3A_549, %swap3A_550] : memref<50x32x1024xf32, #tpu.memory_space<vmem>>, vector<1x32x1024xf32>
    %swap3A_552 = vector.shape_cast %swap3A_551 : vector<1x32x1024xf32> to vector<32x1024xf32>
    %swap3A_553 = vector.shape_cast %select_n3A_547 : vector<32x1024xf32> to vector<1x32x1024xf32>
    tpu.vector_store %arg6[%swap3A_548, %swap3A_549, %swap3A_550], %swap3A_553 {strides = array<i32>} : memref<50x32x1024xf32, #tpu.memory_space<vmem>>, vector<1x32x1024xf32>,
    %convert_element_type3A_554 = arith.extui %gt3A_544 : vector<32x1024xi1> to vector<32x1024xi32>
    %swap3A_555 = arith.constant 640 : index
    %swap3A_556 = arith.constant 0 : index
    %swap3A_557 = vector.load %arg10[%swap3A_555, %swap3A_556] : memref<1600x1024xi32, #tpu.memory_space<vmem>>, vector<32x1024xi32>
    tpu.vector_store %arg10[%swap3A_555, %swap3A_556], %convert_element_type3A_554 {strides = array<i32>} : memref<1600x1024xi32, #tpu.memory_space<vmem>>, vector<32x1024xi32>,
    %get3A_558 = arith.constant 672 : index
    %get3A_559 = arith.constant 0 : index
    %get3A_560 = vector.load %arg9[%get3A_558, %get3A_559] : memref<1600x1024xf32, #tpu.memory_space<vmem>>, vector<32x1024xf32>
    %mul3A_561 = vector.broadcast %get3A_12 : vector<1x1024xf32> to vector<32x1024xf32>
    %mul3A_562 = arith.mulf %select_n3A_547, %mul3A_561 : vector<32x1024xf32>
    %sub3A_563 = arith.constant 1.000000e+00 : f32
    %sub3A_564 = vector.broadcast %sub3A_563 : f32 to vector<1x1024xf32>
    %sub3A_565 = arith.subf %sub3A_564, %get3A_12 : vector<1x1024xf32>
    %mul3A_566 = vector.broadcast %sub3A_565 : vector<1x1024xf32> to vector<32x1024xf32>
    %mul3A_567 = arith.mulf %mul3A_566, %get3A_560 : vector<32x1024xf32>
    %add3A_568 = arith.addf %mul3A_562, %mul3A_567 : vector<32x1024xf32>
    %gt3A_569 = vector.broadcast %get3A_15 : vector<1x1024xf32> to vector<32x1024xf32>
    %gt3A_570 = arith.cmpf ogt, %add3A_568, %gt3A_569 : vector<32x1024xf32>
    %jit3A_571 = arith.constant 0.000000e+00 : f32
    %broadcast_in_dim3A_572 = vector.broadcast %jit3A_571 : f32 to vector<32x1024xf32>
    %select_n3A_573 = arith.select %gt3A_570, %broadcast_in_dim3A_572, %add3A_568 : vector<32x1024xi1>, vector<32x1024xf32>
    %swap3A_574 = arith.constant 21 : index
    %swap3A_575 = arith.constant 0 : index
    %swap3A_576 = arith.constant 0 : index
    %swap3A_577 = vector.load %arg6[%swap3A_574, %swap3A_575, %swap3A_576] : memref<50x32x1024xf32, #tpu.memory_space<vmem>>, vector<1x32x1024xf32>
    %swap3A_578 = vector.shape_cast %swap3A_577 : vector<1x32x1024xf32> to vector<32x1024xf32>
    %swap3A_579 = vector.shape_cast %select_n3A_573 : vector<32x1024xf32> to vector<1x32x1024xf32>
    tpu.vector_store %arg6[%swap3A_574, %swap3A_575, %swap3A_576], %swap3A_579 {strides = array<i32>} : memref<50x32x1024xf32, #tpu.memory_space<vmem>>, vector<1x32x1024xf32>,
    %convert_element_type3A_580 = arith.extui %gt3A_570 : vector<32x1024xi1> to vector<32x1024xi32>
    %swap3A_581 = arith.constant 672 : index
    %swap3A_582 = arith.constant 0 : index
    %swap3A_583 = vector.load %arg10[%swap3A_581, %swap3A_582] : memref<1600x1024xi32, #tpu.memory_space<vmem>>, vector<32x1024xi32>
    tpu.vector_store %arg10[%swap3A_581, %swap3A_582], %convert_element_type3A_580 {strides = array<i32>} : memref<1600x1024xi32, #tpu.memory_space<vmem>>, vector<32x1024xi32>,
    %get3A_584 = arith.constant 704 : index
    %get3A_585 = arith.constant 0 : index
    %get3A_586 = vector.load %arg9[%get3A_584, %get3A_585] : memref<1600x1024xf32, #tpu.memory_space<vmem>>, vector<32x1024xf32>
    %mul3A_587 = vector.broadcast %get3A_12 : vector<1x1024xf32> to vector<32x1024xf32>
    %mul3A_588 = arith.mulf %select_n3A_573, %mul3A_587 : vector<32x1024xf32>
    %sub3A_589 = arith.constant 1.000000e+00 : f32
    %sub3A_590 = vector.broadcast %sub3A_589 : f32 to vector<1x1024xf32>
    %sub3A_591 = arith.subf %sub3A_590, %get3A_12 : vector<1x1024xf32>
    %mul3A_592 = vector.broadcast %sub3A_591 : vector<1x1024xf32> to vector<32x1024xf32>
    %mul3A_593 = arith.mulf %mul3A_592, %get3A_586 : vector<32x1024xf32>
    %add3A_594 = arith.addf %mul3A_588, %mul3A_593 : vector<32x1024xf32>
    %gt3A_595 = vector.broadcast %get3A_15 : vector<1x1024xf32> to vector<32x1024xf32>
    %gt3A_596 = arith.cmpf ogt, %add3A_594, %gt3A_595 : vector<32x1024xf32>
    %jit3A_597 = arith.constant 0.000000e+00 : f32
    %broadcast_in_dim3A_598 = vector.broadcast %jit3A_597 : f32 to vector<32x1024xf32>
    %select_n3A_599 = arith.select %gt3A_596, %broadcast_in_dim3A_598, %add3A_594 : vector<32x1024xi1>, vector<32x1024xf32>
    %swap3A_600 = arith.constant 22 : index
    %swap3A_601 = arith.constant 0 : index
    %swap3A_602 = arith.constant 0 : index
    %swap3A_603 = vector.load %arg6[%swap3A_600, %swap3A_601, %swap3A_602] : memref<50x32x1024xf32, #tpu.memory_space<vmem>>, vector<1x32x1024xf32>
    %swap3A_604 = vector.shape_cast %swap3A_603 : vector<1x32x1024xf32> to vector<32x1024xf32>
    %swap3A_605 = vector.shape_cast %select_n3A_599 : vector<32x1024xf32> to vector<1x32x1024xf32>
    tpu.vector_store %arg6[%swap3A_600, %swap3A_601, %swap3A_602], %swap3A_605 {strides = array<i32>} : memref<50x32x1024xf32, #tpu.memory_space<vmem>>, vector<1x32x1024xf32>,
    %convert_element_type3A_606 = arith.extui %gt3A_596 : vector<32x1024xi1> to vector<32x1024xi32>
    %swap3A_607 = arith.constant 704 : index
    %swap3A_608 = arith.constant 0 : index
    %swap3A_609 = vector.load %arg10[%swap3A_607, %swap3A_608] : memref<1600x1024xi32, #tpu.memory_space<vmem>>, vector<32x1024xi32>
    tpu.vector_store %arg10[%swap3A_607, %swap3A_608], %convert_element_type3A_606 {strides = array<i32>} : memref<1600x1024xi32, #tpu.memory_space<vmem>>, vector<32x1024xi32>,
    %get3A_610 = arith.constant 736 : index
    %get3A_611 = arith.constant 0 : index
    %get3A_612 = vector.load %arg9[%get3A_610, %get3A_611] : memref<1600x1024xf32, #tpu.memory_space<vmem>>, vector<32x1024xf32>
    %mul3A_613 = vector.broadcast %get3A_12 : vector<1x1024xf32> to vector<32x1024xf32>
    %mul3A_614 = arith.mulf %select_n3A_599, %mul3A_613 : vector<32x1024xf32>
    %sub3A_615 = arith.constant 1.000000e+00 : f32
    %sub3A_616 = vector.broadcast %sub3A_615 : f32 to vector<1x1024xf32>
    %sub3A_617 = arith.subf %sub3A_616, %get3A_12 : vector<1x1024xf32>
    %mul3A_618 = vector.broadcast %sub3A_617 : vector<1x1024xf32> to vector<32x1024xf32>
    %mul3A_619 = arith.mulf %mul3A_618, %get3A_612 : vector<32x1024xf32>
    %add3A_620 = arith.addf %mul3A_614, %mul3A_619 : vector<32x1024xf32>
    %gt3A_621 = vector.broadcast %get3A_15 : vector<1x1024xf32> to vector<32x1024xf32>
    %gt3A_622 = arith.cmpf ogt, %add3A_620, %gt3A_621 : vector<32x1024xf32>
    %jit3A_623 = arith.constant 0.000000e+00 : f32
    %broadcast_in_dim3A_624 = vector.broadcast %jit3A_623 : f32 to vector<32x1024xf32>
    %select_n3A_625 = arith.select %gt3A_622, %broadcast_in_dim3A_624, %add3A_620 : vector<32x1024xi1>, vector<32x1024xf32>
    %swap3A_626 = arith.constant 23 : index
    %swap3A_627 = arith.constant 0 : index
    %swap3A_628 = arith.constant 0 : index
    %swap3A_629 = vector.load %arg6[%swap3A_626, %swap3A_627, %swap3A_628] : memref<50x32x1024xf32, #tpu.memory_space<vmem>>, vector<1x32x1024xf32>
    %swap3A_630 = vector.shape_cast %swap3A_629 : vector<1x32x1024xf32> to vector<32x1024xf32>
    %swap3A_631 = vector.shape_cast %select_n3A_625 : vector<32x1024xf32> to vector<1x32x1024xf32>
    tpu.vector_store %arg6[%swap3A_626, %swap3A_627, %swap3A_628], %swap3A_631 {strides = array<i32>} : memref<50x32x1024xf32, #tpu.memory_space<vmem>>, vector<1x32x1024xf32>,
    %convert_element_type3A_632 = arith.extui %gt3A_622 : vector<32x1024xi1> to vector<32x1024xi32>
    %swap3A_633 = arith.constant 736 : index
    %swap3A_634 = arith.constant 0 : index
    %swap3A_635 = vector.load %arg10[%swap3A_633, %swap3A_634] : memref<1600x1024xi32, #tpu.memory_space<vmem>>, vector<32x1024xi32>
    tpu.vector_store %arg10[%swap3A_633, %swap3A_634], %convert_element_type3A_632 {strides = array<i32>} : memref<1600x1024xi32, #tpu.memory_space<vmem>>, vector<32x1024xi32>,
    %get3A_636 = arith.constant 768 : index
    %get3A_637 = arith.constant 0 : index
    %get3A_638 = vector.load %arg9[%get3A_636, %get3A_637] : memref<1600x1024xf32, #tpu.memory_space<vmem>>, vector<32x1024xf32>
    %mul3A_639 = vector.broadcast %get3A_12 : vector<1x1024xf32> to vector<32x1024xf32>
    %mul3A_640 = arith.mulf %select_n3A_625, %mul3A_639 : vector<32x1024xf32>
    %sub3A_641 = arith.constant 1.000000e+00 : f32
    %sub3A_642 = vector.broadcast %sub3A_641 : f32 to vector<1x1024xf32>
    %sub3A_643 = arith.subf %sub3A_642, %get3A_12 : vector<1x1024xf32>
    %mul3A_644 = vector.broadcast %sub3A_643 : vector<1x1024xf32> to vector<32x1024xf32>
    %mul3A_645 = arith.mulf %mul3A_644, %get3A_638 : vector<32x1024xf32>
    %add3A_646 = arith.addf %mul3A_640, %mul3A_645 : vector<32x1024xf32>
    %gt3A_647 = vector.broadcast %get3A_15 : vector<1x1024xf32> to vector<32x1024xf32>
    %gt3A_648 = arith.cmpf ogt, %add3A_646, %gt3A_647 : vector<32x1024xf32>
    %jit3A_649 = arith.constant 0.000000e+00 : f32
    %broadcast_in_dim3A_650 = vector.broadcast %jit3A_649 : f32 to vector<32x1024xf32>
    %select_n3A_651 = arith.select %gt3A_648, %broadcast_in_dim3A_650, %add3A_646 : vector<32x1024xi1>, vector<32x1024xf32>
    %swap3A_652 = arith.constant 24 : index
    %swap3A_653 = arith.constant 0 : index
    %swap3A_654 = arith.constant 0 : index
    %swap3A_655 = vector.load %arg6[%swap3A_652, %swap3A_653, %swap3A_654] : memref<50x32x1024xf32, #tpu.memory_space<vmem>>, vector<1x32x1024xf32>
    %swap3A_656 = vector.shape_cast %swap3A_655 : vector<1x32x1024xf32> to vector<32x1024xf32>
    %swap3A_657 = vector.shape_cast %select_n3A_651 : vector<32x1024xf32> to vector<1x32x1024xf32>
    tpu.vector_store %arg6[%swap3A_652, %swap3A_653, %swap3A_654], %swap3A_657 {strides = array<i32>} : memref<50x32x1024xf32, #tpu.memory_space<vmem>>, vector<1x32x1024xf32>,
    %convert_element_type3A_658 = arith.extui %gt3A_648 : vector<32x1024xi1> to vector<32x1024xi32>
    %swap3A_659 = arith.constant 768 : index
    %swap3A_660 = arith.constant 0 : index
    %swap3A_661 = vector.load %arg10[%swap3A_659, %swap3A_660] : memref<1600x1024xi32, #tpu.memory_space<vmem>>, vector<32x1024xi32>
    tpu.vector_store %arg10[%swap3A_659, %swap3A_660], %convert_element_type3A_658 {strides = array<i32>} : memref<1600x1024xi32, #tpu.memory_space<vmem>>, vector<32x1024xi32>,
    %get3A_662 = arith.constant 800 : index
    %get3A_663 = arith.constant 0 : index
    %get3A_664 = vector.load %arg9[%get3A_662, %get3A_663] : memref<1600x1024xf32, #tpu.memory_space<vmem>>, vector<32x1024xf32>
    %mul3A_665 = vector.broadcast %get3A_12 : vector<1x1024xf32> to vector<32x1024xf32>
    %mul3A_666 = arith.mulf %select_n3A_651, %mul3A_665 : vector<32x1024xf32>
    %sub3A_667 = arith.constant 1.000000e+00 : f32
    %sub3A_668 = vector.broadcast %sub3A_667 : f32 to vector<1x1024xf32>
    %sub3A_669 = arith.subf %sub3A_668, %get3A_12 : vector<1x1024xf32>
    %mul3A_670 = vector.broadcast %sub3A_669 : vector<1x1024xf32> to vector<32x1024xf32>
    %mul3A_671 = arith.mulf %mul3A_670, %get3A_664 : vector<32x1024xf32>
    %add3A_672 = arith.addf %mul3A_666, %mul3A_671 : vector<32x1024xf32>
    %gt3A_673 = vector.broadcast %get3A_15 : vector<1x1024xf32> to vector<32x1024xf32>
    %gt3A_674 = arith.cmpf ogt, %add3A_672, %gt3A_673 : vector<32x1024xf32>
    %jit3A_675 = arith.constant 0.000000e+00 : f32
    %broadcast_in_dim3A_676 = vector.broadcast %jit3A_675 : f32 to vector<32x1024xf32>
    %select_n3A_677 = arith.select %gt3A_674, %broadcast_in_dim3A_676, %add3A_672 : vector<32x1024xi1>, vector<32x1024xf32>
    %swap3A_678 = arith.constant 25 : index
    %swap3A_679 = arith.constant 0 : index
    %swap3A_680 = arith.constant 0 : index
    %swap3A_681 = vector.load %arg6[%swap3A_678, %swap3A_679, %swap3A_680] : memref<50x32x1024xf32, #tpu.memory_space<vmem>>, vector<1x32x1024xf32>
    %swap3A_682 = vector.shape_cast %swap3A_681 : vector<1x32x1024xf32> to vector<32x1024xf32>
    %swap3A_683 = vector.shape_cast %select_n3A_677 : vector<32x1024xf32> to vector<1x32x1024xf32>
    tpu.vector_store %arg6[%swap3A_678, %swap3A_679, %swap3A_680], %swap3A_683 {strides = array<i32>} : memref<50x32x1024xf32, #tpu.memory_space<vmem>>, vector<1x32x1024xf32>,
    %convert_element_type3A_684 = arith.extui %gt3A_674 : vector<32x1024xi1> to vector<32x1024xi32>
    %swap3A_685 = arith.constant 800 : index
    %swap3A_686 = arith.constant 0 : index
    %swap3A_687 = vector.load %arg10[%swap3A_685, %swap3A_686] : memref<1600x1024xi32, #tpu.memory_space<vmem>>, vector<32x1024xi32>
    tpu.vector_store %arg10[%swap3A_685, %swap3A_686], %convert_element_type3A_684 {strides = array<i32>} : memref<1600x1024xi32, #tpu.memory_space<vmem>>, vector<32x1024xi32>,
    %get3A_688 = arith.constant 832 : index
    %get3A_689 = arith.constant 0 : index
    %get3A_690 = vector.load %arg9[%get3A_688, %get3A_689] : memref<1600x1024xf32, #tpu.memory_space<vmem>>, vector<32x1024xf32>
    %mul3A_691 = vector.broadcast %get3A_12 : vector<1x1024xf32> to vector<32x1024xf32>
    %mul3A_692 = arith.mulf %select_n3A_677, %mul3A_691 : vector<32x1024xf32>
    %sub3A_693 = arith.constant 1.000000e+00 : f32
    %sub3A_694 = vector.broadcast %sub3A_693 : f32 to vector<1x1024xf32>
    %sub3A_695 = arith.subf %sub3A_694, %get3A_12 : vector<1x1024xf32>
    %mul3A_696 = vector.broadcast %sub3A_695 : vector<1x1024xf32> to vector<32x1024xf32>
    %mul3A_697 = arith.mulf %mul3A_696, %get3A_690 : vector<32x1024xf32>
    %add3A_698 = arith.addf %mul3A_692, %mul3A_697 : vector<32x1024xf32>
    %gt3A_699 = vector.broadcast %get3A_15 : vector<1x1024xf32> to vector<32x1024xf32>
    %gt3A_700 = arith.cmpf ogt, %add3A_698, %gt3A_699 : vector<32x1024xf32>
    %jit3A_701 = arith.constant 0.000000e+00 : f32
    %broadcast_in_dim3A_702 = vector.broadcast %jit3A_701 : f32 to vector<32x1024xf32>
    %select_n3A_703 = arith.select %gt3A_700, %broadcast_in_dim3A_702, %add3A_698 : vector<32x1024xi1>, vector<32x1024xf32>
    %swap3A_704 = arith.constant 26 : index
    %swap3A_705 = arith.constant 0 : index
    %swap3A_706 = arith.constant 0 : index
    %swap3A_707 = vector.load %arg6[%swap3A_704, %swap3A_705, %swap3A_706] : memref<50x32x1024xf32, #tpu.memory_space<vmem>>, vector<1x32x1024xf32>
    %swap3A_708 = vector.shape_cast %swap3A_707 : vector<1x32x1024xf32> to vector<32x1024xf32>
    %swap3A_709 = vector.shape_cast %select_n3A_703 : vector<32x1024xf32> to vector<1x32x1024xf32>
    tpu.vector_store %arg6[%swap3A_704, %swap3A_705, %swap3A_706], %swap3A_709 {strides = array<i32>} : memref<50x32x1024xf32, #tpu.memory_space<vmem>>, vector<1x32x1024xf32>,
    %convert_element_type3A_710 = arith.extui %gt3A_700 : vector<32x1024xi1> to vector<32x1024xi32>
    %swap3A_711 = arith.constant 832 : index
    %swap3A_712 = arith.constant 0 : index
    %swap3A_713 = vector.load %arg10[%swap3A_711, %swap3A_712] : memref<1600x1024xi32, #tpu.memory_space<vmem>>, vector<32x1024xi32>
    tpu.vector_store %arg10[%swap3A_711, %swap3A_712], %convert_element_type3A_710 {strides = array<i32>} : memref<1600x1024xi32, #tpu.memory_space<vmem>>, vector<32x1024xi32>,
    %get3A_714 = arith.constant 864 : index
    %get3A_715 = arith.constant 0 : index
    %get3A_716 = vector.load %arg9[%get3A_714, %get3A_715] : memref<1600x1024xf32, #tpu.memory_space<vmem>>, vector<32x1024xf32>
    %mul3A_717 = vector.broadcast %get3A_12 : vector<1x1024xf32> to vector<32x1024xf32>
    %mul3A_718 = arith.mulf %select_n3A_703, %mul3A_717 : vector<32x1024xf32>
    %sub3A_719 = arith.constant 1.000000e+00 : f32
    %sub3A_720 = vector.broadcast %sub3A_719 : f32 to vector<1x1024xf32>
    %sub3A_721 = arith.subf %sub3A_720, %get3A_12 : vector<1x1024xf32>
    %mul3A_722 = vector.broadcast %sub3A_721 : vector<1x1024xf32> to vector<32x1024xf32>
    %mul3A_723 = arith.mulf %mul3A_722, %get3A_716 : vector<32x1024xf32>
    %add3A_724 = arith.addf %mul3A_718, %mul3A_723 : vector<32x1024xf32>
    %gt3A_725 = vector.broadcast %get3A_15 : vector<1x1024xf32> to vector<32x1024xf32>
    %gt3A_726 = arith.cmpf ogt, %add3A_724, %gt3A_725 : vector<32x1024xf32>
    %jit3A_727 = arith.constant 0.000000e+00 : f32
    %broadcast_in_dim3A_728 = vector.broadcast %jit3A_727 : f32 to vector<32x1024xf32>
    %select_n3A_729 = arith.select %gt3A_726, %broadcast_in_dim3A_728, %add3A_724 : vector<32x1024xi1>, vector<32x1024xf32>
    %swap3A_730 = arith.constant 27 : index
    %swap3A_731 = arith.constant 0 : index
    %swap3A_732 = arith.constant 0 : index
    %swap3A_733 = vector.load %arg6[%swap3A_730, %swap3A_731, %swap3A_732] : memref<50x32x1024xf32, #tpu.memory_space<vmem>>, vector<1x32x1024xf32>
    %swap3A_734 = vector.shape_cast %swap3A_733 : vector<1x32x1024xf32> to vector<32x1024xf32>
    %swap3A_735 = vector.shape_cast %select_n3A_729 : vector<32x1024xf32> to vector<1x32x1024xf32>
    tpu.vector_store %arg6[%swap3A_730, %swap3A_731, %swap3A_732], %swap3A_735 {strides = array<i32>} : memref<50x32x1024xf32, #tpu.memory_space<vmem>>, vector<1x32x1024xf32>,
    %convert_element_type3A_736 = arith.extui %gt3A_726 : vector<32x1024xi1> to vector<32x1024xi32>
    %swap3A_737 = arith.constant 864 : index
    %swap3A_738 = arith.constant 0 : index
    %swap3A_739 = vector.load %arg10[%swap3A_737, %swap3A_738] : memref<1600x1024xi32, #tpu.memory_space<vmem>>, vector<32x1024xi32>
    tpu.vector_store %arg10[%swap3A_737, %swap3A_738], %convert_element_type3A_736 {strides = array<i32>} : memref<1600x1024xi32, #tpu.memory_space<vmem>>, vector<32x1024xi32>,
    %get3A_740 = arith.constant 896 : index
    %get3A_741 = arith.constant 0 : index
    %get3A_742 = vector.load %arg9[%get3A_740, %get3A_741] : memref<1600x1024xf32, #tpu.memory_space<vmem>>, vector<32x1024xf32>
    %mul3A_743 = vector.broadcast %get3A_12 : vector<1x1024xf32> to vector<32x1024xf32>
    %mul3A_744 = arith.mulf %select_n3A_729, %mul3A_743 : vector<32x1024xf32>
    %sub3A_745 = arith.constant 1.000000e+00 : f32
    %sub3A_746 = vector.broadcast %sub3A_745 : f32 to vector<1x1024xf32>
    %sub3A_747 = arith.subf %sub3A_746, %get3A_12 : vector<1x1024xf32>
    %mul3A_748 = vector.broadcast %sub3A_747 : vector<1x1024xf32> to vector<32x1024xf32>
    %mul3A_749 = arith.mulf %mul3A_748, %get3A_742 : vector<32x1024xf32>
    %add3A_750 = arith.addf %mul3A_744, %mul3A_749 : vector<32x1024xf32>
    %gt3A_751 = vector.broadcast %get3A_15 : vector<1x1024xf32> to vector<32x1024xf32>
    %gt3A_752 = arith.cmpf ogt, %add3A_750, %gt3A_751 : vector<32x1024xf32>
    %jit3A_753 = arith.constant 0.000000e+00 : f32
    %broadcast_in_dim3A_754 = vector.broadcast %jit3A_753 : f32 to vector<32x1024xf32>
    %select_n3A_755 = arith.select %gt3A_752, %broadcast_in_dim3A_754, %add3A_750 : vector<32x1024xi1>, vector<32x1024xf32>
    %swap3A_756 = arith.constant 28 : index
    %swap3A_757 = arith.constant 0 : index
    %swap3A_758 = arith.constant 0 : index
    %swap3A_759 = vector.load %arg6[%swap3A_756, %swap3A_757, %swap3A_758] : memref<50x32x1024xf32, #tpu.memory_space<vmem>>, vector<1x32x1024xf32>
    %swap3A_760 = vector.shape_cast %swap3A_759 : vector<1x32x1024xf32> to vector<32x1024xf32>
    %swap3A_761 = vector.shape_cast %select_n3A_755 : vector<32x1024xf32> to vector<1x32x1024xf32>
    tpu.vector_store %arg6[%swap3A_756, %swap3A_757, %swap3A_758], %swap3A_761 {strides = array<i32>} : memref<50x32x1024xf32, #tpu.memory_space<vmem>>, vector<1x32x1024xf32>,
    %convert_element_type3A_762 = arith.extui %gt3A_752 : vector<32x1024xi1> to vector<32x1024xi32>
    %swap3A_763 = arith.constant 896 : index
    %swap3A_764 = arith.constant 0 : index
    %swap3A_765 = vector.load %arg10[%swap3A_763, %swap3A_764] : memref<1600x1024xi32, #tpu.memory_space<vmem>>, vector<32x1024xi32>
    tpu.vector_store %arg10[%swap3A_763, %swap3A_764], %convert_element_type3A_762 {strides = array<i32>} : memref<1600x1024xi32, #tpu.memory_space<vmem>>, vector<32x1024xi32>,
    %get3A_766 = arith.constant 928 : index
    %get3A_767 = arith.constant 0 : index
    %get3A_768 = vector.load %arg9[%get3A_766, %get3A_767] : memref<1600x1024xf32, #tpu.memory_space<vmem>>, vector<32x1024xf32>
    %mul3A_769 = vector.broadcast %get3A_12 : vector<1x1024xf32> to vector<32x1024xf32>
    %mul3A_770 = arith.mulf %select_n3A_755, %mul3A_769 : vector<32x1024xf32>
    %sub3A_771 = arith.constant 1.000000e+00 : f32
    %sub3A_772 = vector.broadcast %sub3A_771 : f32 to vector<1x1024xf32>
    %sub3A_773 = arith.subf %sub3A_772, %get3A_12 : vector<1x1024xf32>
    %mul3A_774 = vector.broadcast %sub3A_773 : vector<1x1024xf32> to vector<32x1024xf32>
    %mul3A_775 = arith.mulf %mul3A_774, %get3A_768 : vector<32x1024xf32>
    %add3A_776 = arith.addf %mul3A_770, %mul3A_775 : vector<32x1024xf32>
    %gt3A_777 = vector.broadcast %get3A_15 : vector<1x1024xf32> to vector<32x1024xf32>
    %gt3A_778 = arith.cmpf ogt, %add3A_776, %gt3A_777 : vector<32x1024xf32>
    %jit3A_779 = arith.constant 0.000000e+00 : f32
    %broadcast_in_dim3A_780 = vector.broadcast %jit3A_779 : f32 to vector<32x1024xf32>
    %select_n3A_781 = arith.select %gt3A_778, %broadcast_in_dim3A_780, %add3A_776 : vector<32x1024xi1>, vector<32x1024xf32>
    %swap3A_782 = arith.constant 29 : index
    %swap3A_783 = arith.constant 0 : index
    %swap3A_784 = arith.constant 0 : index
    %swap3A_785 = vector.load %arg6[%swap3A_782, %swap3A_783, %swap3A_784] : memref<50x32x1024xf32, #tpu.memory_space<vmem>>, vector<1x32x1024xf32>
    %swap3A_786 = vector.shape_cast %swap3A_785 : vector<1x32x1024xf32> to vector<32x1024xf32>
    %swap3A_787 = vector.shape_cast %select_n3A_781 : vector<32x1024xf32> to vector<1x32x1024xf32>
    tpu.vector_store %arg6[%swap3A_782, %swap3A_783, %swap3A_784], %swap3A_787 {strides = array<i32>} : memref<50x32x1024xf32, #tpu.memory_space<vmem>>, vector<1x32x1024xf32>,
    %convert_element_type3A_788 = arith.extui %gt3A_778 : vector<32x1024xi1> to vector<32x1024xi32>
    %swap3A_789 = arith.constant 928 : index
    %swap3A_790 = arith.constant 0 : index
    %swap3A_791 = vector.load %arg10[%swap3A_789, %swap3A_790] : memref<1600x1024xi32, #tpu.memory_space<vmem>>, vector<32x1024xi32>
    tpu.vector_store %arg10[%swap3A_789, %swap3A_790], %convert_element_type3A_788 {strides = array<i32>} : memref<1600x1024xi32, #tpu.memory_space<vmem>>, vector<32x1024xi32>,
    %get3A_792 = arith.constant 960 : index
    %get3A_793 = arith.constant 0 : index
    %get3A_794 = vector.load %arg9[%get3A_792, %get3A_793] : memref<1600x1024xf32, #tpu.memory_space<vmem>>, vector<32x1024xf32>
    %mul3A_795 = vector.broadcast %get3A_12 : vector<1x1024xf32> to vector<32x1024xf32>
    %mul3A_796 = arith.mulf %select_n3A_781, %mul3A_795 : vector<32x1024xf32>
    %sub3A_797 = arith.constant 1.000000e+00 : f32
    %sub3A_798 = vector.broadcast %sub3A_797 : f32 to vector<1x1024xf32>
    %sub3A_799 = arith.subf %sub3A_798, %get3A_12 : vector<1x1024xf32>
    %mul3A_800 = vector.broadcast %sub3A_799 : vector<1x1024xf32> to vector<32x1024xf32>
    %mul3A_801 = arith.mulf %mul3A_800, %get3A_794 : vector<32x1024xf32>
    %add3A_802 = arith.addf %mul3A_796, %mul3A_801 : vector<32x1024xf32>
    %gt3A_803 = vector.broadcast %get3A_15 : vector<1x1024xf32> to vector<32x1024xf32>
    %gt3A_804 = arith.cmpf ogt, %add3A_802, %gt3A_803 : vector<32x1024xf32>
    %jit3A_805 = arith.constant 0.000000e+00 : f32
    %broadcast_in_dim3A_806 = vector.broadcast %jit3A_805 : f32 to vector<32x1024xf32>
    %select_n3A_807 = arith.select %gt3A_804, %broadcast_in_dim3A_806, %add3A_802 : vector<32x1024xi1>, vector<32x1024xf32>
    %swap3A_808 = arith.constant 30 : index
    %swap3A_809 = arith.constant 0 : index
    %swap3A_810 = arith.constant 0 : index
    %swap3A_811 = vector.load %arg6[%swap3A_808, %swap3A_809, %swap3A_810] : memref<50x32x1024xf32, #tpu.memory_space<vmem>>, vector<1x32x1024xf32>
    %swap3A_812 = vector.shape_cast %swap3A_811 : vector<1x32x1024xf32> to vector<32x1024xf32>
    %swap3A_813 = vector.shape_cast %select_n3A_807 : vector<32x1024xf32> to vector<1x32x1024xf32>
    tpu.vector_store %arg6[%swap3A_808, %swap3A_809, %swap3A_810], %swap3A_813 {strides = array<i32>} : memref<50x32x1024xf32, #tpu.memory_space<vmem>>, vector<1x32x1024xf32>,
    %convert_element_type3A_814 = arith.extui %gt3A_804 : vector<32x1024xi1> to vector<32x1024xi32>
    %swap3A_815 = arith.constant 960 : index
    %swap3A_816 = arith.constant 0 : index
    %swap3A_817 = vector.load %arg10[%swap3A_815, %swap3A_816] : memref<1600x1024xi32, #tpu.memory_space<vmem>>, vector<32x1024xi32>
    tpu.vector_store %arg10[%swap3A_815, %swap3A_816], %convert_element_type3A_814 {strides = array<i32>} : memref<1600x1024xi32, #tpu.memory_space<vmem>>, vector<32x1024xi32>,
    %get3A_818 = arith.constant 992 : index
    %get3A_819 = arith.constant 0 : index
    %get3A_820 = vector.load %arg9[%get3A_818, %get3A_819] : memref<1600x1024xf32, #tpu.memory_space<vmem>>, vector<32x1024xf32>
    %mul3A_821 = vector.broadcast %get3A_12 : vector<1x1024xf32> to vector<32x1024xf32>
    %mul3A_822 = arith.mulf %select_n3A_807, %mul3A_821 : vector<32x1024xf32>
    %sub3A_823 = arith.constant 1.000000e+00 : f32
    %sub3A_824 = vector.broadcast %sub3A_823 : f32 to vector<1x1024xf32>
    %sub3A_825 = arith.subf %sub3A_824, %get3A_12 : vector<1x1024xf32>
    %mul3A_826 = vector.broadcast %sub3A_825 : vector<1x1024xf32> to vector<32x1024xf32>
    %mul3A_827 = arith.mulf %mul3A_826, %get3A_820 : vector<32x1024xf32>
    %add3A_828 = arith.addf %mul3A_822, %mul3A_827 : vector<32x1024xf32>
    %gt3A_829 = vector.broadcast %get3A_15 : vector<1x1024xf32> to vector<32x1024xf32>
    %gt3A_830 = arith.cmpf ogt, %add3A_828, %gt3A_829 : vector<32x1024xf32>
    %jit3A_831 = arith.constant 0.000000e+00 : f32
    %broadcast_in_dim3A_832 = vector.broadcast %jit3A_831 : f32 to vector<32x1024xf32>
    %select_n3A_833 = arith.select %gt3A_830, %broadcast_in_dim3A_832, %add3A_828 : vector<32x1024xi1>, vector<32x1024xf32>
    %swap3A_834 = arith.constant 31 : index
    %swap3A_835 = arith.constant 0 : index
    %swap3A_836 = arith.constant 0 : index
    %swap3A_837 = vector.load %arg6[%swap3A_834, %swap3A_835, %swap3A_836] : memref<50x32x1024xf32, #tpu.memory_space<vmem>>, vector<1x32x1024xf32>
    %swap3A_838 = vector.shape_cast %swap3A_837 : vector<1x32x1024xf32> to vector<32x1024xf32>
    %swap3A_839 = vector.shape_cast %select_n3A_833 : vector<32x1024xf32> to vector<1x32x1024xf32>
    tpu.vector_store %arg6[%swap3A_834, %swap3A_835, %swap3A_836], %swap3A_839 {strides = array<i32>} : memref<50x32x1024xf32, #tpu.memory_space<vmem>>, vector<1x32x1024xf32>,
    %convert_element_type3A_840 = arith.extui %gt3A_830 : vector<32x1024xi1> to vector<32x1024xi32>
    %swap3A_841 = arith.constant 992 : index
    %swap3A_842 = arith.constant 0 : index
    %swap3A_843 = vector.load %arg10[%swap3A_841, %swap3A_842] : memref<1600x1024xi32, #tpu.memory_space<vmem>>, vector<32x1024xi32>
    tpu.vector_store %arg10[%swap3A_841, %swap3A_842], %convert_element_type3A_840 {strides = array<i32>} : memref<1600x1024xi32, #tpu.memory_space<vmem>>, vector<32x1024xi32>,
    %get3A_844 = arith.constant 1024 : index
    %get3A_845 = arith.constant 0 : index
    %get3A_846 = vector.load %arg9[%get3A_844, %get3A_845] : memref<1600x1024xf32, #tpu.memory_space<vmem>>, vector<32x1024xf32>
    %mul3A_847 = vector.broadcast %get3A_12 : vector<1x1024xf32> to vector<32x1024xf32>
    %mul3A_848 = arith.mulf %select_n3A_833, %mul3A_847 : vector<32x1024xf32>
    %sub3A_849 = arith.constant 1.000000e+00 : f32
    %sub3A_850 = vector.broadcast %sub3A_849 : f32 to vector<1x1024xf32>
    %sub3A_851 = arith.subf %sub3A_850, %get3A_12 : vector<1x1024xf32>
    %mul3A_852 = vector.broadcast %sub3A_851 : vector<1x1024xf32> to vector<32x1024xf32>
    %mul3A_853 = arith.mulf %mul3A_852, %get3A_846 : vector<32x1024xf32>
    %add3A_854 = arith.addf %mul3A_848, %mul3A_853 : vector<32x1024xf32>
    %gt3A_855 = vector.broadcast %get3A_15 : vector<1x1024xf32> to vector<32x1024xf32>
    %gt3A_856 = arith.cmpf ogt, %add3A_854, %gt3A_855 : vector<32x1024xf32>
    %jit3A_857 = arith.constant 0.000000e+00 : f32
    %broadcast_in_dim3A_858 = vector.broadcast %jit3A_857 : f32 to vector<32x1024xf32>
    %select_n3A_859 = arith.select %gt3A_856, %broadcast_in_dim3A_858, %add3A_854 : vector<32x1024xi1>, vector<32x1024xf32>
    %swap3A_860 = arith.constant 32 : index
    %swap3A_861 = arith.constant 0 : index
    %swap3A_862 = arith.constant 0 : index
    %swap3A_863 = vector.load %arg6[%swap3A_860, %swap3A_861, %swap3A_862] : memref<50x32x1024xf32, #tpu.memory_space<vmem>>, vector<1x32x1024xf32>
    %swap3A_864 = vector.shape_cast %swap3A_863 : vector<1x32x1024xf32> to vector<32x1024xf32>
    %swap3A_865 = vector.shape_cast %select_n3A_859 : vector<32x1024xf32> to vector<1x32x1024xf32>
    tpu.vector_store %arg6[%swap3A_860, %swap3A_861, %swap3A_862], %swap3A_865 {strides = array<i32>} : memref<50x32x1024xf32, #tpu.memory_space<vmem>>, vector<1x32x1024xf32>,
    %convert_element_type3A_866 = arith.extui %gt3A_856 : vector<32x1024xi1> to vector<32x1024xi32>
    %swap3A_867 = arith.constant 1024 : index
    %swap3A_868 = arith.constant 0 : index
    %swap3A_869 = vector.load %arg10[%swap3A_867, %swap3A_868] : memref<1600x1024xi32, #tpu.memory_space<vmem>>, vector<32x1024xi32>
    tpu.vector_store %arg10[%swap3A_867, %swap3A_868], %convert_element_type3A_866 {strides = array<i32>} : memref<1600x1024xi32, #tpu.memory_space<vmem>>, vector<32x1024xi32>,
    %get3A_870 = arith.constant 1056 : index
    %get3A_871 = arith.constant 0 : index
    %get3A_872 = vector.load %arg9[%get3A_870, %get3A_871] : memref<1600x1024xf32, #tpu.memory_space<vmem>>, vector<32x1024xf32>
    %mul3A_873 = vector.broadcast %get3A_12 : vector<1x1024xf32> to vector<32x1024xf32>
    %mul3A_874 = arith.mulf %select_n3A_859, %mul3A_873 : vector<32x1024xf32>
    %sub3A_875 = arith.constant 1.000000e+00 : f32
    %sub3A_876 = vector.broadcast %sub3A_875 : f32 to vector<1x1024xf32>
    %sub3A_877 = arith.subf %sub3A_876, %get3A_12 : vector<1x1024xf32>
    %mul3A_878 = vector.broadcast %sub3A_877 : vector<1x1024xf32> to vector<32x1024xf32>
    %mul3A_879 = arith.mulf %mul3A_878, %get3A_872 : vector<32x1024xf32>
    %add3A_880 = arith.addf %mul3A_874, %mul3A_879 : vector<32x1024xf32>
    %gt3A_881 = vector.broadcast %get3A_15 : vector<1x1024xf32> to vector<32x1024xf32>
    %gt3A_882 = arith.cmpf ogt, %add3A_880, %gt3A_881 : vector<32x1024xf32>
    %jit3A_883 = arith.constant 0.000000e+00 : f32
    %broadcast_in_dim3A_884 = vector.broadcast %jit3A_883 : f32 to vector<32x1024xf32>
    %select_n3A_885 = arith.select %gt3A_882, %broadcast_in_dim3A_884, %add3A_880 : vector<32x1024xi1>, vector<32x1024xf32>
    %swap3A_886 = arith.constant 33 : index
    %swap3A_887 = arith.constant 0 : index
    %swap3A_888 = arith.constant 0 : index
    %swap3A_889 = vector.load %arg6[%swap3A_886, %swap3A_887, %swap3A_888] : memref<50x32x1024xf32, #tpu.memory_space<vmem>>, vector<1x32x1024xf32>
    %swap3A_890 = vector.shape_cast %swap3A_889 : vector<1x32x1024xf32> to vector<32x1024xf32>
    %swap3A_891 = vector.shape_cast %select_n3A_885 : vector<32x1024xf32> to vector<1x32x1024xf32>
    tpu.vector_store %arg6[%swap3A_886, %swap3A_887, %swap3A_888], %swap3A_891 {strides = array<i32>} : memref<50x32x1024xf32, #tpu.memory_space<vmem>>, vector<1x32x1024xf32>,
    %convert_element_type3A_892 = arith.extui %gt3A_882 : vector<32x1024xi1> to vector<32x1024xi32>
    %swap3A_893 = arith.constant 1056 : index
    %swap3A_894 = arith.constant 0 : index
    %swap3A_895 = vector.load %arg10[%swap3A_893, %swap3A_894] : memref<1600x1024xi32, #tpu.memory_space<vmem>>, vector<32x1024xi32>
    tpu.vector_store %arg10[%swap3A_893, %swap3A_894], %convert_element_type3A_892 {strides = array<i32>} : memref<1600x1024xi32, #tpu.memory_space<vmem>>, vector<32x1024xi32>,
    %get3A_896 = arith.constant 1088 : index
    %get3A_897 = arith.constant 0 : index
    %get3A_898 = vector.load %arg9[%get3A_896, %get3A_897] : memref<1600x1024xf32, #tpu.memory_space<vmem>>, vector<32x1024xf32>
    %mul3A_899 = vector.broadcast %get3A_12 : vector<1x1024xf32> to vector<32x1024xf32>
    %mul3A_900 = arith.mulf %select_n3A_885, %mul3A_899 : vector<32x1024xf32>
    %sub3A_901 = arith.constant 1.000000e+00 : f32
    %sub3A_902 = vector.broadcast %sub3A_901 : f32 to vector<1x1024xf32>
    %sub3A_903 = arith.subf %sub3A_902, %get3A_12 : vector<1x1024xf32>
    %mul3A_904 = vector.broadcast %sub3A_903 : vector<1x1024xf32> to vector<32x1024xf32>
    %mul3A_905 = arith.mulf %mul3A_904, %get3A_898 : vector<32x1024xf32>
    %add3A_906 = arith.addf %mul3A_900, %mul3A_905 : vector<32x1024xf32>
    %gt3A_907 = vector.broadcast %get3A_15 : vector<1x1024xf32> to vector<32x1024xf32>
    %gt3A_908 = arith.cmpf ogt, %add3A_906, %gt3A_907 : vector<32x1024xf32>
    %jit3A_909 = arith.constant 0.000000e+00 : f32
    %broadcast_in_dim3A_910 = vector.broadcast %jit3A_909 : f32 to vector<32x1024xf32>
    %select_n3A_911 = arith.select %gt3A_908, %broadcast_in_dim3A_910, %add3A_906 : vector<32x1024xi1>, vector<32x1024xf32>
    %swap3A_912 = arith.constant 34 : index
    %swap3A_913 = arith.constant 0 : index
    %swap3A_914 = arith.constant 0 : index
    %swap3A_915 = vector.load %arg6[%swap3A_912, %swap3A_913, %swap3A_914] : memref<50x32x1024xf32, #tpu.memory_space<vmem>>, vector<1x32x1024xf32>
    %swap3A_916 = vector.shape_cast %swap3A_915 : vector<1x32x1024xf32> to vector<32x1024xf32>
    %swap3A_917 = vector.shape_cast %select_n3A_911 : vector<32x1024xf32> to vector<1x32x1024xf32>
    tpu.vector_store %arg6[%swap3A_912, %swap3A_913, %swap3A_914], %swap3A_917 {strides = array<i32>} : memref<50x32x1024xf32, #tpu.memory_space<vmem>>, vector<1x32x1024xf32>,
    %convert_element_type3A_918 = arith.extui %gt3A_908 : vector<32x1024xi1> to vector<32x1024xi32>
    %swap3A_919 = arith.constant 1088 : index
    %swap3A_920 = arith.constant 0 : index
    %swap3A_921 = vector.load %arg10[%swap3A_919, %swap3A_920] : memref<1600x1024xi32, #tpu.memory_space<vmem>>, vector<32x1024xi32>
    tpu.vector_store %arg10[%swap3A_919, %swap3A_920], %convert_element_type3A_918 {strides = array<i32>} : memref<1600x1024xi32, #tpu.memory_space<vmem>>, vector<32x1024xi32>,
    %get3A_922 = arith.constant 1120 : index
    %get3A_923 = arith.constant 0 : index
    %get3A_924 = vector.load %arg9[%get3A_922, %get3A_923] : memref<1600x1024xf32, #tpu.memory_space<vmem>>, vector<32x1024xf32>
    %mul3A_925 = vector.broadcast %get3A_12 : vector<1x1024xf32> to vector<32x1024xf32>
    %mul3A_926 = arith.mulf %select_n3A_911, %mul3A_925 : vector<32x1024xf32>
    %sub3A_927 = arith.constant 1.000000e+00 : f32
    %sub3A_928 = vector.broadcast %sub3A_927 : f32 to vector<1x1024xf32>
    %sub3A_929 = arith.subf %sub3A_928, %get3A_12 : vector<1x1024xf32>
    %mul3A_930 = vector.broadcast %sub3A_929 : vector<1x1024xf32> to vector<32x1024xf32>
    %mul3A_931 = arith.mulf %mul3A_930, %get3A_924 : vector<32x1024xf32>
    %add3A_932 = arith.addf %mul3A_926, %mul3A_931 : vector<32x1024xf32>
    %gt3A_933 = vector.broadcast %get3A_15 : vector<1x1024xf32> to vector<32x1024xf32>
    %gt3A_934 = arith.cmpf ogt, %add3A_932, %gt3A_933 : vector<32x1024xf32>
    %jit3A_935 = arith.constant 0.000000e+00 : f32
    %broadcast_in_dim3A_936 = vector.broadcast %jit3A_935 : f32 to vector<32x1024xf32>
    %select_n3A_937 = arith.select %gt3A_934, %broadcast_in_dim3A_936, %add3A_932 : vector<32x1024xi1>, vector<32x1024xf32>
    %swap3A_938 = arith.constant 35 : index
    %swap3A_939 = arith.constant 0 : index
    %swap3A_940 = arith.constant 0 : index
    %swap3A_941 = vector.load %arg6[%swap3A_938, %swap3A_939, %swap3A_940] : memref<50x32x1024xf32, #tpu.memory_space<vmem>>, vector<1x32x1024xf32>
    %swap3A_942 = vector.shape_cast %swap3A_941 : vector<1x32x1024xf32> to vector<32x1024xf32>
    %swap3A_943 = vector.shape_cast %select_n3A_937 : vector<32x1024xf32> to vector<1x32x1024xf32>
    tpu.vector_store %arg6[%swap3A_938, %swap3A_939, %swap3A_940], %swap3A_943 {strides = array<i32>} : memref<50x32x1024xf32, #tpu.memory_space<vmem>>, vector<1x32x1024xf32>,
    %convert_element_type3A_944 = arith.extui %gt3A_934 : vector<32x1024xi1> to vector<32x1024xi32>
    %swap3A_945 = arith.constant 1120 : index
    %swap3A_946 = arith.constant 0 : index
    %swap3A_947 = vector.load %arg10[%swap3A_945, %swap3A_946] : memref<1600x1024xi32, #tpu.memory_space<vmem>>, vector<32x1024xi32>
    tpu.vector_store %arg10[%swap3A_945, %swap3A_946], %convert_element_type3A_944 {strides = array<i32>} : memref<1600x1024xi32, #tpu.memory_space<vmem>>, vector<32x1024xi32>,
    %get3A_948 = arith.constant 1152 : index
    %get3A_949 = arith.constant 0 : index
    %get3A_950 = vector.load %arg9[%get3A_948, %get3A_949] : memref<1600x1024xf32, #tpu.memory_space<vmem>>, vector<32x1024xf32>
    %mul3A_951 = vector.broadcast %get3A_12 : vector<1x1024xf32> to vector<32x1024xf32>
    %mul3A_952 = arith.mulf %select_n3A_937, %mul3A_951 : vector<32x1024xf32>
    %sub3A_953 = arith.constant 1.000000e+00 : f32
    %sub3A_954 = vector.broadcast %sub3A_953 : f32 to vector<1x1024xf32>
    %sub3A_955 = arith.subf %sub3A_954, %get3A_12 : vector<1x1024xf32>
    %mul3A_956 = vector.broadcast %sub3A_955 : vector<1x1024xf32> to vector<32x1024xf32>
    %mul3A_957 = arith.mulf %mul3A_956, %get3A_950 : vector<32x1024xf32>
    %add3A_958 = arith.addf %mul3A_952, %mul3A_957 : vector<32x1024xf32>
    %gt3A_959 = vector.broadcast %get3A_15 : vector<1x1024xf32> to vector<32x1024xf32>
    %gt3A_960 = arith.cmpf ogt, %add3A_958, %gt3A_959 : vector<32x1024xf32>
    %jit3A_961 = arith.constant 0.000000e+00 : f32
    %broadcast_in_dim3A_962 = vector.broadcast %jit3A_961 : f32 to vector<32x1024xf32>
    %select_n3A_963 = arith.select %gt3A_960, %broadcast_in_dim3A_962, %add3A_958 : vector<32x1024xi1>, vector<32x1024xf32>
    %swap3A_964 = arith.constant 36 : index
    %swap3A_965 = arith.constant 0 : index
    %swap3A_966 = arith.constant 0 : index
    %swap3A_967 = vector.load %arg6[%swap3A_964, %swap3A_965, %swap3A_966] : memref<50x32x1024xf32, #tpu.memory_space<vmem>>, vector<1x32x1024xf32>
    %swap3A_968 = vector.shape_cast %swap3A_967 : vector<1x32x1024xf32> to vector<32x1024xf32>
    %swap3A_969 = vector.shape_cast %select_n3A_963 : vector<32x1024xf32> to vector<1x32x1024xf32>
    tpu.vector_store %arg6[%swap3A_964, %swap3A_965, %swap3A_966], %swap3A_969 {strides = array<i32>} : memref<50x32x1024xf32, #tpu.memory_space<vmem>>, vector<1x32x1024xf32>,
    %convert_element_type3A_970 = arith.extui %gt3A_960 : vector<32x1024xi1> to vector<32x1024xi32>
    %swap3A_971 = arith.constant 1152 : index
    %swap3A_972 = arith.constant 0 : index
    %swap3A_973 = vector.load %arg10[%swap3A_971, %swap3A_972] : memref<1600x1024xi32, #tpu.memory_space<vmem>>, vector<32x1024xi32>
    tpu.vector_store %arg10[%swap3A_971, %swap3A_972], %convert_element_type3A_970 {strides = array<i32>} : memref<1600x1024xi32, #tpu.memory_space<vmem>>, vector<32x1024xi32>,
    %get3A_974 = arith.constant 1184 : index
    %get3A_975 = arith.constant 0 : index
    %get3A_976 = vector.load %arg9[%get3A_974, %get3A_975] : memref<1600x1024xf32, #tpu.memory_space<vmem>>, vector<32x1024xf32>
    %mul3A_977 = vector.broadcast %get3A_12 : vector<1x1024xf32> to vector<32x1024xf32>
    %mul3A_978 = arith.mulf %select_n3A_963, %mul3A_977 : vector<32x1024xf32>
    %sub3A_979 = arith.constant 1.000000e+00 : f32
    %sub3A_980 = vector.broadcast %sub3A_979 : f32 to vector<1x1024xf32>
    %sub3A_981 = arith.subf %sub3A_980, %get3A_12 : vector<1x1024xf32>
    %mul3A_982 = vector.broadcast %sub3A_981 : vector<1x1024xf32> to vector<32x1024xf32>
    %mul3A_983 = arith.mulf %mul3A_982, %get3A_976 : vector<32x1024xf32>
    %add3A_984 = arith.addf %mul3A_978, %mul3A_983 : vector<32x1024xf32>
    %gt3A_985 = vector.broadcast %get3A_15 : vector<1x1024xf32> to vector<32x1024xf32>
    %gt3A_986 = arith.cmpf ogt, %add3A_984, %gt3A_985 : vector<32x1024xf32>
    %jit3A_987 = arith.constant 0.000000e+00 : f32
    %broadcast_in_dim3A_988 = vector.broadcast %jit3A_987 : f32 to vector<32x1024xf32>
    %select_n3A_989 = arith.select %gt3A_986, %broadcast_in_dim3A_988, %add3A_984 : vector<32x1024xi1>, vector<32x1024xf32>
    %swap3A_990 = arith.constant 37 : index
    %swap3A_991 = arith.constant 0 : index
    %swap3A_992 = arith.constant 0 : index
    %swap3A_993 = vector.load %arg6[%swap3A_990, %swap3A_991, %swap3A_992] : memref<50x32x1024xf32, #tpu.memory_space<vmem>>, vector<1x32x1024xf32>
    %swap3A_994 = vector.shape_cast %swap3A_993 : vector<1x32x1024xf32> to vector<32x1024xf32>
    %swap3A_995 = vector.shape_cast %select_n3A_989 : vector<32x1024xf32> to vector<1x32x1024xf32>
    tpu.vector_store %arg6[%swap3A_990, %swap3A_991, %swap3A_992], %swap3A_995 {strides = array<i32>} : memref<50x32x1024xf32, #tpu.memory_space<vmem>>, vector<1x32x1024xf32>,
    %convert_element_type3A_996 = arith.extui %gt3A_986 : vector<32x1024xi1> to vector<32x1024xi32>
    %swap3A_997 = arith.constant 1184 : index
    %swap3A_998 = arith.constant 0 : index
    %swap3A_999 = vector.load %arg10[%swap3A_997, %swap3A_998] : memref<1600x1024xi32, #tpu.memory_space<vmem>>, vector<32x1024xi32>
    tpu.vector_store %arg10[%swap3A_997, %swap3A_998], %convert_element_type3A_996 {strides = array<i32>} : memref<1600x1024xi32, #tpu.memory_space<vmem>>, vector<32x1024xi32>,
    %get3A_1000 = arith.constant 1216 : index
    %get3A_1001 = arith.constant 0 : index
    %get3A_1002 = vector.load %arg9[%get3A_1000, %get3A_1001] : memref<1600x1024xf32, #tpu.memory_space<vmem>>, vector<32x1024xf32>
    %mul3A_1003 = vector.broadcast %get3A_12 : vector<1x1024xf32> to vector<32x1024xf32>
    %mul3A_1004 = arith.mulf %select_n3A_989, %mul3A_1003 : vector<32x1024xf32>
    %sub3A_1005 = arith.constant 1.000000e+00 : f32
    %sub3A_1006 = vector.broadcast %sub3A_1005 : f32 to vector<1x1024xf32>
    %sub3A_1007 = arith.subf %sub3A_1006, %get3A_12 : vector<1x1024xf32>
    %mul3A_1008 = vector.broadcast %sub3A_1007 : vector<1x1024xf32> to vector<32x1024xf32>
    %mul3A_1009 = arith.mulf %mul3A_1008, %get3A_1002 : vector<32x1024xf32>
    %add3A_1010 = arith.addf %mul3A_1004, %mul3A_1009 : vector<32x1024xf32>
    %gt3A_1011 = vector.broadcast %get3A_15 : vector<1x1024xf32> to vector<32x1024xf32>
    %gt3A_1012 = arith.cmpf ogt, %add3A_1010, %gt3A_1011 : vector<32x1024xf32>
    %jit3A_1013 = arith.constant 0.000000e+00 : f32
    %broadcast_in_dim3A_1014 = vector.broadcast %jit3A_1013 : f32 to vector<32x1024xf32>
    %select_n3A_1015 = arith.select %gt3A_1012, %broadcast_in_dim3A_1014, %add3A_1010 : vector<32x1024xi1>, vector<32x1024xf32>
    %swap3A_1016 = arith.constant 38 : index
    %swap3A_1017 = arith.constant 0 : index
    %swap3A_1018 = arith.constant 0 : index
    %swap3A_1019 = vector.load %arg6[%swap3A_1016, %swap3A_1017, %swap3A_1018] : memref<50x32x1024xf32, #tpu.memory_space<vmem>>, vector<1x32x1024xf32>
    %swap3A_1020 = vector.shape_cast %swap3A_1019 : vector<1x32x1024xf32> to vector<32x1024xf32>
    %swap3A_1021 = vector.shape_cast %select_n3A_1015 : vector<32x1024xf32> to vector<1x32x1024xf32>
    tpu.vector_store %arg6[%swap3A_1016, %swap3A_1017, %swap3A_1018], %swap3A_1021 {strides = array<i32>} : memref<50x32x1024xf32, #tpu.memory_space<vmem>>, vector<1x32x1024xf32>,
    %convert_element_type3A_1022 = arith.extui %gt3A_1012 : vector<32x1024xi1> to vector<32x1024xi32>
    %swap3A_1023 = arith.constant 1216 : index
    %swap3A_1024 = arith.constant 0 : index
    %swap3A_1025 = vector.load %arg10[%swap3A_1023, %swap3A_1024] : memref<1600x1024xi32, #tpu.memory_space<vmem>>, vector<32x1024xi32>
    tpu.vector_store %arg10[%swap3A_1023, %swap3A_1024], %convert_element_type3A_1022 {strides = array<i32>} : memref<1600x1024xi32, #tpu.memory_space<vmem>>, vector<32x1024xi32>,
    %get3A_1026 = arith.constant 1248 : index
    %get3A_1027 = arith.constant 0 : index
    %get3A_1028 = vector.load %arg9[%get3A_1026, %get3A_1027] : memref<1600x1024xf32, #tpu.memory_space<vmem>>, vector<32x1024xf32>
    %mul3A_1029 = vector.broadcast %get3A_12 : vector<1x1024xf32> to vector<32x1024xf32>
    %mul3A_1030 = arith.mulf %select_n3A_1015, %mul3A_1029 : vector<32x1024xf32>
    %sub3A_1031 = arith.constant 1.000000e+00 : f32
    %sub3A_1032 = vector.broadcast %sub3A_1031 : f32 to vector<1x1024xf32>
    %sub3A_1033 = arith.subf %sub3A_1032, %get3A_12 : vector<1x1024xf32>
    %mul3A_1034 = vector.broadcast %sub3A_1033 : vector<1x1024xf32> to vector<32x1024xf32>
    %mul3A_1035 = arith.mulf %mul3A_1034, %get3A_1028 : vector<32x1024xf32>
    %add3A_1036 = arith.addf %mul3A_1030, %mul3A_1035 : vector<32x1024xf32>
    %gt3A_1037 = vector.broadcast %get3A_15 : vector<1x1024xf32> to vector<32x1024xf32>
    %gt3A_1038 = arith.cmpf ogt, %add3A_1036, %gt3A_1037 : vector<32x1024xf32>
    %jit3A_1039 = arith.constant 0.000000e+00 : f32
    %broadcast_in_dim3A_1040 = vector.broadcast %jit3A_1039 : f32 to vector<32x1024xf32>
    %select_n3A_1041 = arith.select %gt3A_1038, %broadcast_in_dim3A_1040, %add3A_1036 : vector<32x1024xi1>, vector<32x1024xf32>
    %swap3A_1042 = arith.constant 39 : index
    %swap3A_1043 = arith.constant 0 : index
    %swap3A_1044 = arith.constant 0 : index
    %swap3A_1045 = vector.load %arg6[%swap3A_1042, %swap3A_1043, %swap3A_1044] : memref<50x32x1024xf32, #tpu.memory_space<vmem>>, vector<1x32x1024xf32>
    %swap3A_1046 = vector.shape_cast %swap3A_1045 : vector<1x32x1024xf32> to vector<32x1024xf32>
    %swap3A_1047 = vector.shape_cast %select_n3A_1041 : vector<32x1024xf32> to vector<1x32x1024xf32>
    tpu.vector_store %arg6[%swap3A_1042, %swap3A_1043, %swap3A_1044], %swap3A_1047 {strides = array<i32>} : memref<50x32x1024xf32, #tpu.memory_space<vmem>>, vector<1x32x1024xf32>,
    %convert_element_type3A_1048 = arith.extui %gt3A_1038 : vector<32x1024xi1> to vector<32x1024xi32>
    %swap3A_1049 = arith.constant 1248 : index
    %swap3A_1050 = arith.constant 0 : index
    %swap3A_1051 = vector.load %arg10[%swap3A_1049, %swap3A_1050] : memref<1600x1024xi32, #tpu.memory_space<vmem>>, vector<32x1024xi32>
    tpu.vector_store %arg10[%swap3A_1049, %swap3A_1050], %convert_element_type3A_1048 {strides = array<i32>} : memref<1600x1024xi32, #tpu.memory_space<vmem>>, vector<32x1024xi32>,
    %get3A_1052 = arith.constant 1280 : index
    %get3A_1053 = arith.constant 0 : index
    %get3A_1054 = vector.load %arg9[%get3A_1052, %get3A_1053] : memref<1600x1024xf32, #tpu.memory_space<vmem>>, vector<32x1024xf32>
    %mul3A_1055 = vector.broadcast %get3A_12 : vector<1x1024xf32> to vector<32x1024xf32>
    %mul3A_1056 = arith.mulf %select_n3A_1041, %mul3A_1055 : vector<32x1024xf32>
    %sub3A_1057 = arith.constant 1.000000e+00 : f32
    %sub3A_1058 = vector.broadcast %sub3A_1057 : f32 to vector<1x1024xf32>
    %sub3A_1059 = arith.subf %sub3A_1058, %get3A_12 : vector<1x1024xf32>
    %mul3A_1060 = vector.broadcast %sub3A_1059 : vector<1x1024xf32> to vector<32x1024xf32>
    %mul3A_1061 = arith.mulf %mul3A_1060, %get3A_1054 : vector<32x1024xf32>
    %add3A_1062 = arith.addf %mul3A_1056, %mul3A_1061 : vector<32x1024xf32>
    %gt3A_1063 = vector.broadcast %get3A_15 : vector<1x1024xf32> to vector<32x1024xf32>
    %gt3A_1064 = arith.cmpf ogt, %add3A_1062, %gt3A_1063 : vector<32x1024xf32>
    %jit3A_1065 = arith.constant 0.000000e+00 : f32
    %broadcast_in_dim3A_1066 = vector.broadcast %jit3A_1065 : f32 to vector<32x1024xf32>
    %select_n3A_1067 = arith.select %gt3A_1064, %broadcast_in_dim3A_1066, %add3A_1062 : vector<32x1024xi1>, vector<32x1024xf32>
    %swap3A_1068 = arith.constant 40 : index
    %swap3A_1069 = arith.constant 0 : index
    %swap3A_1070 = arith.constant 0 : index
    %swap3A_1071 = vector.load %arg6[%swap3A_1068, %swap3A_1069, %swap3A_1070] : memref<50x32x1024xf32, #tpu.memory_space<vmem>>, vector<1x32x1024xf32>
    %swap3A_1072 = vector.shape_cast %swap3A_1071 : vector<1x32x1024xf32> to vector<32x1024xf32>
    %swap3A_1073 = vector.shape_cast %select_n3A_1067 : vector<32x1024xf32> to vector<1x32x1024xf32>
    tpu.vector_store %arg6[%swap3A_1068, %swap3A_1069, %swap3A_1070], %swap3A_1073 {strides = array<i32>} : memref<50x32x1024xf32, #tpu.memory_space<vmem>>, vector<1x32x1024xf32>,
    %convert_element_type3A_1074 = arith.extui %gt3A_1064 : vector<32x1024xi1> to vector<32x1024xi32>
    %swap3A_1075 = arith.constant 1280 : index
    %swap3A_1076 = arith.constant 0 : index
    %swap3A_1077 = vector.load %arg10[%swap3A_1075, %swap3A_1076] : memref<1600x1024xi32, #tpu.memory_space<vmem>>, vector<32x1024xi32>
    tpu.vector_store %arg10[%swap3A_1075, %swap3A_1076], %convert_element_type3A_1074 {strides = array<i32>} : memref<1600x1024xi32, #tpu.memory_space<vmem>>, vector<32x1024xi32>,
    %get3A_1078 = arith.constant 1312 : index
    %get3A_1079 = arith.constant 0 : index
    %get3A_1080 = vector.load %arg9[%get3A_1078, %get3A_1079] : memref<1600x1024xf32, #tpu.memory_space<vmem>>, vector<32x1024xf32>
    %mul3A_1081 = vector.broadcast %get3A_12 : vector<1x1024xf32> to vector<32x1024xf32>
    %mul3A_1082 = arith.mulf %select_n3A_1067, %mul3A_1081 : vector<32x1024xf32>
    %sub3A_1083 = arith.constant 1.000000e+00 : f32
    %sub3A_1084 = vector.broadcast %sub3A_1083 : f32 to vector<1x1024xf32>
    %sub3A_1085 = arith.subf %sub3A_1084, %get3A_12 : vector<1x1024xf32>
    %mul3A_1086 = vector.broadcast %sub3A_1085 : vector<1x1024xf32> to vector<32x1024xf32>
    %mul3A_1087 = arith.mulf %mul3A_1086, %get3A_1080 : vector<32x1024xf32>
    %add3A_1088 = arith.addf %mul3A_1082, %mul3A_1087 : vector<32x1024xf32>
    %gt3A_1089 = vector.broadcast %get3A_15 : vector<1x1024xf32> to vector<32x1024xf32>
    %gt3A_1090 = arith.cmpf ogt, %add3A_1088, %gt3A_1089 : vector<32x1024xf32>
    %jit3A_1091 = arith.constant 0.000000e+00 : f32
    %broadcast_in_dim3A_1092 = vector.broadcast %jit3A_1091 : f32 to vector<32x1024xf32>
    %select_n3A_1093 = arith.select %gt3A_1090, %broadcast_in_dim3A_1092, %add3A_1088 : vector<32x1024xi1>, vector<32x1024xf32>
    %swap3A_1094 = arith.constant 41 : index
    %swap3A_1095 = arith.constant 0 : index
    %swap3A_1096 = arith.constant 0 : index
    %swap3A_1097 = vector.load %arg6[%swap3A_1094, %swap3A_1095, %swap3A_1096] : memref<50x32x1024xf32, #tpu.memory_space<vmem>>, vector<1x32x1024xf32>
    %swap3A_1098 = vector.shape_cast %swap3A_1097 : vector<1x32x1024xf32> to vector<32x1024xf32>
    %swap3A_1099 = vector.shape_cast %select_n3A_1093 : vector<32x1024xf32> to vector<1x32x1024xf32>
    tpu.vector_store %arg6[%swap3A_1094, %swap3A_1095, %swap3A_1096], %swap3A_1099 {strides = array<i32>} : memref<50x32x1024xf32, #tpu.memory_space<vmem>>, vector<1x32x1024xf32>,
    %convert_element_type3A_1100 = arith.extui %gt3A_1090 : vector<32x1024xi1> to vector<32x1024xi32>
    %swap3A_1101 = arith.constant 1312 : index
    %swap3A_1102 = arith.constant 0 : index
    %swap3A_1103 = vector.load %arg10[%swap3A_1101, %swap3A_1102] : memref<1600x1024xi32, #tpu.memory_space<vmem>>, vector<32x1024xi32>
    tpu.vector_store %arg10[%swap3A_1101, %swap3A_1102], %convert_element_type3A_1100 {strides = array<i32>} : memref<1600x1024xi32, #tpu.memory_space<vmem>>, vector<32x1024xi32>,
    %get3A_1104 = arith.constant 1344 : index
    %get3A_1105 = arith.constant 0 : index
    %get3A_1106 = vector.load %arg9[%get3A_1104, %get3A_1105] : memref<1600x1024xf32, #tpu.memory_space<vmem>>, vector<32x1024xf32>
    %mul3A_1107 = vector.broadcast %get3A_12 : vector<1x1024xf32> to vector<32x1024xf32>
    %mul3A_1108 = arith.mulf %select_n3A_1093, %mul3A_1107 : vector<32x1024xf32>
    %sub3A_1109 = arith.constant 1.000000e+00 : f32
    %sub3A_1110 = vector.broadcast %sub3A_1109 : f32 to vector<1x1024xf32>
    %sub3A_1111 = arith.subf %sub3A_1110, %get3A_12 : vector<1x1024xf32>
    %mul3A_1112 = vector.broadcast %sub3A_1111 : vector<1x1024xf32> to vector<32x1024xf32>
    %mul3A_1113 = arith.mulf %mul3A_1112, %get3A_1106 : vector<32x1024xf32>
    %add3A_1114 = arith.addf %mul3A_1108, %mul3A_1113 : vector<32x1024xf32>
    %gt3A_1115 = vector.broadcast %get3A_15 : vector<1x1024xf32> to vector<32x1024xf32>
    %gt3A_1116 = arith.cmpf ogt, %add3A_1114, %gt3A_1115 : vector<32x1024xf32>
    %jit3A_1117 = arith.constant 0.000000e+00 : f32
    %broadcast_in_dim3A_1118 = vector.broadcast %jit3A_1117 : f32 to vector<32x1024xf32>
    %select_n3A_1119 = arith.select %gt3A_1116, %broadcast_in_dim3A_1118, %add3A_1114 : vector<32x1024xi1>, vector<32x1024xf32>
    %swap3A_1120 = arith.constant 42 : index
    %swap3A_1121 = arith.constant 0 : index
    %swap3A_1122 = arith.constant 0 : index
    %swap3A_1123 = vector.load %arg6[%swap3A_1120, %swap3A_1121, %swap3A_1122] : memref<50x32x1024xf32, #tpu.memory_space<vmem>>, vector<1x32x1024xf32>
    %swap3A_1124 = vector.shape_cast %swap3A_1123 : vector<1x32x1024xf32> to vector<32x1024xf32>
    %swap3A_1125 = vector.shape_cast %select_n3A_1119 : vector<32x1024xf32> to vector<1x32x1024xf32>
    tpu.vector_store %arg6[%swap3A_1120, %swap3A_1121, %swap3A_1122], %swap3A_1125 {strides = array<i32>} : memref<50x32x1024xf32, #tpu.memory_space<vmem>>, vector<1x32x1024xf32>,
    %convert_element_type3A_1126 = arith.extui %gt3A_1116 : vector<32x1024xi1> to vector<32x1024xi32>
    %swap3A_1127 = arith.constant 1344 : index
    %swap3A_1128 = arith.constant 0 : index
    %swap3A_1129 = vector.load %arg10[%swap3A_1127, %swap3A_1128] : memref<1600x1024xi32, #tpu.memory_space<vmem>>, vector<32x1024xi32>
    tpu.vector_store %arg10[%swap3A_1127, %swap3A_1128], %convert_element_type3A_1126 {strides = array<i32>} : memref<1600x1024xi32, #tpu.memory_space<vmem>>, vector<32x1024xi32>,
    %get3A_1130 = arith.constant 1376 : index
    %get3A_1131 = arith.constant 0 : index
    %get3A_1132 = vector.load %arg9[%get3A_1130, %get3A_1131] : memref<1600x1024xf32, #tpu.memory_space<vmem>>, vector<32x1024xf32>
    %mul3A_1133 = vector.broadcast %get3A_12 : vector<1x1024xf32> to vector<32x1024xf32>
    %mul3A_1134 = arith.mulf %select_n3A_1119, %mul3A_1133 : vector<32x1024xf32>
    %sub3A_1135 = arith.constant 1.000000e+00 : f32
    %sub3A_1136 = vector.broadcast %sub3A_1135 : f32 to vector<1x1024xf32>
    %sub3A_1137 = arith.subf %sub3A_1136, %get3A_12 : vector<1x1024xf32>
    %mul3A_1138 = vector.broadcast %sub3A_1137 : vector<1x1024xf32> to vector<32x1024xf32>
    %mul3A_1139 = arith.mulf %mul3A_1138, %get3A_1132 : vector<32x1024xf32>
    %add3A_1140 = arith.addf %mul3A_1134, %mul3A_1139 : vector<32x1024xf32>
    %gt3A_1141 = vector.broadcast %get3A_15 : vector<1x1024xf32> to vector<32x1024xf32>
    %gt3A_1142 = arith.cmpf ogt, %add3A_1140, %gt3A_1141 : vector<32x1024xf32>
    %jit3A_1143 = arith.constant 0.000000e+00 : f32
    %broadcast_in_dim3A_1144 = vector.broadcast %jit3A_1143 : f32 to vector<32x1024xf32>
    %select_n3A_1145 = arith.select %gt3A_1142, %broadcast_in_dim3A_1144, %add3A_1140 : vector<32x1024xi1>, vector<32x1024xf32>
    %swap3A_1146 = arith.constant 43 : index
    %swap3A_1147 = arith.constant 0 : index
    %swap3A_1148 = arith.constant 0 : index
    %swap3A_1149 = vector.load %arg6[%swap3A_1146, %swap3A_1147, %swap3A_1148] : memref<50x32x1024xf32, #tpu.memory_space<vmem>>, vector<1x32x1024xf32>
    %swap3A_1150 = vector.shape_cast %swap3A_1149 : vector<1x32x1024xf32> to vector<32x1024xf32>
    %swap3A_1151 = vector.shape_cast %select_n3A_1145 : vector<32x1024xf32> to vector<1x32x1024xf32>
    tpu.vector_store %arg6[%swap3A_1146, %swap3A_1147, %swap3A_1148], %swap3A_1151 {strides = array<i32>} : memref<50x32x1024xf32, #tpu.memory_space<vmem>>, vector<1x32x1024xf32>,
    %convert_element_type3A_1152 = arith.extui %gt3A_1142 : vector<32x1024xi1> to vector<32x1024xi32>
    %swap3A_1153 = arith.constant 1376 : index
    %swap3A_1154 = arith.constant 0 : index
    %swap3A_1155 = vector.load %arg10[%swap3A_1153, %swap3A_1154] : memref<1600x1024xi32, #tpu.memory_space<vmem>>, vector<32x1024xi32>
    tpu.vector_store %arg10[%swap3A_1153, %swap3A_1154], %convert_element_type3A_1152 {strides = array<i32>} : memref<1600x1024xi32, #tpu.memory_space<vmem>>, vector<32x1024xi32>,
    %get3A_1156 = arith.constant 1408 : index
    %get3A_1157 = arith.constant 0 : index
    %get3A_1158 = vector.load %arg9[%get3A_1156, %get3A_1157] : memref<1600x1024xf32, #tpu.memory_space<vmem>>, vector<32x1024xf32>
    %mul3A_1159 = vector.broadcast %get3A_12 : vector<1x1024xf32> to vector<32x1024xf32>
    %mul3A_1160 = arith.mulf %select_n3A_1145, %mul3A_1159 : vector<32x1024xf32>
    %sub3A_1161 = arith.constant 1.000000e+00 : f32
    %sub3A_1162 = vector.broadcast %sub3A_1161 : f32 to vector<1x1024xf32>
    %sub3A_1163 = arith.subf %sub3A_1162, %get3A_12 : vector<1x1024xf32>
    %mul3A_1164 = vector.broadcast %sub3A_1163 : vector<1x1024xf32> to vector<32x1024xf32>
    %mul3A_1165 = arith.mulf %mul3A_1164, %get3A_1158 : vector<32x1024xf32>
    %add3A_1166 = arith.addf %mul3A_1160, %mul3A_1165 : vector<32x1024xf32>
    %gt3A_1167 = vector.broadcast %get3A_15 : vector<1x1024xf32> to vector<32x1024xf32>
    %gt3A_1168 = arith.cmpf ogt, %add3A_1166, %gt3A_1167 : vector<32x1024xf32>
    %jit3A_1169 = arith.constant 0.000000e+00 : f32
    %broadcast_in_dim3A_1170 = vector.broadcast %jit3A_1169 : f32 to vector<32x1024xf32>
    %select_n3A_1171 = arith.select %gt3A_1168, %broadcast_in_dim3A_1170, %add3A_1166 : vector<32x1024xi1>, vector<32x1024xf32>
    %swap3A_1172 = arith.constant 44 : index
    %swap3A_1173 = arith.constant 0 : index
    %swap3A_1174 = arith.constant 0 : index
    %swap3A_1175 = vector.load %arg6[%swap3A_1172, %swap3A_1173, %swap3A_1174] : memref<50x32x1024xf32, #tpu.memory_space<vmem>>, vector<1x32x1024xf32>
    %swap3A_1176 = vector.shape_cast %swap3A_1175 : vector<1x32x1024xf32> to vector<32x1024xf32>
    %swap3A_1177 = vector.shape_cast %select_n3A_1171 : vector<32x1024xf32> to vector<1x32x1024xf32>
    tpu.vector_store %arg6[%swap3A_1172, %swap3A_1173, %swap3A_1174], %swap3A_1177 {strides = array<i32>} : memref<50x32x1024xf32, #tpu.memory_space<vmem>>, vector<1x32x1024xf32>,
    %convert_element_type3A_1178 = arith.extui %gt3A_1168 : vector<32x1024xi1> to vector<32x1024xi32>
    %swap3A_1179 = arith.constant 1408 : index
    %swap3A_1180 = arith.constant 0 : index
    %swap3A_1181 = vector.load %arg10[%swap3A_1179, %swap3A_1180] : memref<1600x1024xi32, #tpu.memory_space<vmem>>, vector<32x1024xi32>
    tpu.vector_store %arg10[%swap3A_1179, %swap3A_1180], %convert_element_type3A_1178 {strides = array<i32>} : memref<1600x1024xi32, #tpu.memory_space<vmem>>, vector<32x1024xi32>,
    %get3A_1182 = arith.constant 1440 : index
    %get3A_1183 = arith.constant 0 : index
    %get3A_1184 = vector.load %arg9[%get3A_1182, %get3A_1183] : memref<1600x1024xf32, #tpu.memory_space<vmem>>, vector<32x1024xf32>
    %mul3A_1185 = vector.broadcast %get3A_12 : vector<1x1024xf32> to vector<32x1024xf32>
    %mul3A_1186 = arith.mulf %select_n3A_1171, %mul3A_1185 : vector<32x1024xf32>
    %sub3A_1187 = arith.constant 1.000000e+00 : f32
    %sub3A_1188 = vector.broadcast %sub3A_1187 : f32 to vector<1x1024xf32>
    %sub3A_1189 = arith.subf %sub3A_1188, %get3A_12 : vector<1x1024xf32>
    %mul3A_1190 = vector.broadcast %sub3A_1189 : vector<1x1024xf32> to vector<32x1024xf32>
    %mul3A_1191 = arith.mulf %mul3A_1190, %get3A_1184 : vector<32x1024xf32>
    %add3A_1192 = arith.addf %mul3A_1186, %mul3A_1191 : vector<32x1024xf32>
    %gt3A_1193 = vector.broadcast %get3A_15 : vector<1x1024xf32> to vector<32x1024xf32>
    %gt3A_1194 = arith.cmpf ogt, %add3A_1192, %gt3A_1193 : vector<32x1024xf32>
    %jit3A_1195 = arith.constant 0.000000e+00 : f32
    %broadcast_in_dim3A_1196 = vector.broadcast %jit3A_1195 : f32 to vector<32x1024xf32>
    %select_n3A_1197 = arith.select %gt3A_1194, %broadcast_in_dim3A_1196, %add3A_1192 : vector<32x1024xi1>, vector<32x1024xf32>
    %swap3A_1198 = arith.constant 45 : index
    %swap3A_1199 = arith.constant 0 : index
    %swap3A_1200 = arith.constant 0 : index
    %swap3A_1201 = vector.load %arg6[%swap3A_1198, %swap3A_1199, %swap3A_1200] : memref<50x32x1024xf32, #tpu.memory_space<vmem>>, vector<1x32x1024xf32>
    %swap3A_1202 = vector.shape_cast %swap3A_1201 : vector<1x32x1024xf32> to vector<32x1024xf32>
    %swap3A_1203 = vector.shape_cast %select_n3A_1197 : vector<32x1024xf32> to vector<1x32x1024xf32>
    tpu.vector_store %arg6[%swap3A_1198, %swap3A_1199, %swap3A_1200], %swap3A_1203 {strides = array<i32>} : memref<50x32x1024xf32, #tpu.memory_space<vmem>>, vector<1x32x1024xf32>,
    %convert_element_type3A_1204 = arith.extui %gt3A_1194 : vector<32x1024xi1> to vector<32x1024xi32>
    %swap3A_1205 = arith.constant 1440 : index
    %swap3A_1206 = arith.constant 0 : index
    %swap3A_1207 = vector.load %arg10[%swap3A_1205, %swap3A_1206] : memref<1600x1024xi32, #tpu.memory_space<vmem>>, vector<32x1024xi32>
    tpu.vector_store %arg10[%swap3A_1205, %swap3A_1206], %convert_element_type3A_1204 {strides = array<i32>} : memref<1600x1024xi32, #tpu.memory_space<vmem>>, vector<32x1024xi32>,
    %get3A_1208 = arith.constant 1472 : index
    %get3A_1209 = arith.constant 0 : index
    %get3A_1210 = vector.load %arg9[%get3A_1208, %get3A_1209] : memref<1600x1024xf32, #tpu.memory_space<vmem>>, vector<32x1024xf32>
    %mul3A_1211 = vector.broadcast %get3A_12 : vector<1x1024xf32> to vector<32x1024xf32>
    %mul3A_1212 = arith.mulf %select_n3A_1197, %mul3A_1211 : vector<32x1024xf32>
    %sub3A_1213 = arith.constant 1.000000e+00 : f32
    %sub3A_1214 = vector.broadcast %sub3A_1213 : f32 to vector<1x1024xf32>
    %sub3A_1215 = arith.subf %sub3A_1214, %get3A_12 : vector<1x1024xf32>
    %mul3A_1216 = vector.broadcast %sub3A_1215 : vector<1x1024xf32> to vector<32x1024xf32>
    %mul3A_1217 = arith.mulf %mul3A_1216, %get3A_1210 : vector<32x1024xf32>
    %add3A_1218 = arith.addf %mul3A_1212, %mul3A_1217 : vector<32x1024xf32>
    %gt3A_1219 = vector.broadcast %get3A_15 : vector<1x1024xf32> to vector<32x1024xf32>
    %gt3A_1220 = arith.cmpf ogt, %add3A_1218, %gt3A_1219 : vector<32x1024xf32>
    %jit3A_1221 = arith.constant 0.000000e+00 : f32
    %broadcast_in_dim3A_1222 = vector.broadcast %jit3A_1221 : f32 to vector<32x1024xf32>
    %select_n3A_1223 = arith.select %gt3A_1220, %broadcast_in_dim3A_1222, %add3A_1218 : vector<32x1024xi1>, vector<32x1024xf32>
    %swap3A_1224 = arith.constant 46 : index
    %swap3A_1225 = arith.constant 0 : index
    %swap3A_1226 = arith.constant 0 : index
    %swap3A_1227 = vector.load %arg6[%swap3A_1224, %swap3A_1225, %swap3A_1226] : memref<50x32x1024xf32, #tpu.memory_space<vmem>>, vector<1x32x1024xf32>
    %swap3A_1228 = vector.shape_cast %swap3A_1227 : vector<1x32x1024xf32> to vector<32x1024xf32>
    %swap3A_1229 = vector.shape_cast %select_n3A_1223 : vector<32x1024xf32> to vector<1x32x1024xf32>
    tpu.vector_store %arg6[%swap3A_1224, %swap3A_1225, %swap3A_1226], %swap3A_1229 {strides = array<i32>} : memref<50x32x1024xf32, #tpu.memory_space<vmem>>, vector<1x32x1024xf32>,
    %convert_element_type3A_1230 = arith.extui %gt3A_1220 : vector<32x1024xi1> to vector<32x1024xi32>
    %swap3A_1231 = arith.constant 1472 : index
    %swap3A_1232 = arith.constant 0 : index
    %swap3A_1233 = vector.load %arg10[%swap3A_1231, %swap3A_1232] : memref<1600x1024xi32, #tpu.memory_space<vmem>>, vector<32x1024xi32>
    tpu.vector_store %arg10[%swap3A_1231, %swap3A_1232], %convert_element_type3A_1230 {strides = array<i32>} : memref<1600x1024xi32, #tpu.memory_space<vmem>>, vector<32x1024xi32>,
    %get3A_1234 = arith.constant 1504 : index
    %get3A_1235 = arith.constant 0 : index
    %get3A_1236 = vector.load %arg9[%get3A_1234, %get3A_1235] : memref<1600x1024xf32, #tpu.memory_space<vmem>>, vector<32x1024xf32>
    %mul3A_1237 = vector.broadcast %get3A_12 : vector<1x1024xf32> to vector<32x1024xf32>
    %mul3A_1238 = arith.mulf %select_n3A_1223, %mul3A_1237 : vector<32x1024xf32>
    %sub3A_1239 = arith.constant 1.000000e+00 : f32
    %sub3A_1240 = vector.broadcast %sub3A_1239 : f32 to vector<1x1024xf32>
    %sub3A_1241 = arith.subf %sub3A_1240, %get3A_12 : vector<1x1024xf32>
    %mul3A_1242 = vector.broadcast %sub3A_1241 : vector<1x1024xf32> to vector<32x1024xf32>
    %mul3A_1243 = arith.mulf %mul3A_1242, %get3A_1236 : vector<32x1024xf32>
    %add3A_1244 = arith.addf %mul3A_1238, %mul3A_1243 : vector<32x1024xf32>
    %gt3A_1245 = vector.broadcast %get3A_15 : vector<1x1024xf32> to vector<32x1024xf32>
    %gt3A_1246 = arith.cmpf ogt, %add3A_1244, %gt3A_1245 : vector<32x1024xf32>
    %jit3A_1247 = arith.constant 0.000000e+00 : f32
    %broadcast_in_dim3A_1248 = vector.broadcast %jit3A_1247 : f32 to vector<32x1024xf32>
    %select_n3A_1249 = arith.select %gt3A_1246, %broadcast_in_dim3A_1248, %add3A_1244 : vector<32x1024xi1>, vector<32x1024xf32>
    %swap3A_1250 = arith.constant 47 : index
    %swap3A_1251 = arith.constant 0 : index
    %swap3A_1252 = arith.constant 0 : index
    %swap3A_1253 = vector.load %arg6[%swap3A_1250, %swap3A_1251, %swap3A_1252] : memref<50x32x1024xf32, #tpu.memory_space<vmem>>, vector<1x32x1024xf32>
    %swap3A_1254 = vector.shape_cast %swap3A_1253 : vector<1x32x1024xf32> to vector<32x1024xf32>
    %swap3A_1255 = vector.shape_cast %select_n3A_1249 : vector<32x1024xf32> to vector<1x32x1024xf32>
    tpu.vector_store %arg6[%swap3A_1250, %swap3A_1251, %swap3A_1252], %swap3A_1255 {strides = array<i32>} : memref<50x32x1024xf32, #tpu.memory_space<vmem>>, vector<1x32x1024xf32>,
    %convert_element_type3A_1256 = arith.extui %gt3A_1246 : vector<32x1024xi1> to vector<32x1024xi32>
    %swap3A_1257 = arith.constant 1504 : index
    %swap3A_1258 = arith.constant 0 : index
    %swap3A_1259 = vector.load %arg10[%swap3A_1257, %swap3A_1258] : memref<1600x1024xi32, #tpu.memory_space<vmem>>, vector<32x1024xi32>
    tpu.vector_store %arg10[%swap3A_1257, %swap3A_1258], %convert_element_type3A_1256 {strides = array<i32>} : memref<1600x1024xi32, #tpu.memory_space<vmem>>, vector<32x1024xi32>,
    %get3A_1260 = arith.constant 1536 : index
    %get3A_1261 = arith.constant 0 : index
    %get3A_1262 = vector.load %arg9[%get3A_1260, %get3A_1261] : memref<1600x1024xf32, #tpu.memory_space<vmem>>, vector<32x1024xf32>
    %mul3A_1263 = vector.broadcast %get3A_12 : vector<1x1024xf32> to vector<32x1024xf32>
    %mul3A_1264 = arith.mulf %select_n3A_1249, %mul3A_1263 : vector<32x1024xf32>
    %sub3A_1265 = arith.constant 1.000000e+00 : f32
    %sub3A_1266 = vector.broadcast %sub3A_1265 : f32 to vector<1x1024xf32>
    %sub3A_1267 = arith.subf %sub3A_1266, %get3A_12 : vector<1x1024xf32>
    %mul3A_1268 = vector.broadcast %sub3A_1267 : vector<1x1024xf32> to vector<32x1024xf32>
    %mul3A_1269 = arith.mulf %mul3A_1268, %get3A_1262 : vector<32x1024xf32>
    %add3A_1270 = arith.addf %mul3A_1264, %mul3A_1269 : vector<32x1024xf32>
    %gt3A_1271 = vector.broadcast %get3A_15 : vector<1x1024xf32> to vector<32x1024xf32>
    %gt3A_1272 = arith.cmpf ogt, %add3A_1270, %gt3A_1271 : vector<32x1024xf32>
    %jit3A_1273 = arith.constant 0.000000e+00 : f32
    %broadcast_in_dim3A_1274 = vector.broadcast %jit3A_1273 : f32 to vector<32x1024xf32>
    %select_n3A_1275 = arith.select %gt3A_1272, %broadcast_in_dim3A_1274, %add3A_1270 : vector<32x1024xi1>, vector<32x1024xf32>
    %swap3A_1276 = arith.constant 48 : index
    %swap3A_1277 = arith.constant 0 : index
    %swap3A_1278 = arith.constant 0 : index
    %swap3A_1279 = vector.load %arg6[%swap3A_1276, %swap3A_1277, %swap3A_1278] : memref<50x32x1024xf32, #tpu.memory_space<vmem>>, vector<1x32x1024xf32>
    %swap3A_1280 = vector.shape_cast %swap3A_1279 : vector<1x32x1024xf32> to vector<32x1024xf32>
    %swap3A_1281 = vector.shape_cast %select_n3A_1275 : vector<32x1024xf32> to vector<1x32x1024xf32>
    tpu.vector_store %arg6[%swap3A_1276, %swap3A_1277, %swap3A_1278], %swap3A_1281 {strides = array<i32>} : memref<50x32x1024xf32, #tpu.memory_space<vmem>>, vector<1x32x1024xf32>,
    %convert_element_type3A_1282 = arith.extui %gt3A_1272 : vector<32x1024xi1> to vector<32x1024xi32>
    %swap3A_1283 = arith.constant 1536 : index
    %swap3A_1284 = arith.constant 0 : index
    %swap3A_1285 = vector.load %arg10[%swap3A_1283, %swap3A_1284] : memref<1600x1024xi32, #tpu.memory_space<vmem>>, vector<32x1024xi32>
    tpu.vector_store %arg10[%swap3A_1283, %swap3A_1284], %convert_element_type3A_1282 {strides = array<i32>} : memref<1600x1024xi32, #tpu.memory_space<vmem>>, vector<32x1024xi32>,
    %get3A_1286 = arith.constant 1568 : index
    %get3A_1287 = arith.constant 0 : index
    %get3A_1288 = vector.load %arg9[%get3A_1286, %get3A_1287] : memref<1600x1024xf32, #tpu.memory_space<vmem>>, vector<32x1024xf32>
    %mul3A_1289 = vector.broadcast %get3A_12 : vector<1x1024xf32> to vector<32x1024xf32>
    %mul3A_1290 = arith.mulf %select_n3A_1275, %mul3A_1289 : vector<32x1024xf32>
    %sub3A_1291 = arith.constant 1.000000e+00 : f32
    %sub3A_1292 = vector.broadcast %sub3A_1291 : f32 to vector<1x1024xf32>
    %sub3A_1293 = arith.subf %sub3A_1292, %get3A_12 : vector<1x1024xf32>
    %mul3A_1294 = vector.broadcast %sub3A_1293 : vector<1x1024xf32> to vector<32x1024xf32>
    %mul3A_1295 = arith.mulf %mul3A_1294, %get3A_1288 : vector<32x1024xf32>
    %add3A_1296 = arith.addf %mul3A_1290, %mul3A_1295 : vector<32x1024xf32>
    %gt3A_1297 = vector.broadcast %get3A_15 : vector<1x1024xf32> to vector<32x1024xf32>
    %gt3A_1298 = arith.cmpf ogt, %add3A_1296, %gt3A_1297 : vector<32x1024xf32>
    %jit3A_1299 = arith.constant 0.000000e+00 : f32
    %broadcast_in_dim3A_1300 = vector.broadcast %jit3A_1299 : f32 to vector<32x1024xf32>
    %select_n3A_1301 = arith.select %gt3A_1298, %broadcast_in_dim3A_1300, %add3A_1296 : vector<32x1024xi1>, vector<32x1024xf32>
    %swap3A_1302 = arith.constant 49 : index
    %swap3A_1303 = arith.constant 0 : index
    %swap3A_1304 = arith.constant 0 : index
    %swap3A_1305 = vector.load %arg6[%swap3A_1302, %swap3A_1303, %swap3A_1304] : memref<50x32x1024xf32, #tpu.memory_space<vmem>>, vector<1x32x1024xf32>
    %swap3A_1306 = vector.shape_cast %swap3A_1305 : vector<1x32x1024xf32> to vector<32x1024xf32>
    %swap3A_1307 = vector.shape_cast %select_n3A_1301 : vector<32x1024xf32> to vector<1x32x1024xf32>
    tpu.vector_store %arg6[%swap3A_1302, %swap3A_1303, %swap3A_1304], %swap3A_1307 {strides = array<i32>} : memref<50x32x1024xf32, #tpu.memory_space<vmem>>, vector<1x32x1024xf32>,
    %convert_element_type3A_1308 = arith.extui %gt3A_1298 : vector<32x1024xi1> to vector<32x1024xi32>
    %swap3A_1309 = arith.constant 1568 : index
    %swap3A_1310 = arith.constant 0 : index
    %swap3A_1311 = vector.load %arg10[%swap3A_1309, %swap3A_1310] : memref<1600x1024xi32, #tpu.memory_space<vmem>>, vector<32x1024xi32>
    tpu.vector_store %arg10[%swap3A_1309, %swap3A_1310], %convert_element_type3A_1308 {strides = array<i32>} : memref<1600x1024xi32, #tpu.memory_space<vmem>>, vector<32x1024xi32>,
    %swap3A_1312 = arith.constant 0 : index
    %swap3A_1313 = arith.constant 0 : index
    %swap3A_1314 = vector.load %arg8[%swap3A_1312, %swap3A_1313] : memref<32x1024xf32, #tpu.memory_space<vmem>>, vector<32x1024xf32>
    tpu.vector_store %arg8[%swap3A_1312, %swap3A_1313], %select_n3A_1301 {strides = array<i32>} : memref<32x1024xf32, #tpu.memory_space<vmem>>, vector<32x1024xf32>,
    %get3A_1315 = arith.constant 0 : index
    %get3A_1316 = arith.constant 0 : index
    %get3A_1317 = vector.load %arg10[%get3A_1315, %get3A_1316] : memref<1600x1024xi32, #tpu.memory_space<vmem>>, vector<1600x1024xi32>
    %broadcast_in_dim3A_1318 = arith.constant 0 : i32
    %broadcast_in_dim3A_1319 = vector.broadcast %broadcast_in_dim3A_1318 : i32 to vector<1600x64xi32>
    %slice3A = vector.extract_strided_slice %get3A_1317 {offsets = [0, 0], sizes = [1600, 64], strides = [1, 1]} : vector<1600x1024xi32> to vector<1600x64xi32>
    %shift_left3A = arith.constant 0 : i32
    %shift_left3A_1320 = vector.broadcast %shift_left3A : i32 to vector<1600x64xi32>
    %shift_left3A_1321 = arith.shli %slice3A, %shift_left3A_1320 : vector<1600x64xi32>
    %add3A_1322 = arith.addi %broadcast_in_dim3A_1319, %shift_left3A_1321 : vector<1600x64xi32>
    %slice3A_1323 = vector.extract_strided_slice %get3A_1317 {offsets = [0, 64], sizes = [1600, 64], strides = [1, 1]} : vector<1600x1024xi32> to vector<1600x64xi32>
    %shift_left3A_1324 = arith.constant 1 : i32
    %shift_left3A_1325 = vector.broadcast %shift_left3A_1324 : i32 to vector<1600x64xi32>
    %shift_left3A_1326 = arith.shli %slice3A_1323, %shift_left3A_1325 : vector<1600x64xi32>
    %add3A_1327 = arith.addi %add3A_1322, %shift_left3A_1326 : vector<1600x64xi32>
    %slice3A_1328 = vector.extract_strided_slice %get3A_1317 {offsets = [0, 128], sizes = [1600, 64], strides = [1, 1]} : vector<1600x1024xi32> to vector<1600x64xi32>
    %shift_left3A_1329 = arith.constant 2 : i32
    %shift_left3A_1330 = vector.broadcast %shift_left3A_1329 : i32 to vector<1600x64xi32>
    %shift_left3A_1331 = arith.shli %slice3A_1328, %shift_left3A_1330 : vector<1600x64xi32>
    %add3A_1332 = arith.addi %add3A_1327, %shift_left3A_1331 : vector<1600x64xi32>
    %slice3A_1333 = vector.extract_strided_slice %get3A_1317 {offsets = [0, 192], sizes = [1600, 64], strides = [1, 1]} : vector<1600x1024xi32> to vector<1600x64xi32>
    %shift_left3A_1334 = arith.constant 3 : i32
    %shift_left3A_1335 = vector.broadcast %shift_left3A_1334 : i32 to vector<1600x64xi32>
    %shift_left3A_1336 = arith.shli %slice3A_1333, %shift_left3A_1335 : vector<1600x64xi32>
    %add3A_1337 = arith.addi %add3A_1332, %shift_left3A_1336 : vector<1600x64xi32>
    %slice3A_1338 = vector.extract_strided_slice %get3A_1317 {offsets = [0, 256], sizes = [1600, 64], strides = [1, 1]} : vector<1600x1024xi32> to vector<1600x64xi32>
    %shift_left3A_1339 = arith.constant 4 : i32
    %shift_left3A_1340 = vector.broadcast %shift_left3A_1339 : i32 to vector<1600x64xi32>
    %shift_left3A_1341 = arith.shli %slice3A_1338, %shift_left3A_1340 : vector<1600x64xi32>
    %add3A_1342 = arith.addi %add3A_1337, %shift_left3A_1341 : vector<1600x64xi32>
    %slice3A_1343 = vector.extract_strided_slice %get3A_1317 {offsets = [0, 320], sizes = [1600, 64], strides = [1, 1]} : vector<1600x1024xi32> to vector<1600x64xi32>
    %shift_left3A_1344 = arith.constant 5 : i32
    %shift_left3A_1345 = vector.broadcast %shift_left3A_1344 : i32 to vector<1600x64xi32>
    %shift_left3A_1346 = arith.shli %slice3A_1343, %shift_left3A_1345 : vector<1600x64xi32>
    %add3A_1347 = arith.addi %add3A_1342, %shift_left3A_1346 : vector<1600x64xi32>
    %slice3A_1348 = vector.extract_strided_slice %get3A_1317 {offsets = [0, 384], sizes = [1600, 64], strides = [1, 1]} : vector<1600x1024xi32> to vector<1600x64xi32>
    %shift_left3A_1349 = arith.constant 6 : i32
    %shift_left3A_1350 = vector.broadcast %shift_left3A_1349 : i32 to vector<1600x64xi32>
    %shift_left3A_1351 = arith.shli %slice3A_1348, %shift_left3A_1350 : vector<1600x64xi32>
    %add3A_1352 = arith.addi %add3A_1347, %shift_left3A_1351 : vector<1600x64xi32>
    %slice3A_1353 = vector.extract_strided_slice %get3A_1317 {offsets = [0, 448], sizes = [1600, 64], strides = [1, 1]} : vector<1600x1024xi32> to vector<1600x64xi32>
    %shift_left3A_1354 = arith.constant 7 : i32
    %shift_left3A_1355 = vector.broadcast %shift_left3A_1354 : i32 to vector<1600x64xi32>
    %shift_left3A_1356 = arith.shli %slice3A_1353, %shift_left3A_1355 : vector<1600x64xi32>
    %add3A_1357 = arith.addi %add3A_1352, %shift_left3A_1356 : vector<1600x64xi32>
    %slice3A_1358 = vector.extract_strided_slice %get3A_1317 {offsets = [0, 512], sizes = [1600, 64], strides = [1, 1]} : vector<1600x1024xi32> to vector<1600x64xi32>
    %shift_left3A_1359 = arith.constant 8 : i32
    %shift_left3A_1360 = vector.broadcast %shift_left3A_1359 : i32 to vector<1600x64xi32>
    %shift_left3A_1361 = arith.shli %slice3A_1358, %shift_left3A_1360 : vector<1600x64xi32>
    %add3A_1362 = arith.addi %add3A_1357, %shift_left3A_1361 : vector<1600x64xi32>
    %slice3A_1363 = vector.extract_strided_slice %get3A_1317 {offsets = [0, 576], sizes = [1600, 64], strides = [1, 1]} : vector<1600x1024xi32> to vector<1600x64xi32>
    %shift_left3A_1364 = arith.constant 9 : i32
    %shift_left3A_1365 = vector.broadcast %shift_left3A_1364 : i32 to vector<1600x64xi32>
    %shift_left3A_1366 = arith.shli %slice3A_1363, %shift_left3A_1365 : vector<1600x64xi32>
    %add3A_1367 = arith.addi %add3A_1362, %shift_left3A_1366 : vector<1600x64xi32>
    %slice3A_1368 = vector.extract_strided_slice %get3A_1317 {offsets = [0, 640], sizes = [1600, 64], strides = [1, 1]} : vector<1600x1024xi32> to vector<1600x64xi32>
    %shift_left3A_1369 = arith.constant 10 : i32
    %shift_left3A_1370 = vector.broadcast %shift_left3A_1369 : i32 to vector<1600x64xi32>
    %shift_left3A_1371 = arith.shli %slice3A_1368, %shift_left3A_1370 : vector<1600x64xi32>
    %add3A_1372 = arith.addi %add3A_1367, %shift_left3A_1371 : vector<1600x64xi32>
    %slice3A_1373 = vector.extract_strided_slice %get3A_1317 {offsets = [0, 704], sizes = [1600, 64], strides = [1, 1]} : vector<1600x1024xi32> to vector<1600x64xi32>
    %shift_left3A_1374 = arith.constant 11 : i32
    %shift_left3A_1375 = vector.broadcast %shift_left3A_1374 : i32 to vector<1600x64xi32>
    %shift_left3A_1376 = arith.shli %slice3A_1373, %shift_left3A_1375 : vector<1600x64xi32>
    %add3A_1377 = arith.addi %add3A_1372, %shift_left3A_1376 : vector<1600x64xi32>
    %slice3A_1378 = vector.extract_strided_slice %get3A_1317 {offsets = [0, 768], sizes = [1600, 64], strides = [1, 1]} : vector<1600x1024xi32> to vector<1600x64xi32>
    %shift_left3A_1379 = arith.constant 12 : i32
    %shift_left3A_1380 = vector.broadcast %shift_left3A_1379 : i32 to vector<1600x64xi32>
    %shift_left3A_1381 = arith.shli %slice3A_1378, %shift_left3A_1380 : vector<1600x64xi32>
    %add3A_1382 = arith.addi %add3A_1377, %shift_left3A_1381 : vector<1600x64xi32>
    %slice3A_1383 = vector.extract_strided_slice %get3A_1317 {offsets = [0, 832], sizes = [1600, 64], strides = [1, 1]} : vector<1600x1024xi32> to vector<1600x64xi32>
    %shift_left3A_1384 = arith.constant 13 : i32
    %shift_left3A_1385 = vector.broadcast %shift_left3A_1384 : i32 to vector<1600x64xi32>
    %shift_left3A_1386 = arith.shli %slice3A_1383, %shift_left3A_1385 : vector<1600x64xi32>
    %add3A_1387 = arith.addi %add3A_1382, %shift_left3A_1386 : vector<1600x64xi32>
    %slice3A_1388 = vector.extract_strided_slice %get3A_1317 {offsets = [0, 896], sizes = [1600, 64], strides = [1, 1]} : vector<1600x1024xi32> to vector<1600x64xi32>
    %shift_left3A_1389 = arith.constant 14 : i32
    %shift_left3A_1390 = vector.broadcast %shift_left3A_1389 : i32 to vector<1600x64xi32>
    %shift_left3A_1391 = arith.shli %slice3A_1388, %shift_left3A_1390 : vector<1600x64xi32>
    %add3A_1392 = arith.addi %add3A_1387, %shift_left3A_1391 : vector<1600x64xi32>
    %slice3A_1393 = vector.extract_strided_slice %get3A_1317 {offsets = [0, 960], sizes = [1600, 64], strides = [1, 1]} : vector<1600x1024xi32> to vector<1600x64xi32>
    %shift_left3A_1394 = arith.constant 15 : i32
    %shift_left3A_1395 = vector.broadcast %shift_left3A_1394 : i32 to vector<1600x64xi32>
    %shift_left3A_1396 = arith.shli %slice3A_1393, %shift_left3A_1395 : vector<1600x64xi32>
    %add3A_1397 = arith.addi %add3A_1392, %shift_left3A_1396 : vector<1600x64xi32>
    %reduce_sum3A = arith.constant dense<0> : vector<1600xi32>
    %reduce_sum3A_1398 = vector.multi_reduction <add>, %get3A_1317, %reduce_sum3A [1] : vector<1600x1024xi32> to vector<1600xi32>
    %broadcast_in_dim3A_1399 = vector.shape_cast %reduce_sum3A_1398 : vector<1600xi32> to vector<1600x1xi32>
    %broadcast_in_dim3A_1400 = arith.constant 0 : i32
    %broadcast_in_dim3A_1401 = vector.broadcast %broadcast_in_dim3A_1400 : i32 to vector<1600x7xi32>
    %concatenate3A = tpu.concatenate %add3A_1397, %broadcast_in_dim3A_1399, %broadcast_in_dim3A_1401 in 1 : vector<1600x64xi32>, vector<1600x1xi32>, vector<1600x7xi32> -> vector<1600x72xi32>
    %swap3A_1402 = arith.constant 0 : index
    %swap3A_1403 = arith.constant 0 : index
    %swap3A_1404 = vector.load %arg7[%swap3A_1402, %swap3A_1403] : memref<1600x72xi32, #tpu.memory_space<vmem>>, vector<1600x72xi32>
    tpu.vector_store %arg7[%swap3A_1402, %swap3A_1403], %concatenate3A {strides = array<i32>} : memref<1600x72xi32, #tpu.memory_space<vmem>>, vector<1600x72xi32>,
    return
  }
  func.func @transform_0(%arg0: i32) -> (i32, i32) {
    %c0_i32 = arith.constant 0 : i32
    %c0_i32_0 = arith.constant 0 : i32
    return %arg0, %c0_i32 : i32, i32
  }
  func.func @transform_1(%arg0: i32) -> (i32, i32) {
    %c0_i32 = arith.constant 0 : i32
    %c0_i32_0 = arith.constant 0 : i32
    %c0_i32_1 = arith.constant 0 : i32
    return %c0_i32, %c0_i32_0 : i32, i32
  }
  func.func @transform_2(%arg0: i32) -> (i32, i32) {
    %c0_i32 = arith.constant 0 : i32
    %c0_i32_0 = arith.constant 0 : i32
    %c0_i32_1 = arith.constant 0 : i32
    return %c0_i32, %c0_i32_0 : i32, i32
  }
  func.func @transform_3(%arg0: i32) -> (i32, i32) {
    %c0_i32 = arith.constant 0 : i32
    %c0_i32_0 = arith.constant 0 : i32
    %c0_i32_1 = arith.constant 0 : i32
    return %c0_i32, %c0_i32_0 : i32, i32
  }
  func.func @transform_4(%arg0: i32) -> (i32, i32) {
    %c0_i32 = arith.constant 0 : i32
    %c0_i32_0 = arith.constant 0 : i32
    %c0_i32_1 = arith.constant 0 : i32
    return %c0_i32, %c0_i32_0 : i32, i32
  }
  func.func @transform_5(%arg0: i32) -> (i32, i32, i32) {
    %c0_i32 = arith.constant 0 : i32
    %c0_i32_0 = arith.constant 0 : i32
    %c0_i32_1 = arith.constant 0 : i32
    return %arg0, %c0_i32, %c0_i32_0 : i32, i32, i32
  }
  func.func @transform_6(%arg0: i32) -> (i32, i32) {
    %c0_i32 = arith.constant 0 : i32
    %c0_i32_0 = arith.constant 0 : i32
    return %arg0, %c0_i32 : i32, i32
  }
}

</mosaic_0001>

<sc_bundles>
// kernel: kernel.5.cloned.1.call-start
scs
__scs_entry_jumppad:
0x0: {  	(pc) =	sbr.rel $0x88, $3  }
0x1: {  	(tag) =	ssettag $0x0;
	lr =	simm.s32 $0x1  }
0x2: {  	[smem:$0x3F9B] =	sst lr;
	_ =	strace $0xD0000000  }
0x3: {  	_ = 	snop  }
0x4: {  	_ = 	snop  }
0x5: {  	_ = 	snop  }
0x6: {  	_ = 	snop  }
0x7: {  	_ = 	snop  }
__scs_overlays_trampoline_lowered:
0x8: {  	[smem:$0x3FAA] =	sst s0  }
0x9: {  	[smem:$0x3FAB] =	sst s1  }
0xa: {  	[smem:$0x3FAC] =	sst s2  }
0xb: {  	[smem:$0x3FAD] =	sst s3  }
0xc: {  	[smem:$0x3FAE] =	sst s4  }
0xd: {  	[smem:$0x3FAF] =	sst s5  }
0xe: {  	[smem:$0x3FB0] =	sst s6  }
0xf: {  	[smem:$0x3FB1] =	sst s7  }
0x10: {  	[smem:$0x3FB2] =	sst s8  }
0x11: {  	[smem:$0x3FB3] =	sst s9;
	s0 =	simm.s32 @!p0 $0x0  }
0x12: {  	s1 =	sld [smem:$0x3F99];
	s0 =	simm.s32 @p0 $0x1  }
0x13: {  	[smem:$0x3FB4] =	sst s0;
	s0 =	simm.s32 @!p1 $0x0  }
0x14: {  	s2 =	sld [smem:$0x3F98];
	s0 =	simm.s32 @p1 $0x1  }
0x15: {  	[smem:$0x3FB5] =	sst s0;
	s0 =	simm.s32 @!p2 $0x0  }
0x16: {  	s3 =	sld [smem:$0x3FDB];
	s0 =	simm.s32 @p2 $0x1  }
0x17: {  	s4 =	simm.s32 $0x1BF5;
	[smem:$0x3FB7] =	sst s0  }
0x18: {  	s0 =	sld [smem:$0x3F9A];
	_ =	swait.ge [sflag:s4], $0x0  }
0x19: {  	s7 =	sld [smem:$0x3F9B]  }
0x1a: {  	s8 =	sadd.s32 $0xFFFFE003, lr  }
0x1b: {  	s9 =	sadd.s32 $0xFFFFFEF7, lr;
	s5 =	simm.s32 $0xFFFFFFFF;
	p2 =	slt.u32 s8, $0xFFFFF086  }
0x1c: {  	p1 =	slt.u32 s9, $0xF7A;
	s5 =	simm.s32 @!p2 $0x0  }
0x1d: {  	s5 =	simm.s32 @p1 $0x1;
	p0 =	seq.s32 s7, s2  }
0x1e: {  	s7 =	smul.u32 @!p0 $0xF7A, s2;
	p2 =	seq.s32 @!p0 s5, $0x0  }
0x1f: {  	s9 =	smul.u32 $0xF7A, s1;
	s8 =	simm.s32 @!p0 $0x1BF5;
	p2 =	por !p2, p0  }
0x20: {  	[sflag:s8] =	ssyncset.s32 @!p0 $0xFFFFF086;
	s6 =	sadd.s32 @!p0 s3, s7;
	s7 =	simm.s32 @!p0 $0x108  }
0x21: {  	s3 =	sadd.s32 s3, s9;
	s6 =	sadd.s32 @!p0 $0x88, s6;
	s7 =	simm.s32 @p2 $0x1082  }
0x22: {  	[simem:s7], [sflag:s8] =	dma.local @!p0 [hbm:s6], $0xF7A  }
0x23: {  	s9 =	sor.u32 $0xD0000000, s2;
	s6 =	simm.s32 $0x108;
	_ =	swait.ge @!p0 [sflag:s8], $0x0  }
0x24: {  	s3 =	sadd.s32 $0x88, s3;
	s6 =	simm.s32 @!p1 $0x1082;
	[sflag:s4] =	ssyncset.s32 $0xFFFFF086  }
0x25: {  	[simem:s6], [sflag:s4] =	dma.local [hbm:s3], $0xF7A  }
0x26: {  	[smem:$0x3F9B] =	sst s1;
	(tag) =	ssettag s2;
	_ =	strace s9  }
0x27: {  	s1 =	sld [smem:$0x3FAB]  }
0x28: {  	s2 =	sld [smem:$0x3FAC]  }
0x29: {  	s4 =	sld [smem:$0x3FAE]  }
0x2a: {  	p0 =	seq.s32 s5, $0x0;
	s5 =	sld [smem:$0x3FAF]  }
0x2b: {  	s6 =	sld [smem:$0x3FB0]  }
0x2c: {  	s7 =	sld [smem:$0x3FB1]  }
0x2d: {  	s3 =	simm.s32 $0x108;
	s8 =	sld [smem:$0x3FB2]  }
0x2e: {  	s3 =	simm.s32 @!p0 $0x1082;
	s9 =	sld [smem:$0x3FB3]  }
0x2f: {  	lr =	sadd.s32 s0, s3;
	s0 =	sld [smem:$0x3FAA]  }
0x30: {  	s3 =	sld [smem:$0x3FAD]  }
0x31: {  	[smem:$0x3FB6] =	sst s10  }
0x32: {  	s10 =	sld [smem:$0x3FB4];
	_ =	sdelay $0x3  }
0x33: {  	p0 =	seq.s32 s10, $0x1;
	s10 =	sld [smem:$0x3FB6];
	_ =	sdelay $0x3  }
0x34: {  	[smem:$0x3FB6] =	sst s10  }
0x35: {  	s10 =	sld [smem:$0x3FB5];
	_ =	sdelay $0x3  }
0x36: {  	p1 =	seq.s32 s10, $0x1;
	s10 =	sld [smem:$0x3FB6];
	_ =	sdelay $0x3  }
0x37: {  	[smem:$0x3FB6] =	sst s10  }
0x38: {  	s10 =	sld [smem:$0x3FB7]  }
0x39: {  	_ = 	snop;
	(pc) =	sbr.ind lr, $3  }
0x3a: {  	_ = 	snop  }
0x3b: {  	_ = 	snop  }
0x3c: {  	p2 =	seq.s32 s10, $0x1;
	s10 =	sld [smem:$0x3FB6]  }
0x3d: {  	_ =	shalt  }
0x3e: {  	_ =	shalt  }
0x3f: {  	_ =	shalt  }
0x40: {  	_ =	shalt  }
0x41: {  	_ =	shalt  }
0x42: {  	_ =	shalt  }
0x43: {  	_ =	shalt  }
0x44: {  	_ =	shalt  }
0x45: {  	_ =	shalt  }
0x46: {  	_ =	shalt  }
0x47: {  	_ =	shalt  }
0x48: {  	_ =	shalt  }
0x49: {  	_ =	shalt  }
0x4a: {  	_ =	shalt  }
0x4b: {  	_ =	shalt  }
0x4c: {  	_ =	shalt  }
0x4d: {  	_ =	shalt  }
0x4e: {  	_ =	shalt  }
0x4f: {  	_ =	shalt  }
0x50: {  	_ =	shalt  }
0x51: {  	_ =	shalt  }
0x52: {  	_ =	shalt  }
0x53: {  	_ =	shalt  }
0x54: {  	_ =	shalt  }
0x55: {  	_ =	shalt  }
0x56: {  	_ =	shalt  }
0x57: {  	_ =	shalt  }
0x58: {  	_ =	shalt  }
0x59: {  	_ =	shalt  }
0x5a: {  	_ =	shalt  }
0x5b: {  	_ =	shalt  }
0x5c: {  	_ =	shalt  }
0x5d: {  	_ =	shalt  }
0x5e: {  	_ =	shalt  }
0x5f: {  	_ =	shalt  }
0x60: {  	_ =	shalt  }
0x61: {  	_ =	shalt  }
0x62: {  	_ =	shalt  }
0x63: {  	_ =	shalt  }
0x64: {  	_ =	shalt  }
0x65: {  	_ =	shalt  }
0x66: {  	_ =	shalt  }
0x67: {  	_ =	shalt  }
0x68: {  	_ =	shalt  }
0x69: {  	_ =	shalt  }
0x6a: {  	_ =	shalt  }
0x6b: {  	_ =	shalt  }
0x6c: {  	_ =	shalt  }
0x6d: {  	_ =	shalt  }
0x6e: {  	_ =	shalt  }
0x6f: {  	_ =	shalt  }
0x70: {  	_ =	shalt  }
0x71: {  	_ =	shalt  }
0x72: {  	_ =	shalt  }
0x73: {  	_ =	shalt  }
0x74: {  	_ =	shalt  }
0x75: {  	_ =	shalt  }
0x76: {  	_ =	shalt  }
0x77: {  	_ =	shalt  }
0x78: {  	_ =	shalt  }
0x79: {  	_ =	shalt  }
0x7a: {  	_ =	shalt  }
0x7b: {  	_ =	shalt  }
0x7c: {  	_ =	shalt  }
0x7d: {  	_ =	shalt  }
0x7e: {  	_ =	shalt  }
0x7f: {  	_ =	shalt  }
0x80: {  	_ =	shalt  }
0x81: {  	_ =	shalt  }
0x82: {  	_ =	shalt  }
0x83: {  	_ =	shalt  }
0x84: {  	_ =	shalt  }
0x85: {  	_ =	shalt  }
0x86: {  	_ =	shalt  }
0x87: {  	_ =	shalt  }
.Lfunc_end0:
.L_simem_size_0:
called_computation_lowered:
.L_overlay_start_0:
0x88: {  	s2 =	sld [smem:$0x3FD9]  }
0x89: {  	s3 =	sld [smem:$0x3FFE];
	_ =	sdelay $0x1  }
0x8a: {  	s1 =	srdreg.scid  }
0x8b: {  	s0 =	sand.u32 $0x1, s1  }
0x8c: {  	s14 =	sshll.u32 s0, $0xA;
	s2 =	sadd.s32 s3, s2  }
0x8d: {  	s2 =	sadd.s32 s2, s14  }
0x8e: {  	[smem:$0x3FC2] =	sst s2  }
0x8f: {  	_ = 	snop  }
0x90: {  	s2 =	sld [smem:$0x3FD0];
	_ =	sdelay $0x2  }
0x91: {  	s15 =	simm.s32 $0xA;
	s4 =	simm.s32 $0x10  }
0x92: {  	[smem:s4], [sflag:s15] =	dma.local [hbm:s2], $0x1  }
0x93: {  	_ =	swait.eq [sflag:s15], $0x1  }
0x94: {  	[sflag:s15] =	ssyncset.done $0x0  }
0x95: {  	[sflag:s15] =	ssyncadd.s32 $0xFFFFFFFF  }
0x96: {  	s16 =	sld [smem:$0x12];
	(tm) =	ssettm $0x1  }
0x97: {  	s17 =	sld [smem:$0x3FFB];
	_ =	sdelay $0x3  }
0x98: {  	_ =	strace s17  }
0x99: {  	s3 =	sld [smem:$0x3FFC];
	_ =	sdelay $0x3  }
0x9a: {  	_ =	strace s3  }
0x9b: {  	s3 =	sld [smem:$0x3FFD];
	_ =	sdelay $0x3  }
0x9c: {  	_ =	strace s3  }
0x9d: {  	_ =	strace $0x8FFFFFFF  }
0x9e: {  	s18 =	sld [smem:$0x3FDB];
	_ =	sdelay $0x1  }
0x9f: {  	s19 =	simm.s32 $_scs_section_size  }
0xa0: {  	s5 =	simm.s32 $_size__tile_overlayer_lowered;
	s6 =	simm.s32 $_tile_overlayer_lowered  }
0xa1: {  	s22 =	simm.s32 $0x1BFF;
	s21 =	sshll.u32 s6, $0x1;
	s3 =	sadd.s32 s19, s18  }
0xa2: {  	s7 =	simm.s32 $0x0;
	s20 =	sshll.u32 s5, $0x1;
	s5 =	sadd.s32 s21, s3  }
0xa3: {  	[timem:s7], [sflag:s22] =	dma.local [hbm:s5], s20  }
0xa4: {  	_ =	swait.ge [sflag:s22], s20  }
0xa5: {  	s4 =	ssub.s32 $0x0, s20;
	[sflag:s22] =	ssyncset.done $0x0  }
0xa6: {  	[sflag:s22] =	ssyncadd.s32 s4;
	_ =	sdelay $0x1  }
0xa7: {  	s23 =	simm.s32 $0x1B8B  }
0xa8: {  	_ =	swait.ge [sflag:s23], $0x1  }
0xa9: {  	[sflag:s23] =	ssyncset.done $0x0  }
0xaa: {  	s25 =	simm.s32 $0x1B8E;
	s24 =	sld [smem:$0x3FFE];
	[sflag:s23] =	ssyncadd.s32 $0xFFFFFFFF  }
0xab: {  	s26 =	simm.s32 $execute0_lowered;
	[smem:$0x3FD2] =	sst s25  }
0xac: {  	s5 =	sshll.u32 s26, $0x1;
	_ =	strace $0x80000046;
	[dreg:$0x1] =	wrdreg $0xFFFFFFFF  }
0xad: {  	s28 =	simm.s32 $_size_execute0_lowered;
	s3 =	sadd.s32 s3, s5;
	[dreg:$0x0] =	wrdreg $0x0  }
0xae: {  	s5 =	sshll.u32 s28, $0x1;
	[dreg:$0x2] =	wrdreg s3  }
0xaf: {  	[dreg:$0x3] =	wrdreg s5  }
0xb0: {  	[dreg:$0x4] =	wrdreg $0xC0  }
0xb1: {  	_ =	task [dreg:s7], $0x5FFFF  }
0xb2: {  	[dreg:$0x1] =	wrdreg $0xFFFFFFFF  }
0xb3: {  	[dreg:$0x0] =	wrdreg $0x60  }
0xb4: {  	[dreg:$0x2] =	wrdreg s16  }
0xb5: {  	[dreg:$0x3] =	wrdreg s24  }
0xb6: {  	[dreg:$0x4] =	wrdreg $0x9  }
0xb7: {  	_ =	task.clear_ibuf [dreg:s7], $0x5FFFF;
	_ =	strace $0x90000046  }
0xb8: {  	s29 =	simm.s32 $0x9;
	_ =	strace $0x80000048  }
0xb9: {  	_ =	swait.ge [sflag:s29], $0x1  }
0xba: {  	[sflag:s29] =	ssyncadd.s32 $0xFFFFFFFF  }
0xbb: {  	_ =	strace $0x90000048  }
0xbc: {  	_ =	sfence  }
0xbd: {  	s30 =	sld [smem:$0x0];
	_ =	sdelay $0x2  }
0xbe: {  	s31 =	sshll.u32 s1, $0xD;
	s1 =	sshrl.u32 s1, $0x2  }
0xbf: {  	s3 =	sand.u32 $0x4000, s31;
	s1 =	sadd.s32 s1, s30  }
0xc0: {  	s0 =	sor.u32 s3, s0;
	s1 =	sshll.u32 s1, $0x11  }
0xc1: {  	s0 =	sor.u32 s1, s0  }
0xc2: {  	s0 =	sadd.s32 $0x8F2B, s0  }
0xc3: {  	[sflag:s0] =	ssyncadd.remote.s32 $0x1  }
0xc4: {  	_ =	sfence.sel $0xFFFF  }
0xc5: {  	[dreg:$0x0] =	wrdreg $0xFFFFFFFF;
	(pc) =	sbr.abs _section_cstart, $3  }
0xc6: {  	[dreg:$0x1] =	wrdreg $0xFFFFFFFF  }
0xc7: {  	_ =	task.clear_ibuf [dreg:s7], $0x2FFFF;
	_ =	strace $0x9FFFFFFF  }
0xc8: {  	(tm) =	ssettm $0x7FFFFFFF  }
0xc9: {  	_ =	shalt  }
tec
execute0_lowered:
.L_overlay_start_1:
0x0: {  	(tag) =	ssettag $0x1  }
0x1: {  	s3 =	rddreg [dreg:$0x0]  }
0x2: {  	s4 =	rddreg [dreg:$0x1]  }
0x3: {  	s0 =	rddreg [dreg:$0x2]  }
0x4: {  	s5 =	srdreg.scid;
	s1 =	stileid.u32;
	s2 =	simm.s32 $0x0  }
0x5: {  	s10 =	simm.s32 $0x1;
	s5 =	sand.u32 $0x1, s5;
	s6 =	sshll.u32 s1, $0x1  }
0x6: {  	s11 =	simm.s32 $0x2;
	s12 =	simm.s32 $0x0;
	s6 =	sor.u32 s5, s6  }
0x7: {  	[smem:$0x7FF] =	sst s2;
	s5 =	ssub.s32 $0x2, s5;
	s7 =	smul.u32 $0x1A000, s6  }
0x8: {  	s4 =	sadd.s32 $0x1600, s4;
	s8 =	smul.u32 $0x680, s6;
	s9 =	sshrl.u32 s5, $0x1  }
0x9: {  	_ =	strace $0x80000047;
	s6 =	smul.u32 $0x3400, s6;
	s9 =	ssub.s32 s5, s9  }
0xa: {  	s7 =	sshrl.u32 s7, $0x3;
	s3 =	sadd.s32 s3, s8;
	s8 =	simm.s32 $0x3400  }
0xb: {  	s31 =	sadd.s32 s4, s7;
	s4 =	sadd.s32 s4, s6;
	s6 =	smax.u32 s9, $0x1  }
0xc: {  	v0 =	vimm.f32 $0.0e+00;
	v1 =	vimm.f32 $1.000000000e+00;
	s7 =	simm.s32 $0x3;
	s9 =	simm.s32 $0x11400;
	s5 =	sadd.s32 $0x1C00, s31  }
.LBB2_1:
0xd: {  	[tilespmem:s2], [sflag:$0x3] =	stream.linear.gather [hbm4b:s3+s2], $0x3400, $0x38;
	[tilespmem:$0x1D400] =	vst v63  }
0xe: {  	s13 =	simm.s32 $0x20;
	_ =	swait.ge [sflag:s7], $0x3400  }
0xf: {  	s14 =	simm.s32 $0x0;
	s15 =	simm.s32 $0x0;
	[sflag:s7] =	ssyncset.done $0x0  }
0x10: {  	s16 =	simm.s32 $0x0;
	s17 =	simm.s32 $0x0;
	[sflag:s7] =	ssyncadd.s32 $0xFFFFCC00  }
.LBB2_2:
0x11: {  	s18 =	sand.u32 $0xE000, s16;
	s19 =	sand.u32 $0x380, s14  }
0x12: {  	s18 =	sor.u32 s19, s18  }
0x13: {  	[tilespmem:s18+$0x3400] =	vst v0  }
0x14: {  	[tilespmem:s18+$0x3410] =	vst v0  }
0x15: {  	[tilespmem:s18+$0x3420] =	vst v0  }
0x16: {  	[tilespmem:s18+$0x3430] =	vst v0  }
0x17: {  	[tilespmem:s18+$0x3440] =	vst v0  }
0x18: {  	[tilespmem:s18+$0x3450] =	vst v0  }
0x19: {  	[tilespmem:s18+$0x3460] =	vst v0  }
0x1a: {  	[tilespmem:s18+$0x3470] =	vst v0  }
0x1b: {  	[tilespmem:s18+$0x3800] =	vst v0  }
0x1c: {  	[tilespmem:s18+$0x3810] =	vst v0  }
0x1d: {  	[tilespmem:s18+$0x3820] =	vst v0  }
0x1e: {  	[tilespmem:s18+$0x3830] =	vst v0  }
0x1f: {  	[tilespmem:s18+$0x3840] =	vst v0  }
0x20: {  	[tilespmem:s18+$0x3850] =	vst v0  }
0x21: {  	[tilespmem:s18+$0x3860] =	vst v0  }
0x22: {  	[tilespmem:s18+$0x3870] =	vst v0  }
0x23: {  	[tilespmem:s18+$0x3C00] =	vst v0  }
0x24: {  	[tilespmem:s18+$0x3C10] =	vst v0  }
0x25: {  	[tilespmem:s18+$0x3C20] =	vst v0  }
0x26: {  	[tilespmem:s18+$0x3C30] =	vst v0  }
0x27: {  	[tilespmem:s18+$0x3C40] =	vst v0  }
0x28: {  	[tilespmem:s18+$0x3C50] =	vst v0  }
0x29: {  	[tilespmem:s18+$0x3C60] =	vst v0  }
0x2a: {  	[tilespmem:s18+$0x3C70] =	vst v0  }
0x2b: {  	[tilespmem:s18+$0x4000] =	vst v0  }
0x2c: {  	[tilespmem:s18+$0x4010] =	vst v0  }
0x2d: {  	[tilespmem:s18+$0x4020] =	vst v0  }
0x2e: {  	[tilespmem:s18+$0x4030] =	vst v0  }
0x2f: {  	[tilespmem:s18+$0x4040] =	vst v0  }
0x30: {  	[tilespmem:s18+$0x4050] =	vst v0  }
0x31: {  	[tilespmem:s18+$0x4060] =	vst v0  }
0x32: {  	[tilespmem:s18+$0x4070] =	vst v0  }
0x33: {  	[tilespmem:s18+$0x4400] =	vst v0  }
0x34: {  	[tilespmem:s18+$0x4410] =	vst v0  }
0x35: {  	[tilespmem:s18+$0x4420] =	vst v0  }
0x36: {  	[tilespmem:s18+$0x4430] =	vst v0  }
0x37: {  	[tilespmem:s18+$0x4440] =	vst v0  }
0x38: {  	[tilespmem:s18+$0x4450] =	vst v0  }
0x39: {  	[tilespmem:s18+$0x4460] =	vst v0  }
0x3a: {  	[tilespmem:s18+$0x4470] =	vst v0  }
0x3b: {  	[tilespmem:s18+$0x4800] =	vst v0  }
0x3c: {  	[tilespmem:s18+$0x4810] =	vst v0  }
0x3d: {  	[tilespmem:s18+$0x4820] =	vst v0  }
0x3e: {  	[tilespmem:s18+$0x4830] =	vst v0  }
0x3f: {  	[tilespmem:s18+$0x4840] =	vst v0  }
0x40: {  	[tilespmem:s18+$0x4850] =	vst v0  }
0x41: {  	[tilespmem:s18+$0x4860] =	vst v0  }
0x42: {  	[tilespmem:s18+$0x4870] =	vst v0  }
0x43: {  	[tilespmem:s18+$0x4C00] =	vst v0  }
0x44: {  	[tilespmem:s18+$0x4C10] =	vst v0  }
0x45: {  	[tilespmem:s18+$0x4C20] =	vst v0  }
0x46: {  	[tilespmem:s18+$0x4C30] =	vst v0  }
0x47: {  	s22 =	sand.u32 $0x7, s15;
	[tilespmem:s18+$0x4C40] =	vst v0  }
0x48: {  	s19 =	sshll.u32 s22, $0x7;
	[tilespmem:s18+$0x4C50] =	vst v0  }
0x49: {  	[tilespmem:s18+$0x4C60] =	vst v0;
	s19 =	sadd.s32 s19, s16  }
0x4a: {  	[tilespmem:s18+$0x4C70] =	vst v0;
	s23 =	sor.u32 $0x1C00, s19  }
0x4b: {  	s24 =	sor.u32 $0x1C10, s19;
	[tilespmem:s23+$0x3400] =	vst v0  }
0x4c: {  	s25 =	sor.u32 $0x1C20, s19;
	[tilespmem:s24+$0x3400] =	vst v0  }
0x4d: {  	s26 =	sor.u32 $0x1C30, s19;
	[tilespmem:s25+$0x3400] =	vst v0  }
0x4e: {  	s28 =	sor.u32 $0x1C40, s19;
	[tilespmem:s26+$0x3400] =	vst v0  }
0x4f: {  	s29 =	sor.u32 $0x1C50, s19;
	[tilespmem:s28+$0x3400] =	vst v0  }
0x50: {  	s30 =	sor.u32 $0x1C60, s19;
	[tilespmem:s29+$0x3400] =	vst v0  }
0x51: {  	s31 =	sor.u32 $0x1C70, s19;
	[tilespmem:s30+$0x3400] =	vst v0  }
0x52: {  	[tilespmem:s31+$0x3400] =	vst v0  }
0x53: {  	v2 =	vld [tilespmem:s13+$0xFFFFFFE0];
	_ =	sdelay $0x3  }
0x54: {  	v3 =	vmov s17  }
0x55: {  	v4 =	vshll.u32 v3, $0xA;
	v5 =	vshll.u32 v2, $0x3  }
0x56: {  	v4 =	vand.u32 $0xE000, v4;
	v5 =	vand.u32 $0xFFFFFC00, v5  }
0x57: {  	v3 =	vshll.u32 v3, $0x7;
	v6 =	vand.u32 $0x7F, v2;
	v5 =	vadd.s32 v4, v5  }
0x58: {  	vm0 =	vlt.s32 v2, $0x400;
	v2 =	vand.u32 $0x380, v3;
	v3 =	vor.u32 v6, v5  }
0x59: {  	v3 =	vor.u32 v2, v3;
	_ =	sdelay $0x4  }
0x5a: {  	[tilespmem:v3+s8+$0x0] =	vst.idx.add.f32.msk vm0, v1  }
0x5b: {  	v3 =	vld [tilespmem:s13+$0xFFFFFFF0];
	_ =	sdelay $0x4  }
0x5c: {  	v58 =	vshll.u32 v3, $0x3  }
0x5d: {  	v5 =	vand.u32 $0xFFFFFC00, v58  }
0x5e: {  	v59 =	vand.u32 $0x7F, v3;
	v5 =	vadd.s32 v4, v5  }
0x5f: {  	vm13 =	vlt.s32 v3, $0x400;
	v3 =	vor.u32 v59, v5  }
0x60: {  	v3 =	vor.u32 v2, v3;
	_ =	sdelay $0x4  }
0x61: {  	[tilespmem:v3+s8+$0x0] =	vst.idx.add.f32.msk vm13, v1  }
0x62: {  	v3 =	vld [tilespmem:s13+$0x0];
	_ =	sdelay $0x4  }
0x63: {  	v60 =	vshll.u32 v3, $0x3  }
0x64: {  	v5 =	vand.u32 $0xFFFFFC00, v60  }
0x65: {  	v61 =	vand.u32 $0x7F, v3;
	v5 =	vadd.s32 v4, v5  }
0x66: {  	vm14 =	vlt.s32 v3, $0x400;
	v3 =	vor.u32 v61, v5  }
0x67: {  	v3 =	vor.u32 v2, v3;
	_ =	sdelay $0x4  }
0x68: {  	[tilespmem:v3+s8+$0x0] =	vst.idx.add.f32.msk vm14, v1  }
0x69: {  	v3 =	vld [tilespmem:s13+$0x10];
	_ =	sdelay $0x4  }
0x6a: {  	v62 =	vshll.u32 v3, $0x3  }
0x6b: {  	v5 =	vand.u32 $0xFFFFFC00, v62  }
0x6c: {  	v63 =	vand.u32 $0x7F, v3;
	v4 =	vadd.s32 v4, v5  }
0x6d: {  	vm15 =	vlt.s32 v3, $0x400;
	v3 =	vor.u32 v63, v4  }
0x6e: {  	p0 =	sne.s32 s17, $0x37;
	v2 =	vor.u32 v2, v3  }
.Ltmp0:
0x6f: {  	_ = 	snop;
	(pc) =	sbr.rel @p0 .LBB2_2-.Ltmp0, $3  }
0x70: {  	_ =	sdelay $0x1  }
0x71: {  	s15 =	sadd.s32 $0x1, s15;
	s14 =	sadd.s32 $0x80, s14  }
0x72: {  	s17 =	sadd.s32 $0x1, s17;
	s16 =	sadd.s32 $0x400, s16;
	s13 =	sadd.s32 $0x80, s13;
	[tilespmem:v2+s8+$0x0] =	vst.idx.add.f32.msk vm15, v1  }
0x73: {  	s13 =	simm.s32 $0x0;
	s14 =	simm.s32 $0x38  }
0x74: {  	s15 =	simm.s32 $0x1C00;
	s16 =	simm.s32 $0x1C30;
	s17 =	simm.s32 $0x0  }
0x75: {  	[hbm4b:s4+s13] =	stream.linear.scatter [tilespmem:s8], [sflag:$0x1], $0xE000, $0x38;
	[tilespmem:$0x1D400] =	vst v63  }
.LBB2_4:
0x76: {  	s18 =	sadd.s32 $0xE000, s17  }
0x77: {  	s20 =	sand.u32 $0x380, s15;
	s19 =	sand.u32 $0x1E000, s18  }
0x78: {  	s19 =	sor.u32 s20, s19  }
0x79: {  	[tilespmem:s19+$0x3400] =	vst v0  }
0x7a: {  	[tilespmem:s19+$0x3410] =	vst v0  }
0x7b: {  	[tilespmem:s19+$0x3420] =	vst v0  }
0x7c: {  	[tilespmem:s19+$0x3430] =	vst v0  }
0x7d: {  	[tilespmem:s19+$0x3440] =	vst v0  }
0x7e: {  	[tilespmem:s19+$0x3450] =	vst v0  }
0x7f: {  	[tilespmem:s19+$0x3460] =	vst v0  }
0x80: {  	[tilespmem:s19+$0x3470] =	vst v0  }
0x81: {  	[tilespmem:s19+$0x3800] =	vst v0  }
0x82: {  	[tilespmem:s19+$0x3810] =	vst v0  }
0x83: {  	[tilespmem:s19+$0x3820] =	vst v0  }
0x84: {  	[tilespmem:s19+$0x3830] =	vst v0  }
0x85: {  	[tilespmem:s19+$0x3840] =	vst v0  }
0x86: {  	[tilespmem:s19+$0x3850] =	vst v0  }
0x87: {  	[tilespmem:s19+$0x3860] =	vst v0  }
0x88: {  	[tilespmem:s19+$0x3870] =	vst v0  }
0x89: {  	[tilespmem:s19+$0x3C00] =	vst v0  }
0x8a: {  	[tilespmem:s19+$0x3C10] =	vst v0  }
0x8b: {  	[tilespmem:s19+$0x3C20] =	vst v0  }
0x8c: {  	[tilespmem:s19+$0x3C30] =	vst v0  }
0x8d: {  	[tilespmem:s19+$0x3C40] =	vst v0  }
0x8e: {  	[tilespmem:s19+$0x3C50] =	vst v0  }
0x8f: {  	[tilespmem:s19+$0x3C60] =	vst v0  }
0x90: {  	[tilespmem:s19+$0x3C70] =	vst v0  }
0x91: {  	[tilespmem:s19+$0x4000] =	vst v0  }
0x92: {  	[tilespmem:s19+$0x4010] =	vst v0  }
0x93: {  	[tilespmem:s19+$0x4020] =	vst v0  }
0x94: {  	[tilespmem:s19+$0x4030] =	vst v0  }
0x95: {  	[tilespmem:s19+$0x4040] =	vst v0  }
0x96: {  	[tilespmem:s19+$0x4050] =	vst v0  }
0x97: {  	[tilespmem:s19+$0x4060] =	vst v0  }
0x98: {  	[tilespmem:s19+$0x4070] =	vst v0  }
0x99: {  	[tilespmem:s19+$0x4400] =	vst v0  }
0x9a: {  	[tilespmem:s19+$0x4410] =	vst v0  }
0x9b: {  	[tilespmem:s19+$0x4420] =	vst v0  }
0x9c: {  	[tilespmem:s19+$0x4430] =	vst v0  }
0x9d: {  	[tilespmem:s19+$0x4440] =	vst v0  }
0x9e: {  	[tilespmem:s19+$0x4450] =	vst v0  }
0x9f: {  	[tilespmem:s19+$0x4460] =	vst v0  }
0xa0: {  	[tilespmem:s19+$0x4470] =	vst v0  }
0xa1: {  	[tilespmem:s19+$0x4800] =	vst v0  }
0xa2: {  	[tilespmem:s19+$0x4810] =	vst v0  }
0xa3: {  	[tilespmem:s19+$0x4820] =	vst v0  }
0xa4: {  	[tilespmem:s19+$0x4830] =	vst v0  }
0xa5: {  	[tilespmem:s19+$0x4840] =	vst v0  }
0xa6: {  	[tilespmem:s19+$0x4850] =	vst v0  }
0xa7: {  	[tilespmem:s19+$0x4860] =	vst v0  }
0xa8: {  	[tilespmem:s19+$0x4870] =	vst v0  }
0xa9: {  	[tilespmem:s19+$0x4C00] =	vst v0  }
0xaa: {  	[tilespmem:s19+$0x4C10] =	vst v0  }
0xab: {  	[tilespmem:s19+$0x4C20] =	vst v0  }
0xac: {  	[tilespmem:s19+$0x4C30] =	vst v0  }
0xad: {  	s23 =	sand.u32 $0x7, s13;
	[tilespmem:s19+$0x4C40] =	vst v0  }
0xae: {  	s20 =	sshll.u32 s23, $0x7;
	[tilespmem:s19+$0x4C50] =	vst v0  }
0xaf: {  	[tilespmem:s19+$0x4C60] =	vst v0;
	s18 =	sadd.s32 s20, s18  }
0xb0: {  	[tilespmem:s19+$0x4C70] =	vst v0;
	s24 =	sor.u32 $0x1C00, s18  }
0xb1: {  	s25 =	sor.u32 $0x1C10, s18;
	[tilespmem:s24+$0x3400] =	vst v0  }
0xb2: {  	s26 =	sor.u32 $0x1C20, s18;
	[tilespmem:s25+$0x3400] =	vst v0  }
0xb3: {  	s28 =	sor.u32 $0x1C30, s18;
	[tilespmem:s26+$0x3400] =	vst v0  }
0xb4: {  	s29 =	sor.u32 $0x1C40, s18;
	[tilespmem:s28+$0x3400] =	vst v0  }
0xb5: {  	s30 =	sor.u32 $0x1C50, s18;
	[tilespmem:s29+$0x3400] =	vst v0  }
0xb6: {  	s31 =	sor.u32 $0x1C60, s18;
	[tilespmem:s30+$0x3400] =	vst v0  }
0xb7: {  	s18 =	sor.u32 $0x1C70, s18;
	[tilespmem:s31+$0x3400] =	vst v0  }
0xb8: {  	[tilespmem:s18+$0x3400] =	vst v0  }
0xb9: {  	v2 =	vld [tilespmem:s16+$0xFFFFFFD0];
	_ =	sdelay $0x3  }
0xba: {  	v3 =	vmov s14  }
0xbb: {  	v4 =	vshll.u32 v3, $0xA;
	v5 =	vshll.u32 v2, $0x3  }
0xbc: {  	v4 =	vand.u32 $0x1E000, v4;
	v5 =	vand.u32 $0xFFFFFC00, v5  }
0xbd: {  	v3 =	vshll.u32 v3, $0x7;
	v6 =	vand.u32 $0x7F, v2;
	v5 =	vadd.s32 v4, v5  }
0xbe: {  	vm0 =	vlt.s32 v2, $0x400;
	v2 =	vand.u32 $0x380, v3;
	v3 =	vor.u32 v6, v5  }
0xbf: {  	v3 =	vor.u32 v2, v3;
	_ =	sdelay $0x4  }
0xc0: {  	[tilespmem:v3+s8+$0x0] =	vst.idx.add.f32.msk vm0, v1  }
0xc1: {  	v3 =	vld [tilespmem:s16+$0xFFFFFFE0];
	_ =	sdelay $0x4  }
0xc2: {  	v58 =	vshll.u32 v3, $0x3  }
0xc3: {  	v5 =	vand.u32 $0xFFFFFC00, v58  }
0xc4: {  	v59 =	vand.u32 $0x7F, v3;
	v5 =	vadd.s32 v4, v5  }
0xc5: {  	vm13 =	vlt.s32 v3, $0x400;
	v3 =	vor.u32 v59, v5  }
0xc6: {  	v3 =	vor.u32 v2, v3;
	_ =	sdelay $0x4  }
0xc7: {  	[tilespmem:v3+s8+$0x0] =	vst.idx.add.f32.msk vm13, v1  }
0xc8: {  	v3 =	vld [tilespmem:s16+$0xFFFFFFF0];
	_ =	sdelay $0x4  }
0xc9: {  	v60 =	vshll.u32 v3, $0x3  }
0xca: {  	v5 =	vand.u32 $0xFFFFFC00, v60  }
0xcb: {  	v61 =	vand.u32 $0x7F, v3;
	v5 =	vadd.s32 v4, v5  }
0xcc: {  	vm14 =	vlt.s32 v3, $0x400;
	v3 =	vor.u32 v61, v5  }
0xcd: {  	v3 =	vor.u32 v2, v3;
	_ =	sdelay $0x4  }
0xce: {  	[tilespmem:v3+s8+$0x0] =	vst.idx.add.f32.msk vm14, v1  }
0xcf: {  	v3 =	vld [tilespmem:s16+$0x0];
	_ =	sdelay $0x4  }
0xd0: {  	v62 =	vshll.u32 v3, $0x3  }
0xd1: {  	v5 =	vand.u32 $0xFFFFFC00, v62  }
0xd2: {  	v63 =	vand.u32 $0x7F, v3;
	v4 =	vadd.s32 v4, v5  }
0xd3: {  	vm15 =	vlt.s32 v3, $0x400;
	v3 =	vor.u32 v63, v4  }
0xd4: {  	p0 =	sne.s32 s15, $0x3380;
	v2 =	vor.u32 v2, v3  }
.Ltmp1:
0xd5: {  	_ = 	snop;
	(pc) =	sbr.rel @p0 .LBB2_4-.Ltmp1, $3  }
0xd6: {  	_ =	sdelay $0x1  }
0xd7: {  	s14 =	sadd.s32 $0x1, s14;
	s17 =	sadd.s32 $0x400, s17  }
0xd8: {  	s13 =	sadd.s32 $0x1, s13;
	s15 =	sadd.s32 $0x80, s15;
	s16 =	sadd.s32 $0x80, s16;
	[tilespmem:v2+s8+$0x0] =	vst.idx.add.f32.msk vm15, v1  }
0xd9: {  	[hbm4b:s5+s2] =	stream.linear.scatter [tilespmem:s9], [sflag:$0x2], $0xC000, $0x38;
	[tilespmem:$0x1D400] =	vst v63  }
0xda: {  	s12 =	sadd.s32 $0x1, s12  }
0xdb: {  	_ =	swait.ge [sflag:s10], $0xE000;
	p0 =	sne.s32 s12, s6  }
.Ltmp2:
0xdc: {  	[sflag:s10] =	ssyncset.done $0x0;
	(pc) =	sbr.rel @p0 .LBB2_1-.Ltmp2, $4  }
0xdd: {  	[sflag:s10] =	ssyncadd.s32 $0xFFFF2000  }
0xde: {  	_ =	swait.ge [sflag:s11], $0xC000  }
0xdf: {  	[sflag:s11] =	ssyncset.done $0x0  }
0xe0: {  	[sflag:s11] =	ssyncadd.s32 $0xFFFF4000  }
0xe1: {  	_ =	sfence.sel $0x180000  }
0xe2: {  	[bflag:$0x0] =	sbarrier.arrive $0xFFFF  }
0xe3: {  	p0 =	sne.s32 s1, $0x0;
	_ =	strace $0x90000047  }
0xe4: {  	s0 =	sadd.s32 @!p0 $0x100000, s0;
	[bflag:$0x2] =	sbarrier.arrive $0xFFFF  }
0xe5: {  	[sflag:s0] =	ssyncadd.tile.s32 @!p0 $0x1;
	_ =	shalt  }
.Lfunc_end2:
_tile_overlayer_lowered:
.L_overlay_start_2:
0xe6: {  	(tag) =	ssettag $0x2  }
0xe7: {  	s0 =	rddreg [dreg:$0x0];
	s2 =	stileid.u32  }
0xe8: {  	s1 =	rddreg [dreg:$0x1];
	p0 =	sne.s32 s2, $0x0  }
0xe9: {  	s3 =	rddreg [dreg:$0x2];
	[bflag:$0x3] =	sbarrier.arrive $0xFFFF;
	s2 =	simm.s32 @!p0 $0x1C03  }
0xea: {  	[timem:s3], [sflag:s2] =	dma.local @!p0 [hbm:s0], s1  }
0xeb: {  	s0 =	simm.s32 @!p0 $0x3  }
0xec: {  	_ =	swait.ge @!p0 [sflag:s0], s1  }
0xed: {  	s1 =	ssub.s32 @!p0 $0x0, s1;
	[sflag:s0] =	ssyncset.done @!p0 $0x0  }
0xee: {  	[sflag:s0] =	ssyncadd.s32 @!p0 s1  }
0xef: {  	[bflag:$0x3] =	sbarrier.arrive $0xFFFF  }
0xf0: {  	_ =	shalt  }

// kernel: kernel.8.cloned.1.call-start
scs
__scs_entry_jumppad:
0x0: {  	(pc) =	sbr.rel $0x88, $3  }
0x1: {  	(tag) =	ssettag $0x0;
	lr =	simm.s32 $0x1  }
0x2: {  	[smem:$0x3F9B] =	sst lr;
	_ =	strace $0xD0000000  }
0x3: {  	_ = 	snop  }
0x4: {  	_ = 	snop  }
0x5: {  	_ = 	snop  }
0x6: {  	_ = 	snop  }
0x7: {  	_ = 	snop  }
__scs_overlays_trampoline_lowered:
0x8: {  	[smem:$0x3FAA] =	sst s0  }
0x9: {  	[smem:$0x3FAB] =	sst s1  }
0xa: {  	[smem:$0x3FAC] =	sst s2  }
0xb: {  	[smem:$0x3FAD] =	sst s3  }
0xc: {  	[smem:$0x3FAE] =	sst s4  }
0xd: {  	[smem:$0x3FAF] =	sst s5  }
0xe: {  	[smem:$0x3FB0] =	sst s6  }
0xf: {  	[smem:$0x3FB1] =	sst s7  }
0x10: {  	[smem:$0x3FB2] =	sst s8  }
0x11: {  	[smem:$0x3FB3] =	sst s9;
	s0 =	simm.s32 @!p0 $0x0  }
0x12: {  	s1 =	sld [smem:$0x3F99];
	s0 =	simm.s32 @p0 $0x1  }
0x13: {  	[smem:$0x3FB4] =	sst s0;
	s0 =	simm.s32 @!p1 $0x0  }
0x14: {  	s2 =	sld [smem:$0x3F98];
	s0 =	simm.s32 @p1 $0x1  }
0x15: {  	[smem:$0x3FB5] =	sst s0;
	s0 =	simm.s32 @!p2 $0x0  }
0x16: {  	s3 =	sld [smem:$0x3FDB];
	s0 =	simm.s32 @p2 $0x1  }
0x17: {  	s4 =	simm.s32 $0x1BF5;
	[smem:$0x3FB7] =	sst s0  }
0x18: {  	s0 =	sld [smem:$0x3F9A];
	_ =	swait.ge [sflag:s4], $0x0  }
0x19: {  	s7 =	sld [smem:$0x3F9B]  }
0x1a: {  	s8 =	sadd.s32 $0xFFFFE003, lr  }
0x1b: {  	s9 =	sadd.s32 $0xFFFFFEF7, lr;
	s5 =	simm.s32 $0xFFFFFFFF;
	p2 =	slt.u32 s8, $0xFFFFF086  }
0x1c: {  	p1 =	slt.u32 s9, $0xF7A;
	s5 =	simm.s32 @!p2 $0x0  }
0x1d: {  	s5 =	simm.s32 @p1 $0x1;
	p0 =	seq.s32 s7, s2  }
0x1e: {  	s7 =	smul.u32 @!p0 $0xF7A, s2;
	p2 =	seq.s32 @!p0 s5, $0x0  }
0x1f: {  	s9 =	smul.u32 $0xF7A, s1;
	s8 =	simm.s32 @!p0 $0x1BF5;
	p2 =	por !p2, p0  }
0x20: {  	[sflag:s8] =	ssyncset.s32 @!p0 $0xFFFFF086;
	s6 =	sadd.s32 @!p0 s3, s7;
	s7 =	simm.s32 @!p0 $0x108  }
0x21: {  	s3 =	sadd.s32 s3, s9;
	s6 =	sadd.s32 @!p0 $0x88, s6;
	s7 =	simm.s32 @p2 $0x1082  }
0x22: {  	[simem:s7], [sflag:s8] =	dma.local @!p0 [hbm:s6], $0xF7A  }
0x23: {  	s9 =	sor.u32 $0xD0000000, s2;
	s6 =	simm.s32 $0x108;
	_ =	swait.ge @!p0 [sflag:s8], $0x0  }
0x24: {  	s3 =	sadd.s32 $0x88, s3;
	s6 =	simm.s32 @!p1 $0x1082;
	[sflag:s4] =	ssyncset.s32 $0xFFFFF086  }
0x25: {  	[simem:s6], [sflag:s4] =	dma.local [hbm:s3], $0xF7A  }
0x26: {  	[smem:$0x3F9B] =	sst s1;
	(tag) =	ssettag s2;
	_ =	strace s9  }
0x27: {  	s1 =	sld [smem:$0x3FAB]  }
0x28: {  	s2 =	sld [smem:$0x3FAC]  }
0x29: {  	s4 =	sld [smem:$0x3FAE]  }
0x2a: {  	p0 =	seq.s32 s5, $0x0;
	s5 =	sld [smem:$0x3FAF]  }
0x2b: {  	s6 =	sld [smem:$0x3FB0]  }
0x2c: {  	s7 =	sld [smem:$0x3FB1]  }
0x2d: {  	s3 =	simm.s32 $0x108;
	s8 =	sld [smem:$0x3FB2]  }
0x2e: {  	s3 =	simm.s32 @!p0 $0x1082;
	s9 =	sld [smem:$0x3FB3]  }
0x2f: {  	lr =	sadd.s32 s0, s3;
	s0 =	sld [smem:$0x3FAA]  }
0x30: {  	s3 =	sld [smem:$0x3FAD]  }
0x31: {  	[smem:$0x3FB6] =	sst s10  }
0x32: {  	s10 =	sld [smem:$0x3FB4];
	_ =	sdelay $0x3  }
0x33: {  	p0 =	seq.s32 s10, $0x1;
	s10 =	sld [smem:$0x3FB6];
	_ =	sdelay $0x3  }
0x34: {  	[smem:$0x3FB6] =	sst s10  }
0x35: {  	s10 =	sld [smem:$0x3FB5];
	_ =	sdelay $0x3  }
0x36: {  	p1 =	seq.s32 s10, $0x1;
	s10 =	sld [smem:$0x3FB6];
	_ =	sdelay $0x3  }
0x37: {  	[smem:$0x3FB6] =	sst s10  }
0x38: {  	s10 =	sld [smem:$0x3FB7]  }
0x39: {  	_ = 	snop;
	(pc) =	sbr.ind lr, $3  }
0x3a: {  	_ = 	snop  }
0x3b: {  	_ = 	snop  }
0x3c: {  	p2 =	seq.s32 s10, $0x1;
	s10 =	sld [smem:$0x3FB6]  }
0x3d: {  	_ =	shalt  }
0x3e: {  	_ =	shalt  }
0x3f: {  	_ =	shalt  }
0x40: {  	_ =	shalt  }
0x41: {  	_ =	shalt  }
0x42: {  	_ =	shalt  }
0x43: {  	_ =	shalt  }
0x44: {  	_ =	shalt  }
0x45: {  	_ =	shalt  }
0x46: {  	_ =	shalt  }
0x47: {  	_ =	shalt  }
0x48: {  	_ =	shalt  }
0x49: {  	_ =	shalt  }
0x4a: {  	_ =	shalt  }
0x4b: {  	_ =	shalt  }
0x4c: {  	_ =	shalt  }
0x4d: {  	_ =	shalt  }
0x4e: {  	_ =	shalt  }
0x4f: {  	_ =	shalt  }
0x50: {  	_ =	shalt  }
0x51: {  	_ =	shalt  }
0x52: {  	_ =	shalt  }
0x53: {  	_ =	shalt  }
0x54: {  	_ =	shalt  }
0x55: {  	_ =	shalt  }
0x56: {  	_ =	shalt  }
0x57: {  	_ =	shalt  }
0x58: {  	_ =	shalt  }
0x59: {  	_ =	shalt  }
0x5a: {  	_ =	shalt  }
0x5b: {  	_ =	shalt  }
0x5c: {  	_ =	shalt  }
0x5d: {  	_ =	shalt  }
0x5e: {  	_ =	shalt  }
0x5f: {  	_ =	shalt  }
0x60: {  	_ =	shalt  }
0x61: {  	_ =	shalt  }
0x62: {  	_ =	shalt  }
0x63: {  	_ =	shalt  }
0x64: {  	_ =	shalt  }
0x65: {  	_ =	shalt  }
0x66: {  	_ =	shalt  }
0x67: {  	_ =	shalt  }
0x68: {  	_ =	shalt  }
0x69: {  	_ =	shalt  }
0x6a: {  	_ =	shalt  }
0x6b: {  	_ =	shalt  }
0x6c: {  	_ =	shalt  }
0x6d: {  	_ =	shalt  }
0x6e: {  	_ =	shalt  }
0x6f: {  	_ =	shalt  }
0x70: {  	_ =	shalt  }
0x71: {  	_ =	shalt  }
0x72: {  	_ =	shalt  }
0x73: {  	_ =	shalt  }
0x74: {  	_ =	shalt  }
0x75: {  	_ =	shalt  }
0x76: {  	_ =	shalt  }
0x77: {  	_ =	shalt  }
0x78: {  	_ =	shalt  }
0x79: {  	_ =	shalt  }
0x7a: {  	_ =	shalt  }
0x7b: {  	_ =	shalt  }
0x7c: {  	_ =	shalt  }
0x7d: {  	_ =	shalt  }
0x7e: {  	_ =	shalt  }
0x7f: {  	_ =	shalt  }
0x80: {  	_ =	shalt  }
0x81: {  	_ =	shalt  }
0x82: {  	_ =	shalt  }
0x83: {  	_ =	shalt  }
0x84: {  	_ =	shalt  }
0x85: {  	_ =	shalt  }
0x86: {  	_ =	shalt  }
0x87: {  	_ =	shalt  }
.Lfunc_end0:
.L_simem_size_0:
called_computation.1_lowered:
.L_overlay_start_0:
0x88: {  	s2 =	sld [smem:$0x3FD9]  }
0x89: {  	s3 =	sld [smem:$0x3FFE];
	_ =	sdelay $0x1  }
0x8a: {  	s1 =	srdreg.scid  }
0x8b: {  	s0 =	sand.u32 $0x1, s1  }
0x8c: {  	s14 =	sshll.u32 s0, $0xA;
	s2 =	sadd.s32 s3, s2  }
0x8d: {  	s2 =	sadd.s32 s2, s14  }
0x8e: {  	[smem:$0x3FC2] =	sst s2  }
0x8f: {  	_ = 	snop  }
0x90: {  	s2 =	sld [smem:$0x3FD0];
	_ =	sdelay $0x2  }
0x91: {  	s15 =	simm.s32 $0xA;
	s4 =	simm.s32 $0x10  }
0x92: {  	[smem:s4], [sflag:s15] =	dma.local [hbm:s2], $0x1  }
0x93: {  	_ =	swait.eq [sflag:s15], $0x1  }
0x94: {  	[sflag:s15] =	ssyncset.done $0x0  }
0x95: {  	s16 =	sld [smem:$0x10];
	[sflag:s15] =	ssyncadd.s32 $0xFFFFFFFF  }
0x96: {  	s17 =	sld [smem:$0x11];
	(tm) =	ssettm $0x1  }
0x97: {  	s18 =	sld [smem:$0x3FFB];
	_ =	sdelay $0x3  }
0x98: {  	_ =	strace s18  }
0x99: {  	s4 =	sld [smem:$0x3FFC];
	_ =	sdelay $0x3  }
0x9a: {  	_ =	strace s4  }
0x9b: {  	s4 =	sld [smem:$0x3FFD];
	_ =	sdelay $0x3  }
0x9c: {  	_ =	strace s4  }
0x9d: {  	_ =	strace $0x8FFFFFFF  }
0x9e: {  	s19 =	sld [smem:$0x3FDB];
	_ =	sdelay $0x1  }
0x9f: {  	s5 =	simm.s32 $_scs_section_size  }
0xa0: {  	s6 =	simm.s32 $_size__tile_overlayer_lowered;
	s7 =	simm.s32 $_tile_overlayer_lowered  }
0xa1: {  	s22 =	simm.s32 $0x1BFF;
	s21 =	sshll.u32 s7, $0x1;
	s4 =	sadd.s32 s5, s19  }
0xa2: {  	s8 =	simm.s32 $0x0;
	s20 =	sshll.u32 s6, $0x1;
	s6 =	sadd.s32 s21, s4  }
0xa3: {  	[timem:s8], [sflag:s22] =	dma.local [hbm:s6], s20  }
0xa4: {  	_ =	swait.ge [sflag:s22], s20  }
0xa5: {  	s5 =	ssub.s32 $0x0, s20;
	[sflag:s22] =	ssyncset.done $0x0  }
0xa6: {  	[sflag:s22] =	ssyncadd.s32 s5;
	_ =	sdelay $0x1  }
0xa7: {  	s23 =	simm.s32 $0x1B8B  }
0xa8: {  	_ =	swait.ge [sflag:s23], $0x1  }
0xa9: {  	[sflag:s23] =	ssyncset.done $0x0  }
0xaa: {  	s25 =	simm.s32 $0x1B8E;
	s24 =	sld [smem:$0x3FFE];
	[sflag:s23] =	ssyncadd.s32 $0xFFFFFFFF  }
0xab: {  	s26 =	simm.s32 $execute0_lowered;
	[smem:$0x3FD2] =	sst s25  }
0xac: {  	s6 =	sshll.u32 s26, $0x1;
	_ =	strace $0x80000049;
	[dreg:$0x1] =	wrdreg $0xFFFFFFFF  }
0xad: {  	s28 =	simm.s32 $_size_execute0_lowered;
	s4 =	sadd.s32 s4, s6;
	[dreg:$0x0] =	wrdreg $0x0  }
0xae: {  	s6 =	sshll.u32 s28, $0x1;
	[dreg:$0x2] =	wrdreg s4  }
0xaf: {  	[dreg:$0x3] =	wrdreg s6  }
0xb0: {  	[dreg:$0x4] =	wrdreg $0xC0  }
0xb1: {  	_ =	task [dreg:s8], $0x5FFFF  }
0xb2: {  	[dreg:$0x1] =	wrdreg $0xFFFFFFFF  }
0xb3: {  	[dreg:$0x0] =	wrdreg $0x60  }
0xb4: {  	[dreg:$0x2] =	wrdreg s24  }
0xb5: {  	[dreg:$0x3] =	wrdreg s17  }
0xb6: {  	[dreg:$0x4] =	wrdreg s16  }
0xb7: {  	[dreg:$0x5] =	wrdreg $0x9  }
0xb8: {  	_ =	task.clear_ibuf [dreg:s8], $0x6FFFF;
	_ =	strace $0x90000049  }
0xb9: {  	s29 =	simm.s32 $0x9;
	_ =	strace $0x8000004B  }
0xba: {  	_ =	swait.ge [sflag:s29], $0x1  }
0xbb: {  	[sflag:s29] =	ssyncadd.s32 $0xFFFFFFFF  }
0xbc: {  	_ =	strace $0x9000004B  }
0xbd: {  	_ =	sfence  }
0xbe: {  	s30 =	sld [smem:$0x0];
	_ =	sdelay $0x2  }
0xbf: {  	s31 =	sshll.u32 s1, $0xD;
	s1 =	sshrl.u32 s1, $0x2  }
0xc0: {  	s3 =	sand.u32 $0x4000, s31;
	s1 =	sadd.s32 s1, s30  }
0xc1: {  	s0 =	sor.u32 s3, s0;
	s1 =	sshll.u32 s1, $0x11  }
0xc2: {  	s0 =	sor.u32 s1, s0  }
0xc3: {  	s0 =	sadd.s32 $0x8F2B, s0  }
0xc4: {  	[sflag:s0] =	ssyncadd.remote.s32 $0x1  }
0xc5: {  	_ =	sfence.sel $0xFFFF  }
0xc6: {  	[dreg:$0x0] =	wrdreg $0xFFFFFFFF;
	(pc) =	sbr.abs _section_cstart, $3  }
0xc7: {  	[dreg:$0x1] =	wrdreg $0xFFFFFFFF  }
0xc8: {  	_ =	task.clear_ibuf [dreg:s8], $0x2FFFF;
	_ =	strace $0x9FFFFFFF  }
0xc9: {  	(tm) =	ssettm $0x7FFFFFFF  }
tec
execute0_lowered:
.L_overlay_start_1:
0x0: {  	(tag) =	ssettag $0x1  }
0x1: {  	s3 =	rddreg [dreg:$0x0]  }
0x2: {  	s4 =	rddreg [dreg:$0x1];
	s1 =	srdreg.scid  }
0x3: {  	s0 =	stileid.u32;
	s6 =	rddreg [dreg:$0x2]  }
0x4: {  	s2 =	simm.s32 $0x0;
	s5 =	sand.u32 $0x1, s1;
	s1 =	rddreg [dreg:$0x3]  }
0x5: {  	s7 =	sshll.u32 s0, $0x1;
	[smem:$0x7FF] =	sst s2  }
0x6: {  	p0 =	seq.s32 s0, $0xF;
	s12 =	sor.u32 s5, s7;
	_ =	strace $0x8000004A  }
0x7: {  	s5 =	ssub.s32 $0x2, s5;
	s7 =	smul.u32 $0x680, s12;
	s8 =	sshll.u32 s12, $0x4  }
0x8: {  	s31 =	sshrl.u32 s5, $0x1;
	s13 =	smul.u32 $0x68, s12;
	p1 =	sne.s32 s12, $0x1E  }
.Ltmp0:
0x9: {  	s12 =	simm.s32 $0x6880;
	s10 =	sadd.s32 s8, s3;
	(pc) =	sbr.rel .LBB2_1-.Ltmp0, $4  }
0xa: {  	s11 =	ssub.s32 s5, s31;
	s4 =	sadd.s32 s4, s8;
	s9 =	sadd.s32 s7, s3  }
0xb: {  	s5 =	sadd.s32 s6, s7;
	s6 =	sadd.s32 $0xC300, s6;
	s7 =	sadd.s32 $0xE600, s10  }
0xc: {  	s8 =	smax.u32 s11, $0x1;
	s10 =	simm.s32 $0x3400;
	s11 =	simm.s32 $0x3480  }
0xd: {  	v1 =	vimm.s32 $0x0;
	v2 =	vlaneseq.u32;
	v0 =	vmov s13;
	s13 =	simm.s32 $0x0;
	s3 =	sadd.s32 $0x1600, s9;
	s9 =	simm.s32 $0x1  }
.LBB2_11:
0xe: {  	s14 =	simm.s32 @!p0 $0x0;
	s15 =	simm.s32 @!p0 $0x3480  }
0xf: {  	[hbm4b:s5+s14] =	stream.linear.scatter @!p0 [tilespmem:s15], [sflag:$0x1], $0x3400, $0x38;
	[tilespmem:$0x6900] =	vst v63  }
0x10: {  	s14 =	simm.s32 @!p0 $0x1  }
0x11: {  	_ =	swait.ge @!p0 [sflag:s14], $0x3400  }
0x12: {  	[sflag:s14] =	ssyncset.done @!p0 $0x0  }
0x13: {  	s15 =	simm.s32 @!p1 $0x3480;
	[sflag:s14] =	ssyncadd.s32 @!p0 $0xFFFFCC00;
	s14 =	simm.s32 @!p1 $0x0  }
0x14: {  	[hbm4b:s6+s14] =	stream.linear.scatter @!p1 [tilespmem:s15], [sflag:$0x1], $0x2800, $0x38;
	[tilespmem:$0x6900] =	vst v63  }
0x15: {  	s14 =	simm.s32 @!p1 $0x1  }
0x16: {  	s13 =	sadd.s32 $0x1, s13;
	_ =	swait.ge @!p1 [sflag:s14], $0x2800  }
0x17: {  	p2 =	sne.s32 s13, s8;
	[sflag:s14] =	ssyncset.done @!p1 $0x0  }
.Ltmp1:
0x18: {  	[sflag:s14] =	ssyncadd.s32 @!p1 $0xFFFFD800;
	(pc) =	sbr.rel @!p2 .LBB2_12-.Ltmp1, $4  }
0x19: {  	[hbm4b:s7+s2] =	stream.linear.scatter [tilespmem:s12], [sflag:$0x1], $0x80, $0x38;
	[tilespmem:$0x6900] =	vst v63  }
0x1a: {  	_ =	swait.ge [sflag:s9], $0x80  }
0x1b: {  	[sflag:s9] =	ssyncset.done $0x0  }
0x1c: {  	[sflag:s9] =	ssyncadd.s32 $0xFFFFFF80  }
.LBB2_1:
0x1d: {  	[tilespmem:s2], [sflag:$0x1] =	stream.linear.gather [hbm4b:s3+s2], $0x3400, $0x38;
	[tilespmem:$0x6900] =	vst v63  }
0x1e: {  	_ =	swait.ge [sflag:s9], $0x3400  }
0x1f: {  	[sflag:s9] =	ssyncset.done $0x0  }
0x20: {  	[sflag:s9] =	ssyncadd.s32 $0xFFFFCC00  }
0x21: {  	[tilespmem:s10], [sflag:$0x1] =	stream.linear.gather [hbm4b:s4+s2], $0x80, $0x38;
	[tilespmem:$0x6900] =	vst v63  }
0x22: {  	_ =	swait.ge [sflag:s9], $0x80  }
0x23: {  	[sflag:s9] =	ssyncset.done $0x0  }
0x24: {  	s15 =	simm.s32 $0x0;
	s14 =	simm.s32 $0x200;
	[sflag:s9] =	ssyncadd.s32 $0xFFFFFF80  }
.LBB2_2:
0x25: {  	p2 =	sne.s32 s14, $0xCE00;
	[tilespmem:s15+$0x34F0] =	vst v1  }
0x26: {  	[tilespmem:s15+$0x3480] =	vst v1  }
0x27: {  	[tilespmem:s15+$0x3490] =	vst v1  }
.Ltmp2:
0x28: {  	[tilespmem:s15+$0x34A0] =	vst v1;
	(pc) =	sbr.rel @p2 .LBB2_2-.Ltmp2, $4  }
0x29: {  	[tilespmem:s15+$0x34B0] =	vst v1  }
0x2a: {  	[tilespmem:s15+$0x34C0] =	vst v1  }
0x2b: {  	[tilespmem:s15+$0x34D0] =	vst v1  }
0x2c: {  	[tilespmem:s15+$0x34E0] =	vst v1;
	s15 =	sshra.s32 s14, $0x2;
	s14 =	sadd.s32 $0x200, s14  }
0x2d: {  	[tilespmem:s15+$0x34F0] =	vst v1  }
0x2e: {  	[tilespmem:s15+$0x3480] =	vst v1  }
0x2f: {  	[tilespmem:s15+$0x3490] =	vst v1  }
.Ltmp3:
0x30: {  	[tilespmem:s15+$0x34A0] =	vst v1;
	(pc) =	sbr.rel .LBB2_4-.Ltmp3, $4  }
0x31: {  	[tilespmem:s15+$0x34B0] =	vst v1  }
0x32: {  	[tilespmem:s15+$0x34C0] =	vst v1  }
0x33: {  	[tilespmem:s15+$0x34D0] =	vst v1  }
0x34: {  	s14 =	simm.s32 $0x0;
	[tilespmem:s15+$0x34E0] =	vst v1  }
.LBB2_10:
0x35: {  	s14 =	sadd.s32 $0x1, s14  }
0x36: {  	p2 =	sne.s32 s14, $0x7  }
.Ltmp4:
0x37: {  	_ = 	snop;
	(pc) =	sbr.rel @!p2 .LBB2_11-.Ltmp4, $1  }
0x38: {  	_ =	sdelay $0x3  }
.LBB2_4:
0x39: {  	s15 =	sshll.u32 s14, $0x4  }
0x3a: {  	v3 =	vld [tilespmem:s15+$0x3400]  }
0x3b: {  	v4 =	vor.u32 s15, v2  }
0x3c: {  	v5 =	vadd.s32 v0, v4  }
0x3d: {  	vm0 =	vlt.u32 v4, $0x68;
	vm1 =	vlt.u32 v5, $0xC80  }
0x3e: {  	vm0 =	vmand vm0, vm1  }
0x3f: {  	v4 =	vnsel vm0, $0x0, v3  }
0x40: {  	v3 =	vxor.u32 $0x80000000, v4  }
0x41: {  	(xrf0) =	vmax.scan.msk.u32 $0xffff, v3;
	_ =	sdelay $0x5  }
0x42: {  	v5, _, _ =	vpop (xrf0)  }
0x43: {  	(v2sf) =	vpush v5, $0xF;
	_ =	sdelay $0xe  }
0x44: {  	s16 =	spop (v2sf)  }
0x45: {  	p2 =	slt.u32 s16, $0x80000001  }
.Ltmp5:
0x46: {  	_ = 	snop;
	(pc) =	sbr.rel @p2 .LBB2_10-.Ltmp5, $4  }
.Ltmp6:
0x47: {  	_ = 	snop;
	(pc) =	sbr.rel @!p2 .LBB2_5-.Ltmp6, $4  }
0x48: {  	vm0 =	vlt.s32 v4, $0x80  }
0x49: {  	v4 =	vnsel vm0, $0x80, v4  }
0x4a: {  	[tilespmem:s15+$0x6880] =	vst v4;
	s16 =	simm.s32 $0x0  }
0x4b: {  	_ = 	snop  }
.LBB2_8:
0x4c: {  	s20 =	sadd.s32 $0x80000000, s21  }
0x4d: {  	v6 =	vmov s20  }
0x4e: {  	v6 =	vadd.s32 $0xFFFFFFFF, v6  }
0x4f: {  	v6 =	vbroadcast v6, $0x0  }
0x50: {  	v7, _, _ =	vpop (xrf0)  }
0x51: {  	v6 =	vadd.s32 v7, v6;
	v7 =	vxor.u32 $0x80000000, v7  }
0x52: {  	vm0 =	veq.s32 v5, $0x1;
	vm1 =	vlt.s32 v6, $0x80;
	v5 =	vand.u32 $0xFFFFFF80, v6;
	(xrf0) =	vmax.scan.msk.u32 $0xffff, v7  }
0x53: {  	v6 =	vand.u32 $0x7F, v6;
	vm0 =	vmand vm1, vm0;
	v5 =	vadd.s32 v4, v5  }
0x54: {  	v5 =	vor.u32 v6, v5;
	_ =	sdelay $0x2  }
0x55: {  	s18 =	sadd.s32 $0x40, s18  }
0x56: {  	v50 =	vor.u32 s18, v2;
	v7, _, _ =	vpop (xrf0)  }
0x57: {  	[tilespmem:v5+s11+$0x0] =	vst.idx.msk vm0, v50;
	(v2sf) =	vpush v7, $0xF  }
0x58: {  	v5 =	vld [tilespmem:s17+$0x10];
	_ =	sdelay $0x4  }
0x59: {  	v5 =	vshrl.u32 v5, s19  }
0x5a: {  	v5 =	vand.u32 $0x1, v5  }
0x5b: {  	(xrf0) =	vadd.scan.msk.s32 $0xffff, v5;
	_ =	sdelay $0x5  }
0x5c: {  	v51, _, _ =	vpop (xrf0)  }
0x5d: {  	v52 =	vxor.u32 $0x80000000, v51;
	s24 =	spop (v2sf)  }
0x5e: {  	s20 =	sadd.s32 s24, s20;
	(xrf0) =	vmax.scan.msk.u32 $0xffff, v52  }
0x5f: {  	s20 =	sadd.s32 $0x80000000, s20  }
0x60: {  	v53 =	vmov s20  }
0x61: {  	v7 =	vadd.s32 $0xFFFFFFFF, v53  }
0x62: {  	v7 =	vbroadcast v7, $0x0;
	_ =	sdelay $0x1  }
0x63: {  	vm10 =	veq.s32 v5, $0x1;
	v5 =	vadd.s32 v51, v7;
	v54, _, _ =	vpop (xrf0)  }
0x64: {  	vm11 =	vlt.s32 v5, $0x80;
	v7 =	vand.u32 $0xFFFFFF80, v5;
	(v2sf) =	vpush v54, $0xF  }
0x65: {  	v5 =	vand.u32 $0x7F, v5;
	vm0 =	vmand vm11, vm10;
	v55 =	vadd.s32 v4, v7  }
0x66: {  	v5 =	vor.u32 v5, v55;
	_ =	sdelay $0x2  }
0x67: {  	s25 =	sadd.s32 $0x10, s18  }
0x68: {  	v56 =	vor.u32 s25, v2  }
0x69: {  	[tilespmem:v5+s11+$0x0] =	vst.idx.msk vm0, v56  }
0x6a: {  	v5 =	vld [tilespmem:s17+$0x20];
	_ =	sdelay $0x4  }
0x6b: {  	v5 =	vshrl.u32 v5, s19  }
0x6c: {  	v5 =	vand.u32 $0x1, v5  }
0x6d: {  	s26 =	spop (v2sf);
	(xrf0) =	vadd.scan.msk.s32 $0xffff, v5  }
0x6e: {  	s20 =	sadd.s32 s26, s20  }
0x6f: {  	s20 =	sadd.s32 $0x80000000, s20  }
0x70: {  	v57 =	vmov s20  }
0x71: {  	v6 =	vadd.s32 $0xFFFFFFFF, v57  }
0x72: {  	v6 =	vbroadcast v6, $0x0  }
0x73: {  	v58, _, _ =	vpop (xrf0)  }
0x74: {  	v6 =	vadd.s32 v58, v6  }
0x75: {  	vm12 =	veq.s32 v5, $0x1;
	vm13 =	vlt.s32 v6, $0x80;
	v5 =	vand.u32 $0xFFFFFF80, v6  }
0x76: {  	v6 =	vand.u32 $0x7F, v6;
	vm0 =	vmand vm13, vm12;
	v5 =	vadd.s32 v4, v5  }
0x77: {  	v5 =	vor.u32 v6, v5;
	_ =	sdelay $0x2  }
0x78: {  	s28 =	sadd.s32 $0x20, s18  }
0x79: {  	v59 =	vor.u32 s28, v2  }
0x7a: {  	v7 =	vxor.u32 $0x80000000, v58;
	[tilespmem:v5+s11+$0x0] =	vst.idx.msk vm0, v59  }
0x7b: {  	(xrf0) =	vmax.scan.msk.u32 $0xffff, v7;
	v5 =	vld [tilespmem:s17+$0x30];
	_ =	sdelay $0x4  }
0x7c: {  	v5 =	vshrl.u32 v5, s19  }
0x7d: {  	v60, _, _ =	vpop (xrf0);
	v5 =	vand.u32 $0x1, v5  }
0x7e: {  	(v2sf) =	vpush v60, $0xF;
	(xrf0) =	vadd.scan.msk.s32 $0xffff, v5;
	_ =	sdelay $0x5  }
0x7f: {  	v61, _, _ =	vpop (xrf0)  }
0x80: {  	v62 =	vxor.u32 $0x80000000, v61  }
0x81: {  	(xrf0) =	vmax.scan.msk.u32 $0xffff, v62;
	_ =	sdelay $0x5  }
0x82: {  	v7, _, _ =	vpop (xrf0)  }
0x83: {  	s29 =	spop (v2sf);
	(v2sf) =	vpush v7, $0xF  }
0x84: {  	s17 =	sadd.s32 s29, s20  }
0x85: {  	s17 =	sadd.s32 $0x80000000, s17  }
0x86: {  	v63 =	vmov s17  }
0x87: {  	v7 =	vadd.s32 $0xFFFFFFFF, v63  }
0x88: {  	v7 =	vbroadcast v7, $0x0;
	_ =	sdelay $0x1  }
0x89: {  	v6 =	vadd.s32 v61, v7  }
0x8a: {  	vm14 =	veq.s32 v5, $0x1;
	vm15 =	vlt.s32 v6, $0x80;
	v5 =	vand.u32 $0xFFFFFF80, v6  }
0x8b: {  	v6 =	vand.u32 $0x7F, v6;
	vm0 =	vmand vm15, vm14;
	v4 =	vadd.s32 v4, v5  }
0x8c: {  	v4 =	vor.u32 v6, v4;
	_ =	sdelay $0x2  }
0x8d: {  	s30 =	sadd.s32 $0x30, s18  }
0x8e: {  	v5 =	vor.u32 s30, v2  }
0x8f: {  	[tilespmem:v4+s11+$0x0] =	vst.idx.msk vm0, v5;
	s31 =	spop (v2sf)  }
.LBB2_9:
0x90: {  	s16 =	sadd.s32 $0x1, s16  }
0x91: {  	p2 =	sne.s32 s16, $0x10  }
.Ltmp7:
0x92: {  	_ = 	snop;
	(pc) =	sbr.rel @!p2 .LBB2_10-.Ltmp7, $1  }
0x93: {  	_ =	sdelay $0x3  }
.LBB2_5:
0x94: {  	v4 =	vmov s16  }
0x95: {  	vm0 =	veq.s32 v4, v2  }
0x96: {  	v4 =	vnsel vm0, $0x80000000, v3  }
0x97: {  	(xrf0) =	vmax.scan.msk.u32 $0xffff, v4;
	_ =	sdelay $0x5  }
0x98: {  	v4, _, _ =	vpop (xrf0)  }
0x99: {  	(v2sf) =	vpush v4, $0xF;
	_ =	sdelay $0xe  }
0x9a: {  	s17 =	spop (v2sf)  }
0x9b: {  	p2 =	slt.u32 s17, $0x80000001  }
.Ltmp8:
0x9c: {  	_ = 	snop;
	(pc) =	sbr.rel @p2 .LBB2_9-.Ltmp8, $1  }
0x9d: {  	_ =	sdelay $0x3  }
0x9e: {  	s17 =	sor.u32 s15, s16  }
0x9f: {  	s19 =	sshll.u32 s17, $0x7  }
0xa0: {  	s17 =	sand.u32 $0x3FFFFF80, s19  }
0xa1: {  	v4 =	vld [tilespmem:s17+$0x0];
	_ =	sdelay $0x3  }
0xa2: {  	s18 =	simm.s32 $0x0  }
0xa3: {  	v4 =	vshrl.u32 v4, s18  }
0xa4: {  	v5 =	vand.u32 $0x1, v4  }
0xa5: {  	(xrf0) =	vadd.scan.msk.s32 $0xffff, v5;
	_ =	sdelay $0x2  }
0xa6: {  	v4 =	vmov s18  }
0xa7: {  	v4 =	vadd.s32 $0xFFFFFFFF, v4  }
0xa8: {  	v6 =	vbroadcast v4, $0x0  }
0xa9: {  	v7, _, _ =	vpop (xrf0)  }
0xaa: {  	vm0 =	veq.s32 v5, $0x1;
	v6 =	vadd.s32 v7, v6;
	v7 =	vxor.u32 $0x80000000, v7  }
0xab: {  	v4 =	vmov s19;
	vm1 =	vlt.s32 v6, $0x80;
	v5 =	vand.u32 $0xFFFFFF80, v6;
	(xrf0) =	vmax.scan.msk.u32 $0xffff, v7  }
0xac: {  	v6 =	vand.u32 $0x7F, v6;
	vm0 =	vmand vm1, vm0;
	v5 =	vadd.s32 v4, v5  }
0xad: {  	v5 =	vor.u32 v6, v5;
	_ =	sdelay $0x3  }
0xae: {  	v6 =	vor.u32 s18, v2;
	v7, _, _ =	vpop (xrf0)  }
0xaf: {  	[tilespmem:v5+s11+$0x0] =	vst.idx.msk vm0, v6;
	(v2sf) =	vpush v7, $0xF  }
0xb0: {  	v5 =	vld [tilespmem:s17+$0x10];
	_ =	sdelay $0x4  }
0xb1: {  	v5 =	vshrl.u32 v5, s18  }
0xb2: {  	v5 =	vand.u32 $0x1, v5  }
0xb3: {  	(xrf0) =	vadd.scan.msk.s32 $0xffff, v5;
	_ =	sdelay $0x5  }
0xb4: {  	v6, _, _ =	vpop (xrf0)  }
0xb5: {  	v7 =	vxor.u32 $0x80000000, v6;
	s26 =	spop (v2sf)  }
0xb6: {  	s19 =	sadd.s32 $0x0, s26;
	(xrf0) =	vmax.scan.msk.u32 $0xffff, v7  }
0xb7: {  	s19 =	sadd.s32 $0x80000000, s19  }
0xb8: {  	v7 =	vmov s19  }
0xb9: {  	v7 =	vadd.s32 $0xFFFFFFFF, v7  }
0xba: {  	v7 =	vbroadcast v7, $0x0;
	_ =	sdelay $0x1  }
0xbb: {  	vm10 =	veq.s32 v5, $0x1;
	v5 =	vadd.s32 v6, v7;
	v6, _, _ =	vpop (xrf0)  }
0xbc: {  	vm11 =	vlt.s32 v5, $0x80;
	v7 =	vand.u32 $0xFFFFFF80, v5;
	(v2sf) =	vpush v6, $0xF  }
0xbd: {  	v5 =	vand.u32 $0x7F, v5;
	vm0 =	vmand vm11, vm10;
	v6 =	vadd.s32 v4, v7  }
0xbe: {  	v5 =	vor.u32 v5, v6;
	_ =	sdelay $0x2  }
0xbf: {  	s20 =	simm.s32 $0x10  }
0xc0: {  	v6 =	vor.u32 s20, v2  }
0xc1: {  	[tilespmem:v5+s11+$0x0] =	vst.idx.msk vm0, v6  }
0xc2: {  	v5 =	vld [tilespmem:s17+$0x20];
	_ =	sdelay $0x4  }
0xc3: {  	v5 =	vshrl.u32 v5, s18  }
0xc4: {  	v5 =	vand.u32 $0x1, v5  }
0xc5: {  	s28 =	spop (v2sf);
	(xrf0) =	vadd.scan.msk.s32 $0xffff, v5  }
0xc6: {  	s19 =	sadd.s32 s28, s19  }
0xc7: {  	s19 =	sadd.s32 $0x80000000, s19  }
0xc8: {  	v6 =	vmov s19  }
0xc9: {  	v6 =	vadd.s32 $0xFFFFFFFF, v6  }
0xca: {  	v6 =	vbroadcast v6, $0x0  }
0xcb: {  	v7, _, _ =	vpop (xrf0)  }
0xcc: {  	vm12 =	veq.s32 v5, $0x1;
	v6 =	vadd.s32 v7, v6  }
0xcd: {  	v7 =	vxor.u32 $0x80000000, v7;
	vm13 =	vlt.s32 v6, $0x80;
	v5 =	vand.u32 $0xFFFFFF80, v6  }
0xce: {  	(xrf0) =	vmax.scan.msk.u32 $0xffff, v7;
	v6 =	vand.u32 $0x7F, v6;
	vm0 =	vmand vm13, vm12;
	v5 =	vadd.s32 v4, v5  }
0xcf: {  	v5 =	vor.u32 v6, v5;
	_ =	sdelay $0x2  }
0xd0: {  	s29 =	simm.s32 $0x20  }
0xd1: {  	v6 =	vor.u32 s29, v2  }
0xd2: {  	v7, _, _ =	vpop (xrf0);
	[tilespmem:v5+s11+$0x0] =	vst.idx.msk vm0, v6  }
0xd3: {  	(v2sf) =	vpush v7, $0xF;
	v5 =	vld [tilespmem:s17+$0x30];
	_ =	sdelay $0x4  }
0xd4: {  	v5 =	vshrl.u32 v5, s18  }
0xd5: {  	v5 =	vand.u32 $0x1, v5  }
0xd6: {  	(xrf0) =	vadd.scan.msk.s32 $0xffff, v5;
	_ =	sdelay $0x5  }
0xd7: {  	v6, _, _ =	vpop (xrf0)  }
0xd8: {  	v7 =	vxor.u32 $0x80000000, v6  }
0xd9: {  	s30 =	spop (v2sf);
	(xrf0) =	vmax.scan.msk.u32 $0xffff, v7  }
0xda: {  	s19 =	sadd.s32 s30, s19  }
0xdb: {  	s20 =	sadd.s32 $0x80000000, s19  }
0xdc: {  	v7 =	vmov s20  }
0xdd: {  	v7 =	vadd.s32 $0xFFFFFFFF, v7  }
0xde: {  	v7 =	vbroadcast v7, $0x0  }
0xdf: {  	v8, _, _ =	vpop (xrf0)  }
0xe0: {  	v6 =	vadd.s32 v6, v7;
	(v2sf) =	vpush v8, $0xF  }
0xe1: {  	vm14 =	veq.s32 v5, $0x1;
	vm15 =	vlt.s32 v6, $0x80;
	v5 =	vand.u32 $0xFFFFFF80, v6  }
0xe2: {  	v6 =	vand.u32 $0x7F, v6;
	vm0 =	vmand vm15, vm14;
	v5 =	vadd.s32 v4, v5  }
0xe3: {  	v5 =	vor.u32 v6, v5;
	_ =	sdelay $0x2  }
0xe4: {  	s31 =	simm.s32 $0x30  }
0xe5: {  	v6 =	vor.u32 s31, v2  }
0xe6: {  	[tilespmem:v5+s11+$0x0] =	vst.idx.msk vm0, v6  }
0xe7: {  	v5 =	vld [tilespmem:s17+$0x0];
	_ =	sdelay $0x3  }
0xe8: {  	s19 =	simm.s32 $0x1  }
0xe9: {  	v5 =	vshrl.u32 v5, s19  }
0xea: {  	v5 =	vand.u32 $0x1, v5;
	s21 =	spop (v2sf)  }
0xeb: {  	s22 =	simm.s32 $0x2;
	(xrf0) =	vadd.scan.msk.s32 $0xffff, v5;
	s21 =	sadd.s32 s21, s20  }
.LBB2_7:
0xec: {  	s23 =	sadd.s32 $0x80000000, s21  }
0xed: {  	s18 =	sadd.s32 $0x40, s18;
	s21 =	smov.u32 s22;
	s20 =	sadd.s32 $0x1, s22  }
0xee: {  	p2 =	sne.s32 s22, $0xF;
	v6 =	vmov s23  }
0xef: {  	v6 =	vadd.s32 $0xFFFFFFFF, v6  }
0xf0: {  	v6 =	vbroadcast v6, $0x0  }
0xf1: {  	v7, _, _ =	vpop (xrf0)  }
0xf2: {  	v6 =	vadd.s32 v7, v6;
	v7 =	vxor.u32 $0x80000000, v7  }
0xf3: {  	vm0 =	veq.s32 v5, $0x1;
	vm1 =	vlt.s32 v6, $0x80;
	v5 =	vand.u32 $0xFFFFFF80, v6;
	(xrf0) =	vmax.scan.msk.u32 $0xffff, v7  }
0xf4: {  	v6 =	vand.u32 $0x7F, v6;
	vm0 =	vmand vm1, vm0;
	v5 =	vadd.s32 v4, v5  }
0xf5: {  	v5 =	vor.u32 v6, v5;
	_ =	sdelay $0x3  }
0xf6: {  	v6 =	vor.u32 s18, v2;
	v7, _, _ =	vpop (xrf0)  }
0xf7: {  	[tilespmem:v5+s11+$0x0] =	vst.idx.msk vm0, v6;
	(v2sf) =	vpush v7, $0xF  }
0xf8: {  	v5 =	vld [tilespmem:s17+$0x10];
	_ =	sdelay $0x4  }
0xf9: {  	v5 =	vshrl.u32 v5, s19  }
0xfa: {  	v5 =	vand.u32 $0x1, v5  }
0xfb: {  	(xrf0) =	vadd.scan.msk.s32 $0xffff, v5;
	_ =	sdelay $0x5  }
0xfc: {  	v6, _, _ =	vpop (xrf0)  }
0xfd: {  	v7 =	vxor.u32 $0x80000000, v6;
	s22 =	spop (v2sf)  }
0xfe: {  	s22 =	sadd.s32 s22, s23;
	(xrf0) =	vmax.scan.msk.u32 $0xffff, v7  }
0xff: {  	s22 =	sadd.s32 $0x80000000, s22  }
0x100: {  	v7 =	vmov s22  }
0x101: {  	v7 =	vadd.s32 $0xFFFFFFFF, v7  }
0x102: {  	v7 =	vbroadcast v7, $0x0;
	_ =	sdelay $0x1  }
0x103: {  	vm0 =	veq.s32 v5, $0x1;
	v5 =	vadd.s32 v6, v7;
	v6, _, _ =	vpop (xrf0)  }
0x104: {  	vm1 =	vlt.s32 v5, $0x80;
	v7 =	vand.u32 $0xFFFFFF80, v5;
	(v2sf) =	vpush v6, $0xF  }
0x105: {  	v5 =	vand.u32 $0x7F, v5;
	vm0 =	vmand vm1, vm0;
	v6 =	vadd.s32 v4, v7  }
0x106: {  	v5 =	vor.u32 v5, v6;
	_ =	sdelay $0x2  }
0x107: {  	s23 =	sadd.s32 $0x10, s18  }
0x108: {  	v6 =	vor.u32 s23, v2  }
0x109: {  	[tilespmem:v5+s11+$0x0] =	vst.idx.msk vm0, v6  }
0x10a: {  	v5 =	vld [tilespmem:s17+$0x20];
	_ =	sdelay $0x4  }
0x10b: {  	v5 =	vshrl.u32 v5, s19  }
0x10c: {  	v5 =	vand.u32 $0x1, v5  }
0x10d: {  	s23 =	spop (v2sf);
	(xrf0) =	vadd.scan.msk.s32 $0xffff, v5  }
0x10e: {  	s22 =	sadd.s32 s23, s22  }
0x10f: {  	s22 =	sadd.s32 $0x80000000, s22  }
0x110: {  	v6 =	vmov s22  }
0x111: {  	v6 =	vadd.s32 $0xFFFFFFFF, v6  }
0x112: {  	v6 =	vbroadcast v6, $0x0  }
0x113: {  	v7, _, _ =	vpop (xrf0)  }
0x114: {  	v6 =	vadd.s32 v7, v6;
	v7 =	vxor.u32 $0x80000000, v7  }
0x115: {  	vm0 =	veq.s32 v5, $0x1;
	vm1 =	vlt.s32 v6, $0x80;
	v5 =	vand.u32 $0xFFFFFF80, v6;
	(xrf0) =	vmax.scan.msk.u32 $0xffff, v7  }
0x116: {  	v6 =	vand.u32 $0x7F, v6;
	vm0 =	vmand vm1, vm0;
	v5 =	vadd.s32 v4, v5  }
0x117: {  	v5 =	vor.u32 v6, v5;
	_ =	sdelay $0x2  }
0x118: {  	s23 =	sadd.s32 $0x20, s18  }
0x119: {  	v6 =	vor.u32 s23, v2;
	v7, _, _ =	vpop (xrf0)  }
0x11a: {  	[tilespmem:v5+s11+$0x0] =	vst.idx.msk vm0, v6;
	(v2sf) =	vpush v7, $0xF  }
0x11b: {  	v5 =	vld [tilespmem:s17+$0x30];
	_ =	sdelay $0x4  }
0x11c: {  	v5 =	vshrl.u32 v5, s19;
	s19 =	smov.u32 s21  }
0x11d: {  	v5 =	vand.u32 $0x1, v5  }
0x11e: {  	(xrf0) =	vadd.scan.msk.s32 $0xffff, v5;
	_ =	sdelay $0x5  }
0x11f: {  	v6, _, _ =	vpop (xrf0)  }
0x120: {  	v7 =	vxor.u32 $0x80000000, v6;
	s21 =	spop (v2sf)  }
0x121: {  	s21 =	sadd.s32 s21, s22;
	(xrf0) =	vmax.scan.msk.u32 $0xffff, v7  }
0x122: {  	s21 =	sadd.s32 $0x80000000, s21  }
0x123: {  	v7 =	vmov s21  }
0x124: {  	v7 =	vadd.s32 $0xFFFFFFFF, v7  }
0x125: {  	v7 =	vbroadcast v7, $0x0;
	_ =	sdelay $0x1  }
0x126: {  	vm0 =	veq.s32 v5, $0x1;
	v5 =	vadd.s32 v6, v7;
	v6, _, _ =	vpop (xrf0)  }
0x127: {  	vm1 =	vlt.s32 v5, $0x80;
	v7 =	vand.u32 $0xFFFFFF80, v5;
	(v2sf) =	vpush v6, $0xF  }
0x128: {  	v5 =	vand.u32 $0x7F, v5;
	vm0 =	vmand vm1, vm0;
	v6 =	vadd.s32 v4, v7  }
0x129: {  	v5 =	vor.u32 v5, v6;
	_ =	sdelay $0x2  }
0x12a: {  	s22 =	sadd.s32 $0x30, s18  }
0x12b: {  	v6 =	vor.u32 s22, v2  }
0x12c: {  	[tilespmem:v5+s11+$0x0] =	vst.idx.msk vm0, v6  }
0x12d: {  	v5 =	vld [tilespmem:s17+$0x0];
	_ =	sdelay $0x3  }
.Ltmp9:
0x12e: {  	(pc) =	sbr.rel @p2 .LBB2_7-.Ltmp9, $4  }
0x12f: {  	v5 =	vshrl.u32 v5, s19  }
0x130: {  	v5 =	vand.u32 $0x1, v5  }
0x131: {  	(xrf0) =	vadd.scan.msk.s32 $0xffff, v5;
	s22 =	spop (v2sf)  }
0x132: {  	s21 =	sadd.s32 s22, s21;
	s22 =	smov.u32 s20  }
.Ltmp10:
0x133: {  	_ = 	snop;
	(pc) =	sbr.rel .LBB2_8-.Ltmp10, $1  }
0x134: {  	_ =	sdelay $0x3  }
.LBB2_12:
0x135: {  	_ =	sfence.sel $0x180000  }
0x136: {  	[bflag:$0x0] =	sbarrier.arrive $0xFFFF  }
0x137: {  	p0 =	sne.s32 s0, $0x0;
	_ =	strace $0x9000004A  }
0x138: {  	s0 =	sadd.s32 @!p0 $0x100000, s1;
	[bflag:$0x2] =	sbarrier.arrive $0xFFFF  }
0x139: {  	[sflag:s0] =	ssyncadd.tile.s32 @!p0 $0x1;
	_ =	shalt  }
.Lfunc_end2:
_tile_overlayer_lowered:
.L_overlay_start_2:
0x13a: {  	(tag) =	ssettag $0x2  }
0x13b: {  	s0 =	rddreg [dreg:$0x0];
	s2 =	stileid.u32  }
0x13c: {  	s1 =	rddreg [dreg:$0x1];
	p0 =	sne.s32 s2, $0x0  }
0x13d: {  	s3 =	rddreg [dreg:$0x2];
	[bflag:$0x3] =	sbarrier.arrive $0xFFFF;
	s2 =	simm.s32 @!p0 $0x1C01  }
0x13e: {  	[timem:s3], [sflag:s2] =	dma.local @!p0 [hbm:s0], s1  }
0x13f: {  	s0 =	simm.s32 @!p0 $0x1  }
0x140: {  	_ =	swait.ge @!p0 [sflag:s0], s1  }
0x141: {  	s1 =	ssub.s32 @!p0 $0x0, s1;
	[sflag:s0] =	ssyncset.done @!p0 $0x0  }
0x142: {  	[sflag:s0] =	ssyncadd.s32 @!p0 s1  }
0x143: {  	[bflag:$0x3] =	sbarrier.arrive $0xFFFF  }
0x144: {  	_ =	shalt  }

</sc_bundles>
